<compile_context>
chip_gen: v7x
topology: tpu7x:2x2x1
jax: 0.10.2.dev20260603
libtpu: 0.0.44.dev20260713+nightly
codegen_flags: <defaults>
</compile_context>

<pallas_src>
import functools

import jax
import jax.numpy as jnp
from jax import lax
from jax.experimental import pallas as pl
from jax.experimental.pallas import tpu as pltpu
from jax.experimental.pallas import tpu_sc as plsc

_NC = 2
_NS = 16
_NW = _NC * _NS
_L = 16
_RB = 40


@functools.partial(jax.jit, static_argnums=(2, 3))
def _lookup_call(table, data_t, n_rows, n_cols):
    cols_per_w = n_cols // _NW
    nblk = n_rows // _RB
    nslots = cols_per_w // _L
    mesh = plsc.VectorSubcoreMesh(core_axis_name="c", subcore_axis_name="s")

    @functools.partial(
        pl.kernel,
        mesh=mesh,
        out_type=jax.ShapeDtypeStruct((n_rows, n_cols), jnp.int32),
        scratch_types=[
            pltpu.VMEM((1000,), jnp.int32),
            pltpu.VMEM((_RB, cols_per_w), jnp.int32),
            pltpu.VMEM((_RB, cols_per_w), jnp.int32),
            pltpu.VMEM((_RB, cols_per_w), jnp.int32),
            pltpu.VMEM((_RB, cols_per_w), jnp.int32),
            pltpu.SemaphoreType.DMA,
            pltpu.SemaphoreType.DMA,
            pltpu.SemaphoreType.DMA,
            pltpu.SemaphoreType.DMA,
        ],
        compiler_params=pltpu.CompilerParams(
            needs_layout_passes=False,
            skip_device_barrier=True,
            disable_bounds_checks=True,
            disable_semaphore_checks=True,
        ),
    )
    def lookup(table_hbm, data_hbm, out_hbm, table_v, idx_v0, idx_v1,
               res_v0, res_v1, in_sem0, in_sem1, out_sem0, out_sem1):
        wid = lax.axis_index("s") * _NC + lax.axis_index("c")
        col0 = wid * cols_per_w
        idx_bufs = (idx_v0, idx_v1)
        res_bufs = (res_v0, res_v1)
        in_sems = (in_sem0, in_sem1)
        out_sems = (out_sem0, out_sem1)
        pltpu.sync_copy(table_hbm, table_v)

        in_h = {}
        out_h = {}
        in_h[0] = pltpu.async_copy(
            data_hbm.at[pl.ds(0, _RB), pl.ds(col0, cols_per_w)],
            idx_bufs[0], in_sems[0])
        for b in range(nblk):
            s = b % 2
            if b + 1 < nblk:
                in_h[b + 1] = pltpu.async_copy(
                    data_hbm.at[pl.ds((b + 1) * _RB, _RB),
                                pl.ds(col0, cols_per_w)],
                    idx_bufs[(b + 1) % 2], in_sems[(b + 1) % 2])
            in_h[b].wait()
            if b >= 2:
                out_h[b - 2].wait()

            @pl.loop(0, _RB)
            def row_body(r):
                ivs = [idx_bufs[s][r, pl.ds(c * _L, _L)]
                       for c in range(nslots)]
                tvs = [plsc.load_gather(table_v, [iv]) for iv in ivs]
                for c, tv in enumerate(tvs):
                    res_bufs[s][r, pl.ds(c * _L, _L)] = tv

            out_h[b] = pltpu.async_copy(
                res_bufs[s],
                out_hbm.at[pl.ds(b * _RB, _RB), pl.ds(col0, cols_per_w)],
                out_sems[s])
        for b in range(max(nblk - 2, 0), nblk):
            out_h[b].wait()

    return lookup(table, data_t)


def kernel(data, table):
    out_t = _lookup_call(table, data.T, data.shape[1], data.shape[0])
    return out_t.T

# --- scband reference (transcript-rebuilt; emitter-appended) ---
"""Pipeline reference for scband-simplify-class-73529840107661 (READ-ONLY COPY).

The authoritative reference and input builder live on the scoring server;
editing this copy changes nothing except your own understanding.
"""

import jax, jax.numpy as jnp
import numpy as np

NUM_SPECIAL = 4
NUM_PROGRAM = 129
NUM_DRUM = 128
NUM_NOTE = 128
NUM_TICK = 611
VOCAB = NUM_SPECIAL + NUM_PROGRAM + NUM_DRUM + NUM_NOTE + NUM_TICK  # 1000


def setup_inputs(seed: int = 0) -> dict:
    key = jax.random.key(seed)
    data = jax.random.randint(key, (16384, 200), 0, VOCAB, dtype=jnp.int32)
    # The 'learned' buffer: class-id lookup table, matches torch.LongTensor construction
    table = jnp.asarray(
        np.array(
            [0] * NUM_SPECIAL
            + [1] * NUM_PROGRAM
            + [2] * NUM_DRUM
            + [3] * NUM_NOTE
            + [4] * NUM_TICK,
            dtype=np.int32,
        )
    )
    return {"data": data, "table": table}


def reference(data, table):
    # self.simple_class[data] -> integer gather from the class table
    return jnp.take(table, data, axis=0)

if __name__ == "__main__":
    import jax
    _d = setup_inputs()
    print(jax.jit(kernel)(*tuple(_d.values())))

</pallas_src>

<mosaic_0001>
#map = affine_map<(d0, d1) -> (0)>
#map1 = affine_map<(d0, d1) -> (0, 0)>
module attributes {stable_mosaic.version = 14 : i64} {
  func.func @lookup(%arg0: i32, %arg1: i32, %arg2: memref<1000xi32, #tpu.memory_space<hbm>>, %arg3: memref<200x16384xi32, #tpu.memory_space<hbm>>, %arg4: memref<200x16384xi32, #tpu.memory_space<hbm>>, %arg5: memref<1000xi32, #tpu.memory_space<vmem>>, %arg6: memref<40x512xi32, #tpu.memory_space<vmem>>, %arg7: memref<40x512xi32, #tpu.memory_space<vmem>>, %arg8: memref<40x512xi32, #tpu.memory_space<vmem>>, %arg9: memref<40x512xi32, #tpu.memory_space<vmem>>, %arg10: memref<!tpu.dma_semaphore, #tpu.memory_space<semaphore_mem>>, %arg11: memref<!tpu.dma_semaphore, #tpu.memory_space<semaphore_mem>>, %arg12: memref<!tpu.dma_semaphore, #tpu.memory_space<semaphore_mem>>, %arg13: memref<!tpu.dma_semaphore, #tpu.memory_space<semaphore_mem>>) attributes {dimension_semantics = [#tpu.dimension_semantics<core_parallel>, #tpu.dimension_semantics<subcore_parallel>], iteration_bounds = array<i64: 2, 16>, scalar_prefetch = 0 : i64, scratch_operands = 9 : i64, tpu.core_type = #tpu.core_type<sc_vector_subcore>, window_params = [{transform_indices = #map}, {transform_indices = #map1}, {transform_indices = #map1}]} {
    %mul3A = arith.constant 2 : i32
    %mul3A_0 = arith.muli %arg1, %mul3A : i32
    %add3A = arith.addi %mul3A_0, %arg0 : i32
    %mul3A_1 = arith.constant 512 : i32
    %mul3A_2 = arith.muli %add3A, %mul3A_1 : i32
    "tpu.region"() ({
      %run_scoped3A = tpu.sem_alloc : memref<!tpu.dma_semaphore, #tpu.memory_space<semaphore_mem>>
      tpu.enqueue_dma source(%arg2 : memref<1000xi32, #tpu.memory_space<hbm>>) target(%arg5 : memref<1000xi32, #tpu.memory_space<vmem>>) target_semaphore(%run_scoped3A : memref<!tpu.dma_semaphore, #tpu.memory_space<semaphore_mem>>)
      tpu.wait_dma2 semaphore(%run_scoped3A : memref<!tpu.dma_semaphore, #tpu.memory_space<semaphore_mem>>) src(%arg2 : memref<1000xi32, #tpu.memory_space<hbm>>) dst(%arg5 : memref<1000xi32, #tpu.memory_space<vmem>>)
      tpu.yield
    }) : () -> ()
    %dma_start3A = arith.constant 0 : i32
    %dma_start3A_3 = tpu.memref_slice %arg3[%dma_start3A, %mul3A_2] : memref<200x16384xi32, #tpu.memory_space<hbm>> -> memref<40x512xi32, #tpu.memory_space<hbm>>
    %dma_start3A_4 = arith.constant 0 : i32
    %dma_start3A_5 = tpu.memref_slice %arg3[%dma_start3A_4, %mul3A_2] : memref<200x16384xi32, #tpu.memory_space<hbm>> -> memref<40x512xi32, #tpu.memory_space<hbm>>
    tpu.enqueue_dma source(%dma_start3A_5 : memref<40x512xi32, #tpu.memory_space<hbm>>) target(%arg6 : memref<40x512xi32, #tpu.memory_space<vmem>>) target_semaphore(%arg10 : memref<!tpu.dma_semaphore, #tpu.memory_space<semaphore_mem>>)
    %dma_start3A_6 = arith.constant 40 : i32
    %dma_start3A_7 = tpu.memref_slice %arg3[%dma_start3A_6, %mul3A_2] : memref<200x16384xi32, #tpu.memory_space<hbm>> -> memref<40x512xi32, #tpu.memory_space<hbm>>
    %dma_start3A_8 = arith.constant 40 : i32
    %dma_start3A_9 = tpu.memref_slice %arg3[%dma_start3A_8, %mul3A_2] : memref<200x16384xi32, #tpu.memory_space<hbm>> -> memref<40x512xi32, #tpu.memory_space<hbm>>
    tpu.enqueue_dma source(%dma_start3A_9 : memref<40x512xi32, #tpu.memory_space<hbm>>) target(%arg7 : memref<40x512xi32, #tpu.memory_space<vmem>>) target_semaphore(%arg11 : memref<!tpu.dma_semaphore, #tpu.memory_space<semaphore_mem>>)
    %dma_wait3A = arith.constant 0 : i32
    %dma_wait3A_10 = tpu.memref_slice %arg3[%dma_wait3A, %mul3A_2] : memref<200x16384xi32, #tpu.memory_space<hbm>> -> memref<40x512xi32, #tpu.memory_space<hbm>>
    %dma_wait3A_11 = arith.constant 0 : i32
    %dma_wait3A_12 = tpu.memref_slice %arg3[%dma_wait3A_11, %mul3A_2] : memref<200x16384xi32, #tpu.memory_space<hbm>> -> memref<40x512xi32, #tpu.memory_space<hbm>>
    tpu.wait_dma2 semaphore(%arg10 : memref<!tpu.dma_semaphore, #tpu.memory_space<semaphore_mem>>) src(%dma_wait3A_12 : memref<40x512xi32, #tpu.memory_space<hbm>>) dst(%arg6 : memref<40x512xi32, #tpu.memory_space<vmem>>)
    %scan3A = arith.constant 0 : i32
    %scan3A_13 = arith.constant 40 : i32
    %scan3A_14 = arith.addi %scan3A, %scan3A_13 : i32
    %scan3A_15 = arith.constant 1 : i32
    scf.for %scan3A_105 = %scan3A to %scan3A_14 step %scan3A_15  : i32 {
      %mul3A_106 = arith.constant 1 : i32
      %mul3A_107 = arith.muli %scan3A_105, %mul3A_106 : i32
      %add3A_108 = arith.constant 0 : i32
      %add3A_109 = arith.addi %add3A_108, %mul3A_107 : i32
      %get3A = arith.index_cast %add3A_109 : i32 to index
      %get3A_110 = arith.constant 0 : index
      %get3A_111 = tpu.vector_load %arg6[%get3A, %get3A_110] {strides = array<i32>} : memref<40x512xi32, #tpu.memory_space<vmem>>, vector<16xi32>,
      %get3A_112 = arith.index_cast %add3A_109 : i32 to index
      %get3A_113 = arith.constant 16 : index
      %get3A_114 = tpu.vector_load %arg6[%get3A_112, %get3A_113] {strides = array<i32>} : memref<40x512xi32, #tpu.memory_space<vmem>>, vector<16xi32>,
      %get3A_115 = arith.index_cast %add3A_109 : i32 to index
      %get3A_116 = arith.constant 32 : index
      %get3A_117 = tpu.vector_load %arg6[%get3A_115, %get3A_116] {strides = array<i32>} : memref<40x512xi32, #tpu.memory_space<vmem>>, vector<16xi32>,
      %get3A_118 = arith.index_cast %add3A_109 : i32 to index
      %get3A_119 = arith.constant 48 : index
      %get3A_120 = tpu.vector_load %arg6[%get3A_118, %get3A_119] {strides = array<i32>} : memref<40x512xi32, #tpu.memory_space<vmem>>, vector<16xi32>,
      %get3A_121 = arith.index_cast %add3A_109 : i32 to index
      %get3A_122 = arith.constant 64 : index
      %get3A_123 = tpu.vector_load %arg6[%get3A_121, %get3A_122] {strides = array<i32>} : memref<40x512xi32, #tpu.memory_space<vmem>>, vector<16xi32>,
      %get3A_124 = arith.index_cast %add3A_109 : i32 to index
      %get3A_125 = arith.constant 80 : index
      %get3A_126 = tpu.vector_load %arg6[%get3A_124, %get3A_125] {strides = array<i32>} : memref<40x512xi32, #tpu.memory_space<vmem>>, vector<16xi32>,
      %get3A_127 = arith.index_cast %add3A_109 : i32 to index
      %get3A_128 = arith.constant 96 : index
      %get3A_129 = tpu.vector_load %arg6[%get3A_127, %get3A_128] {strides = array<i32>} : memref<40x512xi32, #tpu.memory_space<vmem>>, vector<16xi32>,
      %get3A_130 = arith.index_cast %add3A_109 : i32 to index
      %get3A_131 = arith.constant 112 : index
      %get3A_132 = tpu.vector_load %arg6[%get3A_130, %get3A_131] {strides = array<i32>} : memref<40x512xi32, #tpu.memory_space<vmem>>, vector<16xi32>,
      %get3A_133 = arith.index_cast %add3A_109 : i32 to index
      %get3A_134 = arith.constant 128 : index
      %get3A_135 = tpu.vector_load %arg6[%get3A_133, %get3A_134] {strides = array<i32>} : memref<40x512xi32, #tpu.memory_space<vmem>>, vector<16xi32>,
      %get3A_136 = arith.index_cast %add3A_109 : i32 to index
      %get3A_137 = arith.constant 144 : index
      %get3A_138 = tpu.vector_load %arg6[%get3A_136, %get3A_137] {strides = array<i32>} : memref<40x512xi32, #tpu.memory_space<vmem>>, vector<16xi32>,
      %get3A_139 = arith.index_cast %add3A_109 : i32 to index
      %get3A_140 = arith.constant 160 : index
      %get3A_141 = tpu.vector_load %arg6[%get3A_139, %get3A_140] {strides = array<i32>} : memref<40x512xi32, #tpu.memory_space<vmem>>, vector<16xi32>,
      %get3A_142 = arith.index_cast %add3A_109 : i32 to index
      %get3A_143 = arith.constant 176 : index
      %get3A_144 = tpu.vector_load %arg6[%get3A_142, %get3A_143] {strides = array<i32>} : memref<40x512xi32, #tpu.memory_space<vmem>>, vector<16xi32>,
      %get3A_145 = arith.index_cast %add3A_109 : i32 to index
      %get3A_146 = arith.constant 192 : index
      %get3A_147 = tpu.vector_load %arg6[%get3A_145, %get3A_146] {strides = array<i32>} : memref<40x512xi32, #tpu.memory_space<vmem>>, vector<16xi32>,
      %get3A_148 = arith.index_cast %add3A_109 : i32 to index
      %get3A_149 = arith.constant 208 : index
      %get3A_150 = tpu.vector_load %arg6[%get3A_148, %get3A_149] {strides = array<i32>} : memref<40x512xi32, #tpu.memory_space<vmem>>, vector<16xi32>,
      %get3A_151 = arith.index_cast %add3A_109 : i32 to index
      %get3A_152 = arith.constant 224 : index
      %get3A_153 = tpu.vector_load %arg6[%get3A_151, %get3A_152] {strides = array<i32>} : memref<40x512xi32, #tpu.memory_space<vmem>>, vector<16xi32>,
      %get3A_154 = arith.index_cast %add3A_109 : i32 to index
      %get3A_155 = arith.constant 240 : index
      %get3A_156 = tpu.vector_load %arg6[%get3A_154, %get3A_155] {strides = array<i32>} : memref<40x512xi32, #tpu.memory_space<vmem>>, vector<16xi32>,
      %get3A_157 = arith.index_cast %add3A_109 : i32 to index
      %get3A_158 = arith.constant 256 : index
      %get3A_159 = tpu.vector_load %arg6[%get3A_157, %get3A_158] {strides = array<i32>} : memref<40x512xi32, #tpu.memory_space<vmem>>, vector<16xi32>,
      %get3A_160 = arith.index_cast %add3A_109 : i32 to index
      %get3A_161 = arith.constant 272 : index
      %get3A_162 = tpu.vector_load %arg6[%get3A_160, %get3A_161] {strides = array<i32>} : memref<40x512xi32, #tpu.memory_space<vmem>>, vector<16xi32>,
      %get3A_163 = arith.index_cast %add3A_109 : i32 to index
      %get3A_164 = arith.constant 288 : index
      %get3A_165 = tpu.vector_load %arg6[%get3A_163, %get3A_164] {strides = array<i32>} : memref<40x512xi32, #tpu.memory_space<vmem>>, vector<16xi32>,
      %get3A_166 = arith.index_cast %add3A_109 : i32 to index
      %get3A_167 = arith.constant 304 : index
      %get3A_168 = tpu.vector_load %arg6[%get3A_166, %get3A_167] {strides = array<i32>} : memref<40x512xi32, #tpu.memory_space<vmem>>, vector<16xi32>,
      %get3A_169 = arith.index_cast %add3A_109 : i32 to index
      %get3A_170 = arith.constant 320 : index
      %get3A_171 = tpu.vector_load %arg6[%get3A_169, %get3A_170] {strides = array<i32>} : memref<40x512xi32, #tpu.memory_space<vmem>>, vector<16xi32>,
      %get3A_172 = arith.index_cast %add3A_109 : i32 to index
      %get3A_173 = arith.constant 336 : index
      %get3A_174 = tpu.vector_load %arg6[%get3A_172, %get3A_173] {strides = array<i32>} : memref<40x512xi32, #tpu.memory_space<vmem>>, vector<16xi32>,
      %get3A_175 = arith.index_cast %add3A_109 : i32 to index
      %get3A_176 = arith.constant 352 : index
      %get3A_177 = tpu.vector_load %arg6[%get3A_175, %get3A_176] {strides = array<i32>} : memref<40x512xi32, #tpu.memory_space<vmem>>, vector<16xi32>,
      %get3A_178 = arith.index_cast %add3A_109 : i32 to index
      %get3A_179 = arith.constant 368 : index
      %get3A_180 = tpu.vector_load %arg6[%get3A_178, %get3A_179] {strides = array<i32>} : memref<40x512xi32, #tpu.memory_space<vmem>>, vector<16xi32>,
      %get3A_181 = arith.index_cast %add3A_109 : i32 to index
      %get3A_182 = arith.constant 384 : index
      %get3A_183 = tpu.vector_load %arg6[%get3A_181, %get3A_182] {strides = array<i32>} : memref<40x512xi32, #tpu.memory_space<vmem>>, vector<16xi32>,
      %get3A_184 = arith.index_cast %add3A_109 : i32 to index
      %get3A_185 = arith.constant 400 : index
      %get3A_186 = tpu.vector_load %arg6[%get3A_184, %get3A_185] {strides = array<i32>} : memref<40x512xi32, #tpu.memory_space<vmem>>, vector<16xi32>,
      %get3A_187 = arith.index_cast %add3A_109 : i32 to index
      %get3A_188 = arith.constant 416 : index
      %get3A_189 = tpu.vector_load %arg6[%get3A_187, %get3A_188] {strides = array<i32>} : memref<40x512xi32, #tpu.memory_space<vmem>>, vector<16xi32>,
      %get3A_190 = arith.index_cast %add3A_109 : i32 to index
      %get3A_191 = arith.constant 432 : index
      %get3A_192 = tpu.vector_load %arg6[%get3A_190, %get3A_191] {strides = array<i32>} : memref<40x512xi32, #tpu.memory_space<vmem>>, vector<16xi32>,
      %get3A_193 = arith.index_cast %add3A_109 : i32 to index
      %get3A_194 = arith.constant 448 : index
      %get3A_195 = tpu.vector_load %arg6[%get3A_193, %get3A_194] {strides = array<i32>} : memref<40x512xi32, #tpu.memory_space<vmem>>, vector<16xi32>,
      %get3A_196 = arith.index_cast %add3A_109 : i32 to index
      %get3A_197 = arith.constant 464 : index
      %get3A_198 = tpu.vector_load %arg6[%get3A_196, %get3A_197] {strides = array<i32>} : memref<40x512xi32, #tpu.memory_space<vmem>>, vector<16xi32>,
      %get3A_199 = arith.index_cast %add3A_109 : i32 to index
      %get3A_200 = arith.constant 480 : index
      %get3A_201 = tpu.vector_load %arg6[%get3A_199, %get3A_200] {strides = array<i32>} : memref<40x512xi32, #tpu.memory_space<vmem>>, vector<16xi32>,
      %get3A_202 = arith.index_cast %add3A_109 : i32 to index
      %get3A_203 = arith.constant 496 : index
      %get3A_204 = tpu.vector_load %arg6[%get3A_202, %get3A_203] {strides = array<i32>} : memref<40x512xi32, #tpu.memory_space<vmem>>, vector<16xi32>,
      %gather3A = tpu.vector_load_idx %arg5[%get3A_111] : memref<1000xi32, #tpu.memory_space<vmem>>[vector<16xi32>], vector<16xi32>,
      %gather3A_205 = tpu.vector_load_idx %arg5[%get3A_114] : memref<1000xi32, #tpu.memory_space<vmem>>[vector<16xi32>], vector<16xi32>,
      %gather3A_206 = tpu.vector_load_idx %arg5[%get3A_117] : memref<1000xi32, #tpu.memory_space<vmem>>[vector<16xi32>], vector<16xi32>,
      %gather3A_207 = tpu.vector_load_idx %arg5[%get3A_120] : memref<1000xi32, #tpu.memory_space<vmem>>[vector<16xi32>], vector<16xi32>,
      %gather3A_208 = tpu.vector_load_idx %arg5[%get3A_123] : memref<1000xi32, #tpu.memory_space<vmem>>[vector<16xi32>], vector<16xi32>,
      %gather3A_209 = tpu.vector_load_idx %arg5[%get3A_126] : memref<1000xi32, #tpu.memory_space<vmem>>[vector<16xi32>], vector<16xi32>,
      %gather3A_210 = tpu.vector_load_idx %arg5[%get3A_129] : memref<1000xi32, #tpu.memory_space<vmem>>[vector<16xi32>], vector<16xi32>,
      %gather3A_211 = tpu.vector_load_idx %arg5[%get3A_132] : memref<1000xi32, #tpu.memory_space<vmem>>[vector<16xi32>], vector<16xi32>,
      %gather3A_212 = tpu.vector_load_idx %arg5[%get3A_135] : memref<1000xi32, #tpu.memory_space<vmem>>[vector<16xi32>], vector<16xi32>,
      %gather3A_213 = tpu.vector_load_idx %arg5[%get3A_138] : memref<1000xi32, #tpu.memory_space<vmem>>[vector<16xi32>], vector<16xi32>,
      %gather3A_214 = tpu.vector_load_idx %arg5[%get3A_141] : memref<1000xi32, #tpu.memory_space<vmem>>[vector<16xi32>], vector<16xi32>,
      %gather3A_215 = tpu.vector_load_idx %arg5[%get3A_144] : memref<1000xi32, #tpu.memory_space<vmem>>[vector<16xi32>], vector<16xi32>,
      %gather3A_216 = tpu.vector_load_idx %arg5[%get3A_147] : memref<1000xi32, #tpu.memory_space<vmem>>[vector<16xi32>], vector<16xi32>,
      %gather3A_217 = tpu.vector_load_idx %arg5[%get3A_150] : memref<1000xi32, #tpu.memory_space<vmem>>[vector<16xi32>], vector<16xi32>,
      %gather3A_218 = tpu.vector_load_idx %arg5[%get3A_153] : memref<1000xi32, #tpu.memory_space<vmem>>[vector<16xi32>], vector<16xi32>,
      %gather3A_219 = tpu.vector_load_idx %arg5[%get3A_156] : memref<1000xi32, #tpu.memory_space<vmem>>[vector<16xi32>], vector<16xi32>,
      %gather3A_220 = tpu.vector_load_idx %arg5[%get3A_159] : memref<1000xi32, #tpu.memory_space<vmem>>[vector<16xi32>], vector<16xi32>,
      %gather3A_221 = tpu.vector_load_idx %arg5[%get3A_162] : memref<1000xi32, #tpu.memory_space<vmem>>[vector<16xi32>], vector<16xi32>,
      %gather3A_222 = tpu.vector_load_idx %arg5[%get3A_165] : memref<1000xi32, #tpu.memory_space<vmem>>[vector<16xi32>], vector<16xi32>,
      %gather3A_223 = tpu.vector_load_idx %arg5[%get3A_168] : memref<1000xi32, #tpu.memory_space<vmem>>[vector<16xi32>], vector<16xi32>,
      %gather3A_224 = tpu.vector_load_idx %arg5[%get3A_171] : memref<1000xi32, #tpu.memory_space<vmem>>[vector<16xi32>], vector<16xi32>,
      %gather3A_225 = tpu.vector_load_idx %arg5[%get3A_174] : memref<1000xi32, #tpu.memory_space<vmem>>[vector<16xi32>], vector<16xi32>,
      %gather3A_226 = tpu.vector_load_idx %arg5[%get3A_177] : memref<1000xi32, #tpu.memory_space<vmem>>[vector<16xi32>], vector<16xi32>,
      %gather3A_227 = tpu.vector_load_idx %arg5[%get3A_180] : memref<1000xi32, #tpu.memory_space<vmem>>[vector<16xi32>], vector<16xi32>,
      %gather3A_228 = tpu.vector_load_idx %arg5[%get3A_183] : memref<1000xi32, #tpu.memory_space<vmem>>[vector<16xi32>], vector<16xi32>,
      %gather3A_229 = tpu.vector_load_idx %arg5[%get3A_186] : memref<1000xi32, #tpu.memory_space<vmem>>[vector<16xi32>], vector<16xi32>,
      %gather3A_230 = tpu.vector_load_idx %arg5[%get3A_189] : memref<1000xi32, #tpu.memory_space<vmem>>[vector<16xi32>], vector<16xi32>,
      %gather3A_231 = tpu.vector_load_idx %arg5[%get3A_192] : memref<1000xi32, #tpu.memory_space<vmem>>[vector<16xi32>], vector<16xi32>,
      %gather3A_232 = tpu.vector_load_idx %arg5[%get3A_195] : memref<1000xi32, #tpu.memory_space<vmem>>[vector<16xi32>], vector<16xi32>,
      %gather3A_233 = tpu.vector_load_idx %arg5[%get3A_198] : memref<1000xi32, #tpu.memory_space<vmem>>[vector<16xi32>], vector<16xi32>,
      %gather3A_234 = tpu.vector_load_idx %arg5[%get3A_201] : memref<1000xi32, #tpu.memory_space<vmem>>[vector<16xi32>], vector<16xi32>,
      %gather3A_235 = tpu.vector_load_idx %arg5[%get3A_204] : memref<1000xi32, #tpu.memory_space<vmem>>[vector<16xi32>], vector<16xi32>,
      %swap3A = arith.index_cast %add3A_109 : i32 to index
      %swap3A_236 = arith.constant 0 : index
      %swap3A_237 = tpu.vector_load %arg8[%swap3A, %swap3A_236] {strides = array<i32>} : memref<40x512xi32, #tpu.memory_space<vmem>>, vector<16xi32>,
      tpu.vector_store %arg8[%swap3A, %swap3A_236], %gather3A {strides = array<i32>} : memref<40x512xi32, #tpu.memory_space<vmem>>, vector<16xi32>,
      %swap3A_238 = arith.index_cast %add3A_109 : i32 to index
      %swap3A_239 = arith.constant 16 : index
      %swap3A_240 = tpu.vector_load %arg8[%swap3A_238, %swap3A_239] {strides = array<i32>} : memref<40x512xi32, #tpu.memory_space<vmem>>, vector<16xi32>,
      tpu.vector_store %arg8[%swap3A_238, %swap3A_239], %gather3A_205 {strides = array<i32>} : memref<40x512xi32, #tpu.memory_space<vmem>>, vector<16xi32>,
      %swap3A_241 = arith.index_cast %add3A_109 : i32 to index
      %swap3A_242 = arith.constant 32 : index
      %swap3A_243 = tpu.vector_load %arg8[%swap3A_241, %swap3A_242] {strides = array<i32>} : memref<40x512xi32, #tpu.memory_space<vmem>>, vector<16xi32>,
      tpu.vector_store %arg8[%swap3A_241, %swap3A_242], %gather3A_206 {strides = array<i32>} : memref<40x512xi32, #tpu.memory_space<vmem>>, vector<16xi32>,
      %swap3A_244 = arith.index_cast %add3A_109 : i32 to index
      %swap3A_245 = arith.constant 48 : index
      %swap3A_246 = tpu.vector_load %arg8[%swap3A_244, %swap3A_245] {strides = array<i32>} : memref<40x512xi32, #tpu.memory_space<vmem>>, vector<16xi32>,
      tpu.vector_store %arg8[%swap3A_244, %swap3A_245], %gather3A_207 {strides = array<i32>} : memref<40x512xi32, #tpu.memory_space<vmem>>, vector<16xi32>,
      %swap3A_247 = arith.index_cast %add3A_109 : i32 to index
      %swap3A_248 = arith.constant 64 : index
      %swap3A_249 = tpu.vector_load %arg8[%swap3A_247, %swap3A_248] {strides = array<i32>} : memref<40x512xi32, #tpu.memory_space<vmem>>, vector<16xi32>,
      tpu.vector_store %arg8[%swap3A_247, %swap3A_248], %gather3A_208 {strides = array<i32>} : memref<40x512xi32, #tpu.memory_space<vmem>>, vector<16xi32>,
      %swap3A_250 = arith.index_cast %add3A_109 : i32 to index
      %swap3A_251 = arith.constant 80 : index
      %swap3A_252 = tpu.vector_load %arg8[%swap3A_250, %swap3A_251] {strides = array<i32>} : memref<40x512xi32, #tpu.memory_space<vmem>>, vector<16xi32>,
      tpu.vector_store %arg8[%swap3A_250, %swap3A_251], %gather3A_209 {strides = array<i32>} : memref<40x512xi32, #tpu.memory_space<vmem>>, vector<16xi32>,
      %swap3A_253 = arith.index_cast %add3A_109 : i32 to index
      %swap3A_254 = arith.constant 96 : index
      %swap3A_255 = tpu.vector_load %arg8[%swap3A_253, %swap3A_254] {strides = array<i32>} : memref<40x512xi32, #tpu.memory_space<vmem>>, vector<16xi32>,
      tpu.vector_store %arg8[%swap3A_253, %swap3A_254], %gather3A_210 {strides = array<i32>} : memref<40x512xi32, #tpu.memory_space<vmem>>, vector<16xi32>,
      %swap3A_256 = arith.index_cast %add3A_109 : i32 to index
      %swap3A_257 = arith.constant 112 : index
      %swap3A_258 = tpu.vector_load %arg8[%swap3A_256, %swap3A_257] {strides = array<i32>} : memref<40x512xi32, #tpu.memory_space<vmem>>, vector<16xi32>,
      tpu.vector_store %arg8[%swap3A_256, %swap3A_257], %gather3A_211 {strides = array<i32>} : memref<40x512xi32, #tpu.memory_space<vmem>>, vector<16xi32>,
      %swap3A_259 = arith.index_cast %add3A_109 : i32 to index
      %swap3A_260 = arith.constant 128 : index
      %swap3A_261 = tpu.vector_load %arg8[%swap3A_259, %swap3A_260] {strides = array<i32>} : memref<40x512xi32, #tpu.memory_space<vmem>>, vector<16xi32>,
      tpu.vector_store %arg8[%swap3A_259, %swap3A_260], %gather3A_212 {strides = array<i32>} : memref<40x512xi32, #tpu.memory_space<vmem>>, vector<16xi32>,
      %swap3A_262 = arith.index_cast %add3A_109 : i32 to index
      %swap3A_263 = arith.constant 144 : index
      %swap3A_264 = tpu.vector_load %arg8[%swap3A_262, %swap3A_263] {strides = array<i32>} : memref<40x512xi32, #tpu.memory_space<vmem>>, vector<16xi32>,
      tpu.vector_store %arg8[%swap3A_262, %swap3A_263], %gather3A_213 {strides = array<i32>} : memref<40x512xi32, #tpu.memory_space<vmem>>, vector<16xi32>,
      %swap3A_265 = arith.index_cast %add3A_109 : i32 to index
      %swap3A_266 = arith.constant 160 : index
      %swap3A_267 = tpu.vector_load %arg8[%swap3A_265, %swap3A_266] {strides = array<i32>} : memref<40x512xi32, #tpu.memory_space<vmem>>, vector<16xi32>,
      tpu.vector_store %arg8[%swap3A_265, %swap3A_266], %gather3A_214 {strides = array<i32>} : memref<40x512xi32, #tpu.memory_space<vmem>>, vector<16xi32>,
      %swap3A_268 = arith.index_cast %add3A_109 : i32 to index
      %swap3A_269 = arith.constant 176 : index
      %swap3A_270 = tpu.vector_load %arg8[%swap3A_268, %swap3A_269] {strides = array<i32>} : memref<40x512xi32, #tpu.memory_space<vmem>>, vector<16xi32>,
      tpu.vector_store %arg8[%swap3A_268, %swap3A_269], %gather3A_215 {strides = array<i32>} : memref<40x512xi32, #tpu.memory_space<vmem>>, vector<16xi32>,
      %swap3A_271 = arith.index_cast %add3A_109 : i32 to index
      %swap3A_272 = arith.constant 192 : index
      %swap3A_273 = tpu.vector_load %arg8[%swap3A_271, %swap3A_272] {strides = array<i32>} : memref<40x512xi32, #tpu.memory_space<vmem>>, vector<16xi32>,
      tpu.vector_store %arg8[%swap3A_271, %swap3A_272], %gather3A_216 {strides = array<i32>} : memref<40x512xi32, #tpu.memory_space<vmem>>, vector<16xi32>,
      %swap3A_274 = arith.index_cast %add3A_109 : i32 to index
      %swap3A_275 = arith.constant 208 : index
      %swap3A_276 = tpu.vector_load %arg8[%swap3A_274, %swap3A_275] {strides = array<i32>} : memref<40x512xi32, #tpu.memory_space<vmem>>, vector<16xi32>,
      tpu.vector_store %arg8[%swap3A_274, %swap3A_275], %gather3A_217 {strides = array<i32>} : memref<40x512xi32, #tpu.memory_space<vmem>>, vector<16xi32>,
      %swap3A_277 = arith.index_cast %add3A_109 : i32 to index
      %swap3A_278 = arith.constant 224 : index
      %swap3A_279 = tpu.vector_load %arg8[%swap3A_277, %swap3A_278] {strides = array<i32>} : memref<40x512xi32, #tpu.memory_space<vmem>>, vector<16xi32>,
      tpu.vector_store %arg8[%swap3A_277, %swap3A_278], %gather3A_218 {strides = array<i32>} : memref<40x512xi32, #tpu.memory_space<vmem>>, vector<16xi32>,
      %swap3A_280 = arith.index_cast %add3A_109 : i32 to index
      %swap3A_281 = arith.constant 240 : index
      %swap3A_282 = tpu.vector_load %arg8[%swap3A_280, %swap3A_281] {strides = array<i32>} : memref<40x512xi32, #tpu.memory_space<vmem>>, vector<16xi32>,
      tpu.vector_store %arg8[%swap3A_280, %swap3A_281], %gather3A_219 {strides = array<i32>} : memref<40x512xi32, #tpu.memory_space<vmem>>, vector<16xi32>,
      %swap3A_283 = arith.index_cast %add3A_109 : i32 to index
      %swap3A_284 = arith.constant 256 : index
      %swap3A_285 = tpu.vector_load %arg8[%swap3A_283, %swap3A_284] {strides = array<i32>} : memref<40x512xi32, #tpu.memory_space<vmem>>, vector<16xi32>,
      tpu.vector_store %arg8[%swap3A_283, %swap3A_284], %gather3A_220 {strides = array<i32>} : memref<40x512xi32, #tpu.memory_space<vmem>>, vector<16xi32>,
      %swap3A_286 = arith.index_cast %add3A_109 : i32 to index
      %swap3A_287 = arith.constant 272 : index
      %swap3A_288 = tpu.vector_load %arg8[%swap3A_286, %swap3A_287] {strides = array<i32>} : memref<40x512xi32, #tpu.memory_space<vmem>>, vector<16xi32>,
      tpu.vector_store %arg8[%swap3A_286, %swap3A_287], %gather3A_221 {strides = array<i32>} : memref<40x512xi32, #tpu.memory_space<vmem>>, vector<16xi32>,
      %swap3A_289 = arith.index_cast %add3A_109 : i32 to index
      %swap3A_290 = arith.constant 288 : index
      %swap3A_291 = tpu.vector_load %arg8[%swap3A_289, %swap3A_290] {strides = array<i32>} : memref<40x512xi32, #tpu.memory_space<vmem>>, vector<16xi32>,
      tpu.vector_store %arg8[%swap3A_289, %swap3A_290], %gather3A_222 {strides = array<i32>} : memref<40x512xi32, #tpu.memory_space<vmem>>, vector<16xi32>,
      %swap3A_292 = arith.index_cast %add3A_109 : i32 to index
      %swap3A_293 = arith.constant 304 : index
      %swap3A_294 = tpu.vector_load %arg8[%swap3A_292, %swap3A_293] {strides = array<i32>} : memref<40x512xi32, #tpu.memory_space<vmem>>, vector<16xi32>,
      tpu.vector_store %arg8[%swap3A_292, %swap3A_293], %gather3A_223 {strides = array<i32>} : memref<40x512xi32, #tpu.memory_space<vmem>>, vector<16xi32>,
      %swap3A_295 = arith.index_cast %add3A_109 : i32 to index
      %swap3A_296 = arith.constant 320 : index
      %swap3A_297 = tpu.vector_load %arg8[%swap3A_295, %swap3A_296] {strides = array<i32>} : memref<40x512xi32, #tpu.memory_space<vmem>>, vector<16xi32>,
      tpu.vector_store %arg8[%swap3A_295, %swap3A_296], %gather3A_224 {strides = array<i32>} : memref<40x512xi32, #tpu.memory_space<vmem>>, vector<16xi32>,
      %swap3A_298 = arith.index_cast %add3A_109 : i32 to index
      %swap3A_299 = arith.constant 336 : index
      %swap3A_300 = tpu.vector_load %arg8[%swap3A_298, %swap3A_299] {strides = array<i32>} : memref<40x512xi32, #tpu.memory_space<vmem>>, vector<16xi32>,
      tpu.vector_store %arg8[%swap3A_298, %swap3A_299], %gather3A_225 {strides = array<i32>} : memref<40x512xi32, #tpu.memory_space<vmem>>, vector<16xi32>,
      %swap3A_301 = arith.index_cast %add3A_109 : i32 to index
      %swap3A_302 = arith.constant 352 : index
      %swap3A_303 = tpu.vector_load %arg8[%swap3A_301, %swap3A_302] {strides = array<i32>} : memref<40x512xi32, #tpu.memory_space<vmem>>, vector<16xi32>,
      tpu.vector_store %arg8[%swap3A_301, %swap3A_302], %gather3A_226 {strides = array<i32>} : memref<40x512xi32, #tpu.memory_space<vmem>>, vector<16xi32>,
      %swap3A_304 = arith.index_cast %add3A_109 : i32 to index
      %swap3A_305 = arith.constant 368 : index
      %swap3A_306 = tpu.vector_load %arg8[%swap3A_304, %swap3A_305] {strides = array<i32>} : memref<40x512xi32, #tpu.memory_space<vmem>>, vector<16xi32>,
      tpu.vector_store %arg8[%swap3A_304, %swap3A_305], %gather3A_227 {strides = array<i32>} : memref<40x512xi32, #tpu.memory_space<vmem>>, vector<16xi32>,
      %swap3A_307 = arith.index_cast %add3A_109 : i32 to index
      %swap3A_308 = arith.constant 384 : index
      %swap3A_309 = tpu.vector_load %arg8[%swap3A_307, %swap3A_308] {strides = array<i32>} : memref<40x512xi32, #tpu.memory_space<vmem>>, vector<16xi32>,
      tpu.vector_store %arg8[%swap3A_307, %swap3A_308], %gather3A_228 {strides = array<i32>} : memref<40x512xi32, #tpu.memory_space<vmem>>, vector<16xi32>,
      %swap3A_310 = arith.index_cast %add3A_109 : i32 to index
      %swap3A_311 = arith.constant 400 : index
      %swap3A_312 = tpu.vector_load %arg8[%swap3A_310, %swap3A_311] {strides = array<i32>} : memref<40x512xi32, #tpu.memory_space<vmem>>, vector<16xi32>,
      tpu.vector_store %arg8[%swap3A_310, %swap3A_311], %gather3A_229 {strides = array<i32>} : memref<40x512xi32, #tpu.memory_space<vmem>>, vector<16xi32>,
      %swap3A_313 = arith.index_cast %add3A_109 : i32 to index
      %swap3A_314 = arith.constant 416 : index
      %swap3A_315 = tpu.vector_load %arg8[%swap3A_313, %swap3A_314] {strides = array<i32>} : memref<40x512xi32, #tpu.memory_space<vmem>>, vector<16xi32>,
      tpu.vector_store %arg8[%swap3A_313, %swap3A_314], %gather3A_230 {strides = array<i32>} : memref<40x512xi32, #tpu.memory_space<vmem>>, vector<16xi32>,
      %swap3A_316 = arith.index_cast %add3A_109 : i32 to index
      %swap3A_317 = arith.constant 432 : index
      %swap3A_318 = tpu.vector_load %arg8[%swap3A_316, %swap3A_317] {strides = array<i32>} : memref<40x512xi32, #tpu.memory_space<vmem>>, vector<16xi32>,
      tpu.vector_store %arg8[%swap3A_316, %swap3A_317], %gather3A_231 {strides = array<i32>} : memref<40x512xi32, #tpu.memory_space<vmem>>, vector<16xi32>,
      %swap3A_319 = arith.index_cast %add3A_109 : i32 to index
      %swap3A_320 = arith.constant 448 : index
      %swap3A_321 = tpu.vector_load %arg8[%swap3A_319, %swap3A_320] {strides = array<i32>} : memref<40x512xi32, #tpu.memory_space<vmem>>, vector<16xi32>,
      tpu.vector_store %arg8[%swap3A_319, %swap3A_320], %gather3A_232 {strides = array<i32>} : memref<40x512xi32, #tpu.memory_space<vmem>>, vector<16xi32>,
      %swap3A_322 = arith.index_cast %add3A_109 : i32 to index
      %swap3A_323 = arith.constant 464 : index
      %swap3A_324 = tpu.vector_load %arg8[%swap3A_322, %swap3A_323] {strides = array<i32>} : memref<40x512xi32, #tpu.memory_space<vmem>>, vector<16xi32>,
      tpu.vector_store %arg8[%swap3A_322, %swap3A_323], %gather3A_233 {strides = array<i32>} : memref<40x512xi32, #tpu.memory_space<vmem>>, vector<16xi32>,
      %swap3A_325 = arith.index_cast %add3A_109 : i32 to index
      %swap3A_326 = arith.constant 480 : index
      %swap3A_327 = tpu.vector_load %arg8[%swap3A_325, %swap3A_326] {strides = array<i32>} : memref<40x512xi32, #tpu.memory_space<vmem>>, vector<16xi32>,
      tpu.vector_store %arg8[%swap3A_325, %swap3A_326], %gather3A_234 {strides = array<i32>} : memref<40x512xi32, #tpu.memory_space<vmem>>, vector<16xi32>,
      %swap3A_328 = arith.index_cast %add3A_109 : i32 to index
      %swap3A_329 = arith.constant 496 : index
      %swap3A_330 = tpu.vector_load %arg8[%swap3A_328, %swap3A_329] {strides = array<i32>} : memref<40x512xi32, #tpu.memory_space<vmem>>, vector<16xi32>,
      tpu.vector_store %arg8[%swap3A_328, %swap3A_329], %gather3A_235 {strides = array<i32>} : memref<40x512xi32, #tpu.memory_space<vmem>>, vector<16xi32>,
    }
    %scan3A_16 = arith.constant 40 : i32
    %dma_start3A_17 = arith.constant 0 : i32
    %dma_start3A_18 = tpu.memref_slice %arg4[%dma_start3A_17, %mul3A_2] : memref<200x16384xi32, #tpu.memory_space<hbm>> -> memref<40x512xi32, #tpu.memory_space<hbm>>
    %dma_start3A_19 = arith.constant 0 : i32
    %dma_start3A_20 = tpu.memref_slice %arg4[%dma_start3A_19, %mul3A_2] : memref<200x16384xi32, #tpu.memory_space<hbm>> -> memref<40x512xi32, #tpu.memory_space<hbm>>
    tpu.enqueue_dma source(%arg8 : memref<40x512xi32, #tpu.memory_space<vmem>>) target(%dma_start3A_20 : memref<40x512xi32, #tpu.memory_space<hbm>>) target_semaphore(%arg12 : memref<!tpu.dma_semaphore, #tpu.memory_space<semaphore_mem>>)
    %dma_start3A_21 = arith.constant 80 : i32
    %dma_start3A_22 = tpu.memref_slice %arg3[%dma_start3A_21, %mul3A_2] : memref<200x16384xi32, #tpu.memory_space<hbm>> -> memref<40x512xi32, #tpu.memory_space<hbm>>
    %dma_start3A_23 = arith.constant 80 : i32
    %dma_start3A_24 = tpu.memref_slice %arg3[%dma_start3A_23, %mul3A_2] : memref<200x16384xi32, #tpu.memory_space<hbm>> -> memref<40x512xi32, #tpu.memory_space<hbm>>
    tpu.enqueue_dma source(%dma_start3A_24 : memref<40x512xi32, #tpu.memory_space<hbm>>) target(%arg6 : memref<40x512xi32, #tpu.memory_space<vmem>>) target_semaphore(%arg10 : memref<!tpu.dma_semaphore, #tpu.memory_space<semaphore_mem>>)
    %dma_wait3A_25 = arith.constant 40 : i32
    %dma_wait3A_26 = tpu.memref_slice %arg3[%dma_wait3A_25, %mul3A_2] : memref<200x16384xi32, #tpu.memory_space<hbm>> -> memref<40x512xi32, #tpu.memory_space<hbm>>
    %dma_wait3A_27 = arith.constant 40 : i32
    %dma_wait3A_28 = tpu.memref_slice %arg3[%dma_wait3A_27, %mul3A_2] : memref<200x16384xi32, #tpu.memory_space<hbm>> -> memref<40x512xi32, #tpu.memory_space<hbm>>
    tpu.wait_dma2 semaphore(%arg11 : memref<!tpu.dma_semaphore, #tpu.memory_space<semaphore_mem>>) src(%dma_wait3A_28 : memref<40x512xi32, #tpu.memory_space<hbm>>) dst(%arg7 : memref<40x512xi32, #tpu.memory_space<vmem>>)
    %scan3A_29 = arith.constant 0 : i32
    %scan3A_30 = arith.constant 40 : i32
    %scan3A_31 = arith.addi %scan3A_29, %scan3A_30 : i32
    %scan3A_32 = arith.constant 1 : i32
    scf.for %scan3A_105 = %scan3A_29 to %scan3A_31 step %scan3A_32  : i32 {
      %mul3A_106 = arith.constant 1 : i32
      %mul3A_107 = arith.muli %scan3A_105, %mul3A_106 : i32
      %add3A_108 = arith.constant 0 : i32
      %add3A_109 = arith.addi %add3A_108, %mul3A_107 : i32
      %get3A = arith.index_cast %add3A_109 : i32 to index
      %get3A_110 = arith.constant 0 : index
      %get3A_111 = tpu.vector_load %arg7[%get3A, %get3A_110] {strides = array<i32>} : memref<40x512xi32, #tpu.memory_space<vmem>>, vector<16xi32>,
      %get3A_112 = arith.index_cast %add3A_109 : i32 to index
      %get3A_113 = arith.constant 16 : index
      %get3A_114 = tpu.vector_load %arg7[%get3A_112, %get3A_113] {strides = array<i32>} : memref<40x512xi32, #tpu.memory_space<vmem>>, vector<16xi32>,
      %get3A_115 = arith.index_cast %add3A_109 : i32 to index
      %get3A_116 = arith.constant 32 : index
      %get3A_117 = tpu.vector_load %arg7[%get3A_115, %get3A_116] {strides = array<i32>} : memref<40x512xi32, #tpu.memory_space<vmem>>, vector<16xi32>,
      %get3A_118 = arith.index_cast %add3A_109 : i32 to index
      %get3A_119 = arith.constant 48 : index
      %get3A_120 = tpu.vector_load %arg7[%get3A_118, %get3A_119] {strides = array<i32>} : memref<40x512xi32, #tpu.memory_space<vmem>>, vector<16xi32>,
      %get3A_121 = arith.index_cast %add3A_109 : i32 to index
      %get3A_122 = arith.constant 64 : index
      %get3A_123 = tpu.vector_load %arg7[%get3A_121, %get3A_122] {strides = array<i32>} : memref<40x512xi32, #tpu.memory_space<vmem>>, vector<16xi32>,
      %get3A_124 = arith.index_cast %add3A_109 : i32 to index
      %get3A_125 = arith.constant 80 : index
      %get3A_126 = tpu.vector_load %arg7[%get3A_124, %get3A_125] {strides = array<i32>} : memref<40x512xi32, #tpu.memory_space<vmem>>, vector<16xi32>,
      %get3A_127 = arith.index_cast %add3A_109 : i32 to index
      %get3A_128 = arith.constant 96 : index
      %get3A_129 = tpu.vector_load %arg7[%get3A_127, %get3A_128] {strides = array<i32>} : memref<40x512xi32, #tpu.memory_space<vmem>>, vector<16xi32>,
      %get3A_130 = arith.index_cast %add3A_109 : i32 to index
      %get3A_131 = arith.constant 112 : index
      %get3A_132 = tpu.vector_load %arg7[%get3A_130, %get3A_131] {strides = array<i32>} : memref<40x512xi32, #tpu.memory_space<vmem>>, vector<16xi32>,
      %get3A_133 = arith.index_cast %add3A_109 : i32 to index
      %get3A_134 = arith.constant 128 : index
      %get3A_135 = tpu.vector_load %arg7[%get3A_133, %get3A_134] {strides = array<i32>} : memref<40x512xi32, #tpu.memory_space<vmem>>, vector<16xi32>,
      %get3A_136 = arith.index_cast %add3A_109 : i32 to index
      %get3A_137 = arith.constant 144 : index
      %get3A_138 = tpu.vector_load %arg7[%get3A_136, %get3A_137] {strides = array<i32>} : memref<40x512xi32, #tpu.memory_space<vmem>>, vector<16xi32>,
      %get3A_139 = arith.index_cast %add3A_109 : i32 to index
      %get3A_140 = arith.constant 160 : index
      %get3A_141 = tpu.vector_load %arg7[%get3A_139, %get3A_140] {strides = array<i32>} : memref<40x512xi32, #tpu.memory_space<vmem>>, vector<16xi32>,
      %get3A_142 = arith.index_cast %add3A_109 : i32 to index
      %get3A_143 = arith.constant 176 : index
      %get3A_144 = tpu.vector_load %arg7[%get3A_142, %get3A_143] {strides = array<i32>} : memref<40x512xi32, #tpu.memory_space<vmem>>, vector<16xi32>,
      %get3A_145 = arith.index_cast %add3A_109 : i32 to index
      %get3A_146 = arith.constant 192 : index
      %get3A_147 = tpu.vector_load %arg7[%get3A_145, %get3A_146] {strides = array<i32>} : memref<40x512xi32, #tpu.memory_space<vmem>>, vector<16xi32>,
      %get3A_148 = arith.index_cast %add3A_109 : i32 to index
      %get3A_149 = arith.constant 208 : index
      %get3A_150 = tpu.vector_load %arg7[%get3A_148, %get3A_149] {strides = array<i32>} : memref<40x512xi32, #tpu.memory_space<vmem>>, vector<16xi32>,
      %get3A_151 = arith.index_cast %add3A_109 : i32 to index
      %get3A_152 = arith.constant 224 : index
      %get3A_153 = tpu.vector_load %arg7[%get3A_151, %get3A_152] {strides = array<i32>} : memref<40x512xi32, #tpu.memory_space<vmem>>, vector<16xi32>,
      %get3A_154 = arith.index_cast %add3A_109 : i32 to index
      %get3A_155 = arith.constant 240 : index
      %get3A_156 = tpu.vector_load %arg7[%get3A_154, %get3A_155] {strides = array<i32>} : memref<40x512xi32, #tpu.memory_space<vmem>>, vector<16xi32>,
      %get3A_157 = arith.index_cast %add3A_109 : i32 to index
      %get3A_158 = arith.constant 256 : index
      %get3A_159 = tpu.vector_load %arg7[%get3A_157, %get3A_158] {strides = array<i32>} : memref<40x512xi32, #tpu.memory_space<vmem>>, vector<16xi32>,
      %get3A_160 = arith.index_cast %add3A_109 : i32 to index
      %get3A_161 = arith.constant 272 : index
      %get3A_162 = tpu.vector_load %arg7[%get3A_160, %get3A_161] {strides = array<i32>} : memref<40x512xi32, #tpu.memory_space<vmem>>, vector<16xi32>,
      %get3A_163 = arith.index_cast %add3A_109 : i32 to index
      %get3A_164 = arith.constant 288 : index
      %get3A_165 = tpu.vector_load %arg7[%get3A_163, %get3A_164] {strides = array<i32>} : memref<40x512xi32, #tpu.memory_space<vmem>>, vector<16xi32>,
      %get3A_166 = arith.index_cast %add3A_109 : i32 to index
      %get3A_167 = arith.constant 304 : index
      %get3A_168 = tpu.vector_load %arg7[%get3A_166, %get3A_167] {strides = array<i32>} : memref<40x512xi32, #tpu.memory_space<vmem>>, vector<16xi32>,
      %get3A_169 = arith.index_cast %add3A_109 : i32 to index
      %get3A_170 = arith.constant 320 : index
      %get3A_171 = tpu.vector_load %arg7[%get3A_169, %get3A_170] {strides = array<i32>} : memref<40x512xi32, #tpu.memory_space<vmem>>, vector<16xi32>,
      %get3A_172 = arith.index_cast %add3A_109 : i32 to index
      %get3A_173 = arith.constant 336 : index
      %get3A_174 = tpu.vector_load %arg7[%get3A_172, %get3A_173] {strides = array<i32>} : memref<40x512xi32, #tpu.memory_space<vmem>>, vector<16xi32>,
      %get3A_175 = arith.index_cast %add3A_109 : i32 to index
      %get3A_176 = arith.constant 352 : index
      %get3A_177 = tpu.vector_load %arg7[%get3A_175, %get3A_176] {strides = array<i32>} : memref<40x512xi32, #tpu.memory_space<vmem>>, vector<16xi32>,
      %get3A_178 = arith.index_cast %add3A_109 : i32 to index
      %get3A_179 = arith.constant 368 : index
      %get3A_180 = tpu.vector_load %arg7[%get3A_178, %get3A_179] {strides = array<i32>} : memref<40x512xi32, #tpu.memory_space<vmem>>, vector<16xi32>,
      %get3A_181 = arith.index_cast %add3A_109 : i32 to index
      %get3A_182 = arith.constant 384 : index
      %get3A_183 = tpu.vector_load %arg7[%get3A_181, %get3A_182] {strides = array<i32>} : memref<40x512xi32, #tpu.memory_space<vmem>>, vector<16xi32>,
      %get3A_184 = arith.index_cast %add3A_109 : i32 to index
      %get3A_185 = arith.constant 400 : index
      %get3A_186 = tpu.vector_load %arg7[%get3A_184, %get3A_185] {strides = array<i32>} : memref<40x512xi32, #tpu.memory_space<vmem>>, vector<16xi32>,
      %get3A_187 = arith.index_cast %add3A_109 : i32 to index
      %get3A_188 = arith.constant 416 : index
      %get3A_189 = tpu.vector_load %arg7[%get3A_187, %get3A_188] {strides = array<i32>} : memref<40x512xi32, #tpu.memory_space<vmem>>, vector<16xi32>,
      %get3A_190 = arith.index_cast %add3A_109 : i32 to index
      %get3A_191 = arith.constant 432 : index
      %get3A_192 = tpu.vector_load %arg7[%get3A_190, %get3A_191] {strides = array<i32>} : memref<40x512xi32, #tpu.memory_space<vmem>>, vector<16xi32>,
      %get3A_193 = arith.index_cast %add3A_109 : i32 to index
      %get3A_194 = arith.constant 448 : index
      %get3A_195 = tpu.vector_load %arg7[%get3A_193, %get3A_194] {strides = array<i32>} : memref<40x512xi32, #tpu.memory_space<vmem>>, vector<16xi32>,
      %get3A_196 = arith.index_cast %add3A_109 : i32 to index
      %get3A_197 = arith.constant 464 : index
      %get3A_198 = tpu.vector_load %arg7[%get3A_196, %get3A_197] {strides = array<i32>} : memref<40x512xi32, #tpu.memory_space<vmem>>, vector<16xi32>,
      %get3A_199 = arith.index_cast %add3A_109 : i32 to index
      %get3A_200 = arith.constant 480 : index
      %get3A_201 = tpu.vector_load %arg7[%get3A_199, %get3A_200] {strides = array<i32>} : memref<40x512xi32, #tpu.memory_space<vmem>>, vector<16xi32>,
      %get3A_202 = arith.index_cast %add3A_109 : i32 to index
      %get3A_203 = arith.constant 496 : index
      %get3A_204 = tpu.vector_load %arg7[%get3A_202, %get3A_203] {strides = array<i32>} : memref<40x512xi32, #tpu.memory_space<vmem>>, vector<16xi32>,
      %gather3A = tpu.vector_load_idx %arg5[%get3A_111] : memref<1000xi32, #tpu.memory_space<vmem>>[vector<16xi32>], vector<16xi32>,
      %gather3A_205 = tpu.vector_load_idx %arg5[%get3A_114] : memref<1000xi32, #tpu.memory_space<vmem>>[vector<16xi32>], vector<16xi32>,
      %gather3A_206 = tpu.vector_load_idx %arg5[%get3A_117] : memref<1000xi32, #tpu.memory_space<vmem>>[vector<16xi32>], vector<16xi32>,
      %gather3A_207 = tpu.vector_load_idx %arg5[%get3A_120] : memref<1000xi32, #tpu.memory_space<vmem>>[vector<16xi32>], vector<16xi32>,
      %gather3A_208 = tpu.vector_load_idx %arg5[%get3A_123] : memref<1000xi32, #tpu.memory_space<vmem>>[vector<16xi32>], vector<16xi32>,
      %gather3A_209 = tpu.vector_load_idx %arg5[%get3A_126] : memref<1000xi32, #tpu.memory_space<vmem>>[vector<16xi32>], vector<16xi32>,
      %gather3A_210 = tpu.vector_load_idx %arg5[%get3A_129] : memref<1000xi32, #tpu.memory_space<vmem>>[vector<16xi32>], vector<16xi32>,
      %gather3A_211 = tpu.vector_load_idx %arg5[%get3A_132] : memref<1000xi32, #tpu.memory_space<vmem>>[vector<16xi32>], vector<16xi32>,
      %gather3A_212 = tpu.vector_load_idx %arg5[%get3A_135] : memref<1000xi32, #tpu.memory_space<vmem>>[vector<16xi32>], vector<16xi32>,
      %gather3A_213 = tpu.vector_load_idx %arg5[%get3A_138] : memref<1000xi32, #tpu.memory_space<vmem>>[vector<16xi32>], vector<16xi32>,
      %gather3A_214 = tpu.vector_load_idx %arg5[%get3A_141] : memref<1000xi32, #tpu.memory_space<vmem>>[vector<16xi32>], vector<16xi32>,
      %gather3A_215 = tpu.vector_load_idx %arg5[%get3A_144] : memref<1000xi32, #tpu.memory_space<vmem>>[vector<16xi32>], vector<16xi32>,
      %gather3A_216 = tpu.vector_load_idx %arg5[%get3A_147] : memref<1000xi32, #tpu.memory_space<vmem>>[vector<16xi32>], vector<16xi32>,
      %gather3A_217 = tpu.vector_load_idx %arg5[%get3A_150] : memref<1000xi32, #tpu.memory_space<vmem>>[vector<16xi32>], vector<16xi32>,
      %gather3A_218 = tpu.vector_load_idx %arg5[%get3A_153] : memref<1000xi32, #tpu.memory_space<vmem>>[vector<16xi32>], vector<16xi32>,
      %gather3A_219 = tpu.vector_load_idx %arg5[%get3A_156] : memref<1000xi32, #tpu.memory_space<vmem>>[vector<16xi32>], vector<16xi32>,
      %gather3A_220 = tpu.vector_load_idx %arg5[%get3A_159] : memref<1000xi32, #tpu.memory_space<vmem>>[vector<16xi32>], vector<16xi32>,
      %gather3A_221 = tpu.vector_load_idx %arg5[%get3A_162] : memref<1000xi32, #tpu.memory_space<vmem>>[vector<16xi32>], vector<16xi32>,
      %gather3A_222 = tpu.vector_load_idx %arg5[%get3A_165] : memref<1000xi32, #tpu.memory_space<vmem>>[vector<16xi32>], vector<16xi32>,
      %gather3A_223 = tpu.vector_load_idx %arg5[%get3A_168] : memref<1000xi32, #tpu.memory_space<vmem>>[vector<16xi32>], vector<16xi32>,
      %gather3A_224 = tpu.vector_load_idx %arg5[%get3A_171] : memref<1000xi32, #tpu.memory_space<vmem>>[vector<16xi32>], vector<16xi32>,
      %gather3A_225 = tpu.vector_load_idx %arg5[%get3A_174] : memref<1000xi32, #tpu.memory_space<vmem>>[vector<16xi32>], vector<16xi32>,
      %gather3A_226 = tpu.vector_load_idx %arg5[%get3A_177] : memref<1000xi32, #tpu.memory_space<vmem>>[vector<16xi32>], vector<16xi32>,
      %gather3A_227 = tpu.vector_load_idx %arg5[%get3A_180] : memref<1000xi32, #tpu.memory_space<vmem>>[vector<16xi32>], vector<16xi32>,
      %gather3A_228 = tpu.vector_load_idx %arg5[%get3A_183] : memref<1000xi32, #tpu.memory_space<vmem>>[vector<16xi32>], vector<16xi32>,
      %gather3A_229 = tpu.vector_load_idx %arg5[%get3A_186] : memref<1000xi32, #tpu.memory_space<vmem>>[vector<16xi32>], vector<16xi32>,
      %gather3A_230 = tpu.vector_load_idx %arg5[%get3A_189] : memref<1000xi32, #tpu.memory_space<vmem>>[vector<16xi32>], vector<16xi32>,
      %gather3A_231 = tpu.vector_load_idx %arg5[%get3A_192] : memref<1000xi32, #tpu.memory_space<vmem>>[vector<16xi32>], vector<16xi32>,
      %gather3A_232 = tpu.vector_load_idx %arg5[%get3A_195] : memref<1000xi32, #tpu.memory_space<vmem>>[vector<16xi32>], vector<16xi32>,
      %gather3A_233 = tpu.vector_load_idx %arg5[%get3A_198] : memref<1000xi32, #tpu.memory_space<vmem>>[vector<16xi32>], vector<16xi32>,
      %gather3A_234 = tpu.vector_load_idx %arg5[%get3A_201] : memref<1000xi32, #tpu.memory_space<vmem>>[vector<16xi32>], vector<16xi32>,
      %gather3A_235 = tpu.vector_load_idx %arg5[%get3A_204] : memref<1000xi32, #tpu.memory_space<vmem>>[vector<16xi32>], vector<16xi32>,
      %swap3A = arith.index_cast %add3A_109 : i32 to index
      %swap3A_236 = arith.constant 0 : index
      %swap3A_237 = tpu.vector_load %arg9[%swap3A, %swap3A_236] {strides = array<i32>} : memref<40x512xi32, #tpu.memory_space<vmem>>, vector<16xi32>,
      tpu.vector_store %arg9[%swap3A, %swap3A_236], %gather3A {strides = array<i32>} : memref<40x512xi32, #tpu.memory_space<vmem>>, vector<16xi32>,
      %swap3A_238 = arith.index_cast %add3A_109 : i32 to index
      %swap3A_239 = arith.constant 16 : index
      %swap3A_240 = tpu.vector_load %arg9[%swap3A_238, %swap3A_239] {strides = array<i32>} : memref<40x512xi32, #tpu.memory_space<vmem>>, vector<16xi32>,
      tpu.vector_store %arg9[%swap3A_238, %swap3A_239], %gather3A_205 {strides = array<i32>} : memref<40x512xi32, #tpu.memory_space<vmem>>, vector<16xi32>,
      %swap3A_241 = arith.index_cast %add3A_109 : i32 to index
      %swap3A_242 = arith.constant 32 : index
      %swap3A_243 = tpu.vector_load %arg9[%swap3A_241, %swap3A_242] {strides = array<i32>} : memref<40x512xi32, #tpu.memory_space<vmem>>, vector<16xi32>,
      tpu.vector_store %arg9[%swap3A_241, %swap3A_242], %gather3A_206 {strides = array<i32>} : memref<40x512xi32, #tpu.memory_space<vmem>>, vector<16xi32>,
      %swap3A_244 = arith.index_cast %add3A_109 : i32 to index
      %swap3A_245 = arith.constant 48 : index
      %swap3A_246 = tpu.vector_load %arg9[%swap3A_244, %swap3A_245] {strides = array<i32>} : memref<40x512xi32, #tpu.memory_space<vmem>>, vector<16xi32>,
      tpu.vector_store %arg9[%swap3A_244, %swap3A_245], %gather3A_207 {strides = array<i32>} : memref<40x512xi32, #tpu.memory_space<vmem>>, vector<16xi32>,
      %swap3A_247 = arith.index_cast %add3A_109 : i32 to index
      %swap3A_248 = arith.constant 64 : index
      %swap3A_249 = tpu.vector_load %arg9[%swap3A_247, %swap3A_248] {strides = array<i32>} : memref<40x512xi32, #tpu.memory_space<vmem>>, vector<16xi32>,
      tpu.vector_store %arg9[%swap3A_247, %swap3A_248], %gather3A_208 {strides = array<i32>} : memref<40x512xi32, #tpu.memory_space<vmem>>, vector<16xi32>,
      %swap3A_250 = arith.index_cast %add3A_109 : i32 to index
      %swap3A_251 = arith.constant 80 : index
      %swap3A_252 = tpu.vector_load %arg9[%swap3A_250, %swap3A_251] {strides = array<i32>} : memref<40x512xi32, #tpu.memory_space<vmem>>, vector<16xi32>,
      tpu.vector_store %arg9[%swap3A_250, %swap3A_251], %gather3A_209 {strides = array<i32>} : memref<40x512xi32, #tpu.memory_space<vmem>>, vector<16xi32>,
      %swap3A_253 = arith.index_cast %add3A_109 : i32 to index
      %swap3A_254 = arith.constant 96 : index
      %swap3A_255 = tpu.vector_load %arg9[%swap3A_253, %swap3A_254] {strides = array<i32>} : memref<40x512xi32, #tpu.memory_space<vmem>>, vector<16xi32>,
      tpu.vector_store %arg9[%swap3A_253, %swap3A_254], %gather3A_210 {strides = array<i32>} : memref<40x512xi32, #tpu.memory_space<vmem>>, vector<16xi32>,
      %swap3A_256 = arith.index_cast %add3A_109 : i32 to index
      %swap3A_257 = arith.constant 112 : index
      %swap3A_258 = tpu.vector_load %arg9[%swap3A_256, %swap3A_257] {strides = array<i32>} : memref<40x512xi32, #tpu.memory_space<vmem>>, vector<16xi32>,
      tpu.vector_store %arg9[%swap3A_256, %swap3A_257], %gather3A_211 {strides = array<i32>} : memref<40x512xi32, #tpu.memory_space<vmem>>, vector<16xi32>,
      %swap3A_259 = arith.index_cast %add3A_109 : i32 to index
      %swap3A_260 = arith.constant 128 : index
      %swap3A_261 = tpu.vector_load %arg9[%swap3A_259, %swap3A_260] {strides = array<i32>} : memref<40x512xi32, #tpu.memory_space<vmem>>, vector<16xi32>,
      tpu.vector_store %arg9[%swap3A_259, %swap3A_260], %gather3A_212 {strides = array<i32>} : memref<40x512xi32, #tpu.memory_space<vmem>>, vector<16xi32>,
      %swap3A_262 = arith.index_cast %add3A_109 : i32 to index
      %swap3A_263 = arith.constant 144 : index
      %swap3A_264 = tpu.vector_load %arg9[%swap3A_262, %swap3A_263] {strides = array<i32>} : memref<40x512xi32, #tpu.memory_space<vmem>>, vector<16xi32>,
      tpu.vector_store %arg9[%swap3A_262, %swap3A_263], %gather3A_213 {strides = array<i32>} : memref<40x512xi32, #tpu.memory_space<vmem>>, vector<16xi32>,
      %swap3A_265 = arith.index_cast %add3A_109 : i32 to index
      %swap3A_266 = arith.constant 160 : index
      %swap3A_267 = tpu.vector_load %arg9[%swap3A_265, %swap3A_266] {strides = array<i32>} : memref<40x512xi32, #tpu.memory_space<vmem>>, vector<16xi32>,
      tpu.vector_store %arg9[%swap3A_265, %swap3A_266], %gather3A_214 {strides = array<i32>} : memref<40x512xi32, #tpu.memory_space<vmem>>, vector<16xi32>,
      %swap3A_268 = arith.index_cast %add3A_109 : i32 to index
      %swap3A_269 = arith.constant 176 : index
      %swap3A_270 = tpu.vector_load %arg9[%swap3A_268, %swap3A_269] {strides = array<i32>} : memref<40x512xi32, #tpu.memory_space<vmem>>, vector<16xi32>,
      tpu.vector_store %arg9[%swap3A_268, %swap3A_269], %gather3A_215 {strides = array<i32>} : memref<40x512xi32, #tpu.memory_space<vmem>>, vector<16xi32>,
      %swap3A_271 = arith.index_cast %add3A_109 : i32 to index
      %swap3A_272 = arith.constant 192 : index
      %swap3A_273 = tpu.vector_load %arg9[%swap3A_271, %swap3A_272] {strides = array<i32>} : memref<40x512xi32, #tpu.memory_space<vmem>>, vector<16xi32>,
      tpu.vector_store %arg9[%swap3A_271, %swap3A_272], %gather3A_216 {strides = array<i32>} : memref<40x512xi32, #tpu.memory_space<vmem>>, vector<16xi32>,
      %swap3A_274 = arith.index_cast %add3A_109 : i32 to index
      %swap3A_275 = arith.constant 208 : index
      %swap3A_276 = tpu.vector_load %arg9[%swap3A_274, %swap3A_275] {strides = array<i32>} : memref<40x512xi32, #tpu.memory_space<vmem>>, vector<16xi32>,
      tpu.vector_store %arg9[%swap3A_274, %swap3A_275], %gather3A_217 {strides = array<i32>} : memref<40x512xi32, #tpu.memory_space<vmem>>, vector<16xi32>,
      %swap3A_277 = arith.index_cast %add3A_109 : i32 to index
      %swap3A_278 = arith.constant 224 : index
      %swap3A_279 = tpu.vector_load %arg9[%swap3A_277, %swap3A_278] {strides = array<i32>} : memref<40x512xi32, #tpu.memory_space<vmem>>, vector<16xi32>,
      tpu.vector_store %arg9[%swap3A_277, %swap3A_278], %gather3A_218 {strides = array<i32>} : memref<40x512xi32, #tpu.memory_space<vmem>>, vector<16xi32>,
      %swap3A_280 = arith.index_cast %add3A_109 : i32 to index
      %swap3A_281 = arith.constant 240 : index
      %swap3A_282 = tpu.vector_load %arg9[%swap3A_280, %swap3A_281] {strides = array<i32>} : memref<40x512xi32, #tpu.memory_space<vmem>>, vector<16xi32>,
      tpu.vector_store %arg9[%swap3A_280, %swap3A_281], %gather3A_219 {strides = array<i32>} : memref<40x512xi32, #tpu.memory_space<vmem>>, vector<16xi32>,
      %swap3A_283 = arith.index_cast %add3A_109 : i32 to index
      %swap3A_284 = arith.constant 256 : index
      %swap3A_285 = tpu.vector_load %arg9[%swap3A_283, %swap3A_284] {strides = array<i32>} : memref<40x512xi32, #tpu.memory_space<vmem>>, vector<16xi32>,
      tpu.vector_store %arg9[%swap3A_283, %swap3A_284], %gather3A_220 {strides = array<i32>} : memref<40x512xi32, #tpu.memory_space<vmem>>, vector<16xi32>,
      %swap3A_286 = arith.index_cast %add3A_109 : i32 to index
      %swap3A_287 = arith.constant 272 : index
      %swap3A_288 = tpu.vector_load %arg9[%swap3A_286, %swap3A_287] {strides = array<i32>} : memref<40x512xi32, #tpu.memory_space<vmem>>, vector<16xi32>,
      tpu.vector_store %arg9[%swap3A_286, %swap3A_287], %gather3A_221 {strides = array<i32>} : memref<40x512xi32, #tpu.memory_space<vmem>>, vector<16xi32>,
      %swap3A_289 = arith.index_cast %add3A_109 : i32 to index
      %swap3A_290 = arith.constant 288 : index
      %swap3A_291 = tpu.vector_load %arg9[%swap3A_289, %swap3A_290] {strides = array<i32>} : memref<40x512xi32, #tpu.memory_space<vmem>>, vector<16xi32>,
      tpu.vector_store %arg9[%swap3A_289, %swap3A_290], %gather3A_222 {strides = array<i32>} : memref<40x512xi32, #tpu.memory_space<vmem>>, vector<16xi32>,
      %swap3A_292 = arith.index_cast %add3A_109 : i32 to index
      %swap3A_293 = arith.constant 304 : index
      %swap3A_294 = tpu.vector_load %arg9[%swap3A_292, %swap3A_293] {strides = array<i32>} : memref<40x512xi32, #tpu.memory_space<vmem>>, vector<16xi32>,
      tpu.vector_store %arg9[%swap3A_292, %swap3A_293], %gather3A_223 {strides = array<i32>} : memref<40x512xi32, #tpu.memory_space<vmem>>, vector<16xi32>,
      %swap3A_295 = arith.index_cast %add3A_109 : i32 to index
      %swap3A_296 = arith.constant 320 : index
      %swap3A_297 = tpu.vector_load %arg9[%swap3A_295, %swap3A_296] {strides = array<i32>} : memref<40x512xi32, #tpu.memory_space<vmem>>, vector<16xi32>,
      tpu.vector_store %arg9[%swap3A_295, %swap3A_296], %gather3A_224 {strides = array<i32>} : memref<40x512xi32, #tpu.memory_space<vmem>>, vector<16xi32>,
      %swap3A_298 = arith.index_cast %add3A_109 : i32 to index
      %swap3A_299 = arith.constant 336 : index
      %swap3A_300 = tpu.vector_load %arg9[%swap3A_298, %swap3A_299] {strides = array<i32>} : memref<40x512xi32, #tpu.memory_space<vmem>>, vector<16xi32>,
      tpu.vector_store %arg9[%swap3A_298, %swap3A_299], %gather3A_225 {strides = array<i32>} : memref<40x512xi32, #tpu.memory_space<vmem>>, vector<16xi32>,
      %swap3A_301 = arith.index_cast %add3A_109 : i32 to index
      %swap3A_302 = arith.constant 352 : index
      %swap3A_303 = tpu.vector_load %arg9[%swap3A_301, %swap3A_302] {strides = array<i32>} : memref<40x512xi32, #tpu.memory_space<vmem>>, vector<16xi32>,
      tpu.vector_store %arg9[%swap3A_301, %swap3A_302], %gather3A_226 {strides = array<i32>} : memref<40x512xi32, #tpu.memory_space<vmem>>, vector<16xi32>,
      %swap3A_304 = arith.index_cast %add3A_109 : i32 to index
      %swap3A_305 = arith.constant 368 : index
      %swap3A_306 = tpu.vector_load %arg9[%swap3A_304, %swap3A_305] {strides = array<i32>} : memref<40x512xi32, #tpu.memory_space<vmem>>, vector<16xi32>,
      tpu.vector_store %arg9[%swap3A_304, %swap3A_305], %gather3A_227 {strides = array<i32>} : memref<40x512xi32, #tpu.memory_space<vmem>>, vector<16xi32>,
      %swap3A_307 = arith.index_cast %add3A_109 : i32 to index
      %swap3A_308 = arith.constant 384 : index
      %swap3A_309 = tpu.vector_load %arg9[%swap3A_307, %swap3A_308] {strides = array<i32>} : memref<40x512xi32, #tpu.memory_space<vmem>>, vector<16xi32>,
      tpu.vector_store %arg9[%swap3A_307, %swap3A_308], %gather3A_228 {strides = array<i32>} : memref<40x512xi32, #tpu.memory_space<vmem>>, vector<16xi32>,
      %swap3A_310 = arith.index_cast %add3A_109 : i32 to index
      %swap3A_311 = arith.constant 400 : index
      %swap3A_312 = tpu.vector_load %arg9[%swap3A_310, %swap3A_311] {strides = array<i32>} : memref<40x512xi32, #tpu.memory_space<vmem>>, vector<16xi32>,
      tpu.vector_store %arg9[%swap3A_310, %swap3A_311], %gather3A_229 {strides = array<i32>} : memref<40x512xi32, #tpu.memory_space<vmem>>, vector<16xi32>,
      %swap3A_313 = arith.index_cast %add3A_109 : i32 to index
      %swap3A_314 = arith.constant 416 : index
      %swap3A_315 = tpu.vector_load %arg9[%swap3A_313, %swap3A_314] {strides = array<i32>} : memref<40x512xi32, #tpu.memory_space<vmem>>, vector<16xi32>,
      tpu.vector_store %arg9[%swap3A_313, %swap3A_314], %gather3A_230 {strides = array<i32>} : memref<40x512xi32, #tpu.memory_space<vmem>>, vector<16xi32>,
      %swap3A_316 = arith.index_cast %add3A_109 : i32 to index
      %swap3A_317 = arith.constant 432 : index
      %swap3A_318 = tpu.vector_load %arg9[%swap3A_316, %swap3A_317] {strides = array<i32>} : memref<40x512xi32, #tpu.memory_space<vmem>>, vector<16xi32>,
      tpu.vector_store %arg9[%swap3A_316, %swap3A_317], %gather3A_231 {strides = array<i32>} : memref<40x512xi32, #tpu.memory_space<vmem>>, vector<16xi32>,
      %swap3A_319 = arith.index_cast %add3A_109 : i32 to index
      %swap3A_320 = arith.constant 448 : index
      %swap3A_321 = tpu.vector_load %arg9[%swap3A_319, %swap3A_320] {strides = array<i32>} : memref<40x512xi32, #tpu.memory_space<vmem>>, vector<16xi32>,
      tpu.vector_store %arg9[%swap3A_319, %swap3A_320], %gather3A_232 {strides = array<i32>} : memref<40x512xi32, #tpu.memory_space<vmem>>, vector<16xi32>,
      %swap3A_322 = arith.index_cast %add3A_109 : i32 to index
      %swap3A_323 = arith.constant 464 : index
      %swap3A_324 = tpu.vector_load %arg9[%swap3A_322, %swap3A_323] {strides = array<i32>} : memref<40x512xi32, #tpu.memory_space<vmem>>, vector<16xi32>,
      tpu.vector_store %arg9[%swap3A_322, %swap3A_323], %gather3A_233 {strides = array<i32>} : memref<40x512xi32, #tpu.memory_space<vmem>>, vector<16xi32>,
      %swap3A_325 = arith.index_cast %add3A_109 : i32 to index
      %swap3A_326 = arith.constant 480 : index
      %swap3A_327 = tpu.vector_load %arg9[%swap3A_325, %swap3A_326] {strides = array<i32>} : memref<40x512xi32, #tpu.memory_space<vmem>>, vector<16xi32>,
      tpu.vector_store %arg9[%swap3A_325, %swap3A_326], %gather3A_234 {strides = array<i32>} : memref<40x512xi32, #tpu.memory_space<vmem>>, vector<16xi32>,
      %swap3A_328 = arith.index_cast %add3A_109 : i32 to index
      %swap3A_329 = arith.constant 496 : index
      %swap3A_330 = tpu.vector_load %arg9[%swap3A_328, %swap3A_329] {strides = array<i32>} : memref<40x512xi32, #tpu.memory_space<vmem>>, vector<16xi32>,
      tpu.vector_store %arg9[%swap3A_328, %swap3A_329], %gather3A_235 {strides = array<i32>} : memref<40x512xi32, #tpu.memory_space<vmem>>, vector<16xi32>,
    }
    %scan3A_33 = arith.constant 40 : i32
    %dma_start3A_34 = arith.constant 40 : i32
    %dma_start3A_35 = tpu.memref_slice %arg4[%dma_start3A_34, %mul3A_2] : memref<200x16384xi32, #tpu.memory_space<hbm>> -> memref<40x512xi32, #tpu.memory_space<hbm>>
    %dma_start3A_36 = arith.constant 40 : i32
    %dma_start3A_37 = tpu.memref_slice %arg4[%dma_start3A_36, %mul3A_2] : memref<200x16384xi32, #tpu.memory_space<hbm>> -> memref<40x512xi32, #tpu.memory_space<hbm>>
    tpu.enqueue_dma source(%arg9 : memref<40x512xi32, #tpu.memory_space<vmem>>) target(%dma_start3A_37 : memref<40x512xi32, #tpu.memory_space<hbm>>) target_semaphore(%arg13 : memref<!tpu.dma_semaphore, #tpu.memory_space<semaphore_mem>>)
    %dma_start3A_38 = arith.constant 120 : i32
    %dma_start3A_39 = tpu.memref_slice %arg3[%dma_start3A_38, %mul3A_2] : memref<200x16384xi32, #tpu.memory_space<hbm>> -> memref<40x512xi32, #tpu.memory_space<hbm>>
    %dma_start3A_40 = arith.constant 120 : i32
    %dma_start3A_41 = tpu.memref_slice %arg3[%dma_start3A_40, %mul3A_2] : memref<200x16384xi32, #tpu.memory_space<hbm>> -> memref<40x512xi32, #tpu.memory_space<hbm>>
    tpu.enqueue_dma source(%dma_start3A_41 : memref<40x512xi32, #tpu.memory_space<hbm>>) target(%arg7 : memref<40x512xi32, #tpu.memory_space<vmem>>) target_semaphore(%arg11 : memref<!tpu.dma_semaphore, #tpu.memory_space<semaphore_mem>>)
    %dma_wait3A_42 = arith.constant 80 : i32
    %dma_wait3A_43 = tpu.memref_slice %arg3[%dma_wait3A_42, %mul3A_2] : memref<200x16384xi32, #tpu.memory_space<hbm>> -> memref<40x512xi32, #tpu.memory_space<hbm>>
    %dma_wait3A_44 = arith.constant 80 : i32
    %dma_wait3A_45 = tpu.memref_slice %arg3[%dma_wait3A_44, %mul3A_2] : memref<200x16384xi32, #tpu.memory_space<hbm>> -> memref<40x512xi32, #tpu.memory_space<hbm>>
    tpu.wait_dma2 semaphore(%arg10 : memref<!tpu.dma_semaphore, #tpu.memory_space<semaphore_mem>>) src(%dma_wait3A_45 : memref<40x512xi32, #tpu.memory_space<hbm>>) dst(%arg6 : memref<40x512xi32, #tpu.memory_space<vmem>>)
    %dma_wait3A_46 = arith.constant 0 : i32
    %dma_wait3A_47 = tpu.memref_slice %arg4[%dma_wait3A_46, %mul3A_2] : memref<200x16384xi32, #tpu.memory_space<hbm>> -> memref<40x512xi32, #tpu.memory_space<hbm>>
    %dma_wait3A_48 = arith.constant 0 : i32
    %dma_wait3A_49 = tpu.memref_slice %arg4[%dma_wait3A_48, %mul3A_2] : memref<200x16384xi32, #tpu.memory_space<hbm>> -> memref<40x512xi32, #tpu.memory_space<hbm>>
    tpu.wait_dma2 semaphore(%arg12 : memref<!tpu.dma_semaphore, #tpu.memory_space<semaphore_mem>>) src(%arg8 : memref<40x512xi32, #tpu.memory_space<vmem>>) dst(%dma_wait3A_49 : memref<40x512xi32, #tpu.memory_space<hbm>>)
    %scan3A_50 = arith.constant 0 : i32
    %scan3A_51 = arith.constant 40 : i32
    %scan3A_52 = arith.addi %scan3A_50, %scan3A_51 : i32
    %scan3A_53 = arith.constant 1 : i32
    scf.for %scan3A_105 = %scan3A_50 to %scan3A_52 step %scan3A_53  : i32 {
      %mul3A_106 = arith.constant 1 : i32
      %mul3A_107 = arith.muli %scan3A_105, %mul3A_106 : i32
      %add3A_108 = arith.constant 0 : i32
      %add3A_109 = arith.addi %add3A_108, %mul3A_107 : i32
      %get3A = arith.index_cast %add3A_109 : i32 to index
      %get3A_110 = arith.constant 0 : index
      %get3A_111 = tpu.vector_load %arg6[%get3A, %get3A_110] {strides = array<i32>} : memref<40x512xi32, #tpu.memory_space<vmem>>, vector<16xi32>,
      %get3A_112 = arith.index_cast %add3A_109 : i32 to index
      %get3A_113 = arith.constant 16 : index
      %get3A_114 = tpu.vector_load %arg6[%get3A_112, %get3A_113] {strides = array<i32>} : memref<40x512xi32, #tpu.memory_space<vmem>>, vector<16xi32>,
      %get3A_115 = arith.index_cast %add3A_109 : i32 to index
      %get3A_116 = arith.constant 32 : index
      %get3A_117 = tpu.vector_load %arg6[%get3A_115, %get3A_116] {strides = array<i32>} : memref<40x512xi32, #tpu.memory_space<vmem>>, vector<16xi32>,
      %get3A_118 = arith.index_cast %add3A_109 : i32 to index
      %get3A_119 = arith.constant 48 : index
      %get3A_120 = tpu.vector_load %arg6[%get3A_118, %get3A_119] {strides = array<i32>} : memref<40x512xi32, #tpu.memory_space<vmem>>, vector<16xi32>,
      %get3A_121 = arith.index_cast %add3A_109 : i32 to index
      %get3A_122 = arith.constant 64 : index
      %get3A_123 = tpu.vector_load %arg6[%get3A_121, %get3A_122] {strides = array<i32>} : memref<40x512xi32, #tpu.memory_space<vmem>>, vector<16xi32>,
      %get3A_124 = arith.index_cast %add3A_109 : i32 to index
      %get3A_125 = arith.constant 80 : index
      %get3A_126 = tpu.vector_load %arg6[%get3A_124, %get3A_125] {strides = array<i32>} : memref<40x512xi32, #tpu.memory_space<vmem>>, vector<16xi32>,
      %get3A_127 = arith.index_cast %add3A_109 : i32 to index
      %get3A_128 = arith.constant 96 : index
      %get3A_129 = tpu.vector_load %arg6[%get3A_127, %get3A_128] {strides = array<i32>} : memref<40x512xi32, #tpu.memory_space<vmem>>, vector<16xi32>,
      %get3A_130 = arith.index_cast %add3A_109 : i32 to index
      %get3A_131 = arith.constant 112 : index
      %get3A_132 = tpu.vector_load %arg6[%get3A_130, %get3A_131] {strides = array<i32>} : memref<40x512xi32, #tpu.memory_space<vmem>>, vector<16xi32>,
      %get3A_133 = arith.index_cast %add3A_109 : i32 to index
      %get3A_134 = arith.constant 128 : index
      %get3A_135 = tpu.vector_load %arg6[%get3A_133, %get3A_134] {strides = array<i32>} : memref<40x512xi32, #tpu.memory_space<vmem>>, vector<16xi32>,
      %get3A_136 = arith.index_cast %add3A_109 : i32 to index
      %get3A_137 = arith.constant 144 : index
      %get3A_138 = tpu.vector_load %arg6[%get3A_136, %get3A_137] {strides = array<i32>} : memref<40x512xi32, #tpu.memory_space<vmem>>, vector<16xi32>,
      %get3A_139 = arith.index_cast %add3A_109 : i32 to index
      %get3A_140 = arith.constant 160 : index
      %get3A_141 = tpu.vector_load %arg6[%get3A_139, %get3A_140] {strides = array<i32>} : memref<40x512xi32, #tpu.memory_space<vmem>>, vector<16xi32>,
      %get3A_142 = arith.index_cast %add3A_109 : i32 to index
      %get3A_143 = arith.constant 176 : index
      %get3A_144 = tpu.vector_load %arg6[%get3A_142, %get3A_143] {strides = array<i32>} : memref<40x512xi32, #tpu.memory_space<vmem>>, vector<16xi32>,
      %get3A_145 = arith.index_cast %add3A_109 : i32 to index
      %get3A_146 = arith.constant 192 : index
      %get3A_147 = tpu.vector_load %arg6[%get3A_145, %get3A_146] {strides = array<i32>} : memref<40x512xi32, #tpu.memory_space<vmem>>, vector<16xi32>,
      %get3A_148 = arith.index_cast %add3A_109 : i32 to index
      %get3A_149 = arith.constant 208 : index
      %get3A_150 = tpu.vector_load %arg6[%get3A_148, %get3A_149] {strides = array<i32>} : memref<40x512xi32, #tpu.memory_space<vmem>>, vector<16xi32>,
      %get3A_151 = arith.index_cast %add3A_109 : i32 to index
      %get3A_152 = arith.constant 224 : index
      %get3A_153 = tpu.vector_load %arg6[%get3A_151, %get3A_152] {strides = array<i32>} : memref<40x512xi32, #tpu.memory_space<vmem>>, vector<16xi32>,
      %get3A_154 = arith.index_cast %add3A_109 : i32 to index
      %get3A_155 = arith.constant 240 : index
      %get3A_156 = tpu.vector_load %arg6[%get3A_154, %get3A_155] {strides = array<i32>} : memref<40x512xi32, #tpu.memory_space<vmem>>, vector<16xi32>,
      %get3A_157 = arith.index_cast %add3A_109 : i32 to index
      %get3A_158 = arith.constant 256 : index
      %get3A_159 = tpu.vector_load %arg6[%get3A_157, %get3A_158] {strides = array<i32>} : memref<40x512xi32, #tpu.memory_space<vmem>>, vector<16xi32>,
      %get3A_160 = arith.index_cast %add3A_109 : i32 to index
      %get3A_161 = arith.constant 272 : index
      %get3A_162 = tpu.vector_load %arg6[%get3A_160, %get3A_161] {strides = array<i32>} : memref<40x512xi32, #tpu.memory_space<vmem>>, vector<16xi32>,
      %get3A_163 = arith.index_cast %add3A_109 : i32 to index
      %get3A_164 = arith.constant 288 : index
      %get3A_165 = tpu.vector_load %arg6[%get3A_163, %get3A_164] {strides = array<i32>} : memref<40x512xi32, #tpu.memory_space<vmem>>, vector<16xi32>,
      %get3A_166 = arith.index_cast %add3A_109 : i32 to index
      %get3A_167 = arith.constant 304 : index
      %get3A_168 = tpu.vector_load %arg6[%get3A_166, %get3A_167] {strides = array<i32>} : memref<40x512xi32, #tpu.memory_space<vmem>>, vector<16xi32>,
      %get3A_169 = arith.index_cast %add3A_109 : i32 to index
      %get3A_170 = arith.constant 320 : index
      %get3A_171 = tpu.vector_load %arg6[%get3A_169, %get3A_170] {strides = array<i32>} : memref<40x512xi32, #tpu.memory_space<vmem>>, vector<16xi32>,
      %get3A_172 = arith.index_cast %add3A_109 : i32 to index
      %get3A_173 = arith.constant 336 : index
      %get3A_174 = tpu.vector_load %arg6[%get3A_172, %get3A_173] {strides = array<i32>} : memref<40x512xi32, #tpu.memory_space<vmem>>, vector<16xi32>,
      %get3A_175 = arith.index_cast %add3A_109 : i32 to index
      %get3A_176 = arith.constant 352 : index
      %get3A_177 = tpu.vector_load %arg6[%get3A_175, %get3A_176] {strides = array<i32>} : memref<40x512xi32, #tpu.memory_space<vmem>>, vector<16xi32>,
      %get3A_178 = arith.index_cast %add3A_109 : i32 to index
      %get3A_179 = arith.constant 368 : index
      %get3A_180 = tpu.vector_load %arg6[%get3A_178, %get3A_179] {strides = array<i32>} : memref<40x512xi32, #tpu.memory_space<vmem>>, vector<16xi32>,
      %get3A_181 = arith.index_cast %add3A_109 : i32 to index
      %get3A_182 = arith.constant 384 : index
      %get3A_183 = tpu.vector_load %arg6[%get3A_181, %get3A_182] {strides = array<i32>} : memref<40x512xi32, #tpu.memory_space<vmem>>, vector<16xi32>,
      %get3A_184 = arith.index_cast %add3A_109 : i32 to index
      %get3A_185 = arith.constant 400 : index
      %get3A_186 = tpu.vector_load %arg6[%get3A_184, %get3A_185] {strides = array<i32>} : memref<40x512xi32, #tpu.memory_space<vmem>>, vector<16xi32>,
      %get3A_187 = arith.index_cast %add3A_109 : i32 to index
      %get3A_188 = arith.constant 416 : index
      %get3A_189 = tpu.vector_load %arg6[%get3A_187, %get3A_188] {strides = array<i32>} : memref<40x512xi32, #tpu.memory_space<vmem>>, vector<16xi32>,
      %get3A_190 = arith.index_cast %add3A_109 : i32 to index
      %get3A_191 = arith.constant 432 : index
      %get3A_192 = tpu.vector_load %arg6[%get3A_190, %get3A_191] {strides = array<i32>} : memref<40x512xi32, #tpu.memory_space<vmem>>, vector<16xi32>,
      %get3A_193 = arith.index_cast %add3A_109 : i32 to index
      %get3A_194 = arith.constant 448 : index
      %get3A_195 = tpu.vector_load %arg6[%get3A_193, %get3A_194] {strides = array<i32>} : memref<40x512xi32, #tpu.memory_space<vmem>>, vector<16xi32>,
      %get3A_196 = arith.index_cast %add3A_109 : i32 to index
      %get3A_197 = arith.constant 464 : index
      %get3A_198 = tpu.vector_load %arg6[%get3A_196, %get3A_197] {strides = array<i32>} : memref<40x512xi32, #tpu.memory_space<vmem>>, vector<16xi32>,
      %get3A_199 = arith.index_cast %add3A_109 : i32 to index
      %get3A_200 = arith.constant 480 : index
      %get3A_201 = tpu.vector_load %arg6[%get3A_199, %get3A_200] {strides = array<i32>} : memref<40x512xi32, #tpu.memory_space<vmem>>, vector<16xi32>,
      %get3A_202 = arith.index_cast %add3A_109 : i32 to index
      %get3A_203 = arith.constant 496 : index
      %get3A_204 = tpu.vector_load %arg6[%get3A_202, %get3A_203] {strides = array<i32>} : memref<40x512xi32, #tpu.memory_space<vmem>>, vector<16xi32>,
      %gather3A = tpu.vector_load_idx %arg5[%get3A_111] : memref<1000xi32, #tpu.memory_space<vmem>>[vector<16xi32>], vector<16xi32>,
      %gather3A_205 = tpu.vector_load_idx %arg5[%get3A_114] : memref<1000xi32, #tpu.memory_space<vmem>>[vector<16xi32>], vector<16xi32>,
      %gather3A_206 = tpu.vector_load_idx %arg5[%get3A_117] : memref<1000xi32, #tpu.memory_space<vmem>>[vector<16xi32>], vector<16xi32>,
      %gather3A_207 = tpu.vector_load_idx %arg5[%get3A_120] : memref<1000xi32, #tpu.memory_space<vmem>>[vector<16xi32>], vector<16xi32>,
      %gather3A_208 = tpu.vector_load_idx %arg5[%get3A_123] : memref<1000xi32, #tpu.memory_space<vmem>>[vector<16xi32>], vector<16xi32>,
      %gather3A_209 = tpu.vector_load_idx %arg5[%get3A_126] : memref<1000xi32, #tpu.memory_space<vmem>>[vector<16xi32>], vector<16xi32>,
      %gather3A_210 = tpu.vector_load_idx %arg5[%get3A_129] : memref<1000xi32, #tpu.memory_space<vmem>>[vector<16xi32>], vector<16xi32>,
      %gather3A_211 = tpu.vector_load_idx %arg5[%get3A_132] : memref<1000xi32, #tpu.memory_space<vmem>>[vector<16xi32>], vector<16xi32>,
      %gather3A_212 = tpu.vector_load_idx %arg5[%get3A_135] : memref<1000xi32, #tpu.memory_space<vmem>>[vector<16xi32>], vector<16xi32>,
      %gather3A_213 = tpu.vector_load_idx %arg5[%get3A_138] : memref<1000xi32, #tpu.memory_space<vmem>>[vector<16xi32>], vector<16xi32>,
      %gather3A_214 = tpu.vector_load_idx %arg5[%get3A_141] : memref<1000xi32, #tpu.memory_space<vmem>>[vector<16xi32>], vector<16xi32>,
      %gather3A_215 = tpu.vector_load_idx %arg5[%get3A_144] : memref<1000xi32, #tpu.memory_space<vmem>>[vector<16xi32>], vector<16xi32>,
      %gather3A_216 = tpu.vector_load_idx %arg5[%get3A_147] : memref<1000xi32, #tpu.memory_space<vmem>>[vector<16xi32>], vector<16xi32>,
      %gather3A_217 = tpu.vector_load_idx %arg5[%get3A_150] : memref<1000xi32, #tpu.memory_space<vmem>>[vector<16xi32>], vector<16xi32>,
      %gather3A_218 = tpu.vector_load_idx %arg5[%get3A_153] : memref<1000xi32, #tpu.memory_space<vmem>>[vector<16xi32>], vector<16xi32>,
      %gather3A_219 = tpu.vector_load_idx %arg5[%get3A_156] : memref<1000xi32, #tpu.memory_space<vmem>>[vector<16xi32>], vector<16xi32>,
      %gather3A_220 = tpu.vector_load_idx %arg5[%get3A_159] : memref<1000xi32, #tpu.memory_space<vmem>>[vector<16xi32>], vector<16xi32>,
      %gather3A_221 = tpu.vector_load_idx %arg5[%get3A_162] : memref<1000xi32, #tpu.memory_space<vmem>>[vector<16xi32>], vector<16xi32>,
      %gather3A_222 = tpu.vector_load_idx %arg5[%get3A_165] : memref<1000xi32, #tpu.memory_space<vmem>>[vector<16xi32>], vector<16xi32>,
      %gather3A_223 = tpu.vector_load_idx %arg5[%get3A_168] : memref<1000xi32, #tpu.memory_space<vmem>>[vector<16xi32>], vector<16xi32>,
      %gather3A_224 = tpu.vector_load_idx %arg5[%get3A_171] : memref<1000xi32, #tpu.memory_space<vmem>>[vector<16xi32>], vector<16xi32>,
      %gather3A_225 = tpu.vector_load_idx %arg5[%get3A_174] : memref<1000xi32, #tpu.memory_space<vmem>>[vector<16xi32>], vector<16xi32>,
      %gather3A_226 = tpu.vector_load_idx %arg5[%get3A_177] : memref<1000xi32, #tpu.memory_space<vmem>>[vector<16xi32>], vector<16xi32>,
      %gather3A_227 = tpu.vector_load_idx %arg5[%get3A_180] : memref<1000xi32, #tpu.memory_space<vmem>>[vector<16xi32>], vector<16xi32>,
      %gather3A_228 = tpu.vector_load_idx %arg5[%get3A_183] : memref<1000xi32, #tpu.memory_space<vmem>>[vector<16xi32>], vector<16xi32>,
      %gather3A_229 = tpu.vector_load_idx %arg5[%get3A_186] : memref<1000xi32, #tpu.memory_space<vmem>>[vector<16xi32>], vector<16xi32>,
      %gather3A_230 = tpu.vector_load_idx %arg5[%get3A_189] : memref<1000xi32, #tpu.memory_space<vmem>>[vector<16xi32>], vector<16xi32>,
      %gather3A_231 = tpu.vector_load_idx %arg5[%get3A_192] : memref<1000xi32, #tpu.memory_space<vmem>>[vector<16xi32>], vector<16xi32>,
      %gather3A_232 = tpu.vector_load_idx %arg5[%get3A_195] : memref<1000xi32, #tpu.memory_space<vmem>>[vector<16xi32>], vector<16xi32>,
      %gather3A_233 = tpu.vector_load_idx %arg5[%get3A_198] : memref<1000xi32, #tpu.memory_space<vmem>>[vector<16xi32>], vector<16xi32>,
      %gather3A_234 = tpu.vector_load_idx %arg5[%get3A_201] : memref<1000xi32, #tpu.memory_space<vmem>>[vector<16xi32>], vector<16xi32>,
      %gather3A_235 = tpu.vector_load_idx %arg5[%get3A_204] : memref<1000xi32, #tpu.memory_space<vmem>>[vector<16xi32>], vector<16xi32>,
      %swap3A = arith.index_cast %add3A_109 : i32 to index
      %swap3A_236 = arith.constant 0 : index
      %swap3A_237 = tpu.vector_load %arg8[%swap3A, %swap3A_236] {strides = array<i32>} : memref<40x512xi32, #tpu.memory_space<vmem>>, vector<16xi32>,
      tpu.vector_store %arg8[%swap3A, %swap3A_236], %gather3A {strides = array<i32>} : memref<40x512xi32, #tpu.memory_space<vmem>>, vector<16xi32>,
      %swap3A_238 = arith.index_cast %add3A_109 : i32 to index
      %swap3A_239 = arith.constant 16 : index
      %swap3A_240 = tpu.vector_load %arg8[%swap3A_238, %swap3A_239] {strides = array<i32>} : memref<40x512xi32, #tpu.memory_space<vmem>>, vector<16xi32>,
      tpu.vector_store %arg8[%swap3A_238, %swap3A_239], %gather3A_205 {strides = array<i32>} : memref<40x512xi32, #tpu.memory_space<vmem>>, vector<16xi32>,
      %swap3A_241 = arith.index_cast %add3A_109 : i32 to index
      %swap3A_242 = arith.constant 32 : index
      %swap3A_243 = tpu.vector_load %arg8[%swap3A_241, %swap3A_242] {strides = array<i32>} : memref<40x512xi32, #tpu.memory_space<vmem>>, vector<16xi32>,
      tpu.vector_store %arg8[%swap3A_241, %swap3A_242], %gather3A_206 {strides = array<i32>} : memref<40x512xi32, #tpu.memory_space<vmem>>, vector<16xi32>,
      %swap3A_244 = arith.index_cast %add3A_109 : i32 to index
      %swap3A_245 = arith.constant 48 : index
      %swap3A_246 = tpu.vector_load %arg8[%swap3A_244, %swap3A_245] {strides = array<i32>} : memref<40x512xi32, #tpu.memory_space<vmem>>, vector<16xi32>,
      tpu.vector_store %arg8[%swap3A_244, %swap3A_245], %gather3A_207 {strides = array<i32>} : memref<40x512xi32, #tpu.memory_space<vmem>>, vector<16xi32>,
      %swap3A_247 = arith.index_cast %add3A_109 : i32 to index
      %swap3A_248 = arith.constant 64 : index
      %swap3A_249 = tpu.vector_load %arg8[%swap3A_247, %swap3A_248] {strides = array<i32>} : memref<40x512xi32, #tpu.memory_space<vmem>>, vector<16xi32>,
      tpu.vector_store %arg8[%swap3A_247, %swap3A_248], %gather3A_208 {strides = array<i32>} : memref<40x512xi32, #tpu.memory_space<vmem>>, vector<16xi32>,
      %swap3A_250 = arith.index_cast %add3A_109 : i32 to index
      %swap3A_251 = arith.constant 80 : index
      %swap3A_252 = tpu.vector_load %arg8[%swap3A_250, %swap3A_251] {strides = array<i32>} : memref<40x512xi32, #tpu.memory_space<vmem>>, vector<16xi32>,
      tpu.vector_store %arg8[%swap3A_250, %swap3A_251], %gather3A_209 {strides = array<i32>} : memref<40x512xi32, #tpu.memory_space<vmem>>, vector<16xi32>,
      %swap3A_253 = arith.index_cast %add3A_109 : i32 to index
      %swap3A_254 = arith.constant 96 : index
      %swap3A_255 = tpu.vector_load %arg8[%swap3A_253, %swap3A_254] {strides = array<i32>} : memref<40x512xi32, #tpu.memory_space<vmem>>, vector<16xi32>,
      tpu.vector_store %arg8[%swap3A_253, %swap3A_254], %gather3A_210 {strides = array<i32>} : memref<40x512xi32, #tpu.memory_space<vmem>>, vector<16xi32>,
      %swap3A_256 = arith.index_cast %add3A_109 : i32 to index
      %swap3A_257 = arith.constant 112 : index
      %swap3A_258 = tpu.vector_load %arg8[%swap3A_256, %swap3A_257] {strides = array<i32>} : memref<40x512xi32, #tpu.memory_space<vmem>>, vector<16xi32>,
      tpu.vector_store %arg8[%swap3A_256, %swap3A_257], %gather3A_211 {strides = array<i32>} : memref<40x512xi32, #tpu.memory_space<vmem>>, vector<16xi32>,
      %swap3A_259 = arith.index_cast %add3A_109 : i32 to index
      %swap3A_260 = arith.constant 128 : index
      %swap3A_261 = tpu.vector_load %arg8[%swap3A_259, %swap3A_260] {strides = array<i32>} : memref<40x512xi32, #tpu.memory_space<vmem>>, vector<16xi32>,
      tpu.vector_store %arg8[%swap3A_259, %swap3A_260], %gather3A_212 {strides = array<i32>} : memref<40x512xi32, #tpu.memory_space<vmem>>, vector<16xi32>,
      %swap3A_262 = arith.index_cast %add3A_109 : i32 to index
      %swap3A_263 = arith.constant 144 : index
      %swap3A_264 = tpu.vector_load %arg8[%swap3A_262, %swap3A_263] {strides = array<i32>} : memref<40x512xi32, #tpu.memory_space<vmem>>, vector<16xi32>,
      tpu.vector_store %arg8[%swap3A_262, %swap3A_263], %gather3A_213 {strides = array<i32>} : memref<40x512xi32, #tpu.memory_space<vmem>>, vector<16xi32>,
      %swap3A_265 = arith.index_cast %add3A_109 : i32 to index
      %swap3A_266 = arith.constant 160 : index
      %swap3A_267 = tpu.vector_load %arg8[%swap3A_265, %swap3A_266] {strides = array<i32>} : memref<40x512xi32, #tpu.memory_space<vmem>>, vector<16xi32>,
      tpu.vector_store %arg8[%swap3A_265, %swap3A_266], %gather3A_214 {strides = array<i32>} : memref<40x512xi32, #tpu.memory_space<vmem>>, vector<16xi32>,
      %swap3A_268 = arith.index_cast %add3A_109 : i32 to index
      %swap3A_269 = arith.constant 176 : index
      %swap3A_270 = tpu.vector_load %arg8[%swap3A_268, %swap3A_269] {strides = array<i32>} : memref<40x512xi32, #tpu.memory_space<vmem>>, vector<16xi32>,
      tpu.vector_store %arg8[%swap3A_268, %swap3A_269], %gather3A_215 {strides = array<i32>} : memref<40x512xi32, #tpu.memory_space<vmem>>, vector<16xi32>,
      %swap3A_271 = arith.index_cast %add3A_109 : i32 to index
      %swap3A_272 = arith.constant 192 : index
      %swap3A_273 = tpu.vector_load %arg8[%swap3A_271, %swap3A_272] {strides = array<i32>} : memref<40x512xi32, #tpu.memory_space<vmem>>, vector<16xi32>,
      tpu.vector_store %arg8[%swap3A_271, %swap3A_272], %gather3A_216 {strides = array<i32>} : memref<40x512xi32, #tpu.memory_space<vmem>>, vector<16xi32>,
      %swap3A_274 = arith.index_cast %add3A_109 : i32 to index
      %swap3A_275 = arith.constant 208 : index
      %swap3A_276 = tpu.vector_load %arg8[%swap3A_274, %swap3A_275] {strides = array<i32>} : memref<40x512xi32, #tpu.memory_space<vmem>>, vector<16xi32>,
      tpu.vector_store %arg8[%swap3A_274, %swap3A_275], %gather3A_217 {strides = array<i32>} : memref<40x512xi32, #tpu.memory_space<vmem>>, vector<16xi32>,
      %swap3A_277 = arith.index_cast %add3A_109 : i32 to index
      %swap3A_278 = arith.constant 224 : index
      %swap3A_279 = tpu.vector_load %arg8[%swap3A_277, %swap3A_278] {strides = array<i32>} : memref<40x512xi32, #tpu.memory_space<vmem>>, vector<16xi32>,
      tpu.vector_store %arg8[%swap3A_277, %swap3A_278], %gather3A_218 {strides = array<i32>} : memref<40x512xi32, #tpu.memory_space<vmem>>, vector<16xi32>,
      %swap3A_280 = arith.index_cast %add3A_109 : i32 to index
      %swap3A_281 = arith.constant 240 : index
      %swap3A_282 = tpu.vector_load %arg8[%swap3A_280, %swap3A_281] {strides = array<i32>} : memref<40x512xi32, #tpu.memory_space<vmem>>, vector<16xi32>,
      tpu.vector_store %arg8[%swap3A_280, %swap3A_281], %gather3A_219 {strides = array<i32>} : memref<40x512xi32, #tpu.memory_space<vmem>>, vector<16xi32>,
      %swap3A_283 = arith.index_cast %add3A_109 : i32 to index
      %swap3A_284 = arith.constant 256 : index
      %swap3A_285 = tpu.vector_load %arg8[%swap3A_283, %swap3A_284] {strides = array<i32>} : memref<40x512xi32, #tpu.memory_space<vmem>>, vector<16xi32>,
      tpu.vector_store %arg8[%swap3A_283, %swap3A_284], %gather3A_220 {strides = array<i32>} : memref<40x512xi32, #tpu.memory_space<vmem>>, vector<16xi32>,
      %swap3A_286 = arith.index_cast %add3A_109 : i32 to index
      %swap3A_287 = arith.constant 272 : index
      %swap3A_288 = tpu.vector_load %arg8[%swap3A_286, %swap3A_287] {strides = array<i32>} : memref<40x512xi32, #tpu.memory_space<vmem>>, vector<16xi32>,
      tpu.vector_store %arg8[%swap3A_286, %swap3A_287], %gather3A_221 {strides = array<i32>} : memref<40x512xi32, #tpu.memory_space<vmem>>, vector<16xi32>,
      %swap3A_289 = arith.index_cast %add3A_109 : i32 to index
      %swap3A_290 = arith.constant 288 : index
      %swap3A_291 = tpu.vector_load %arg8[%swap3A_289, %swap3A_290] {strides = array<i32>} : memref<40x512xi32, #tpu.memory_space<vmem>>, vector<16xi32>,
      tpu.vector_store %arg8[%swap3A_289, %swap3A_290], %gather3A_222 {strides = array<i32>} : memref<40x512xi32, #tpu.memory_space<vmem>>, vector<16xi32>,
      %swap3A_292 = arith.index_cast %add3A_109 : i32 to index
      %swap3A_293 = arith.constant 304 : index
      %swap3A_294 = tpu.vector_load %arg8[%swap3A_292, %swap3A_293] {strides = array<i32>} : memref<40x512xi32, #tpu.memory_space<vmem>>, vector<16xi32>,
      tpu.vector_store %arg8[%swap3A_292, %swap3A_293], %gather3A_223 {strides = array<i32>} : memref<40x512xi32, #tpu.memory_space<vmem>>, vector<16xi32>,
      %swap3A_295 = arith.index_cast %add3A_109 : i32 to index
      %swap3A_296 = arith.constant 320 : index
      %swap3A_297 = tpu.vector_load %arg8[%swap3A_295, %swap3A_296] {strides = array<i32>} : memref<40x512xi32, #tpu.memory_space<vmem>>, vector<16xi32>,
      tpu.vector_store %arg8[%swap3A_295, %swap3A_296], %gather3A_224 {strides = array<i32>} : memref<40x512xi32, #tpu.memory_space<vmem>>, vector<16xi32>,
      %swap3A_298 = arith.index_cast %add3A_109 : i32 to index
      %swap3A_299 = arith.constant 336 : index
      %swap3A_300 = tpu.vector_load %arg8[%swap3A_298, %swap3A_299] {strides = array<i32>} : memref<40x512xi32, #tpu.memory_space<vmem>>, vector<16xi32>,
      tpu.vector_store %arg8[%swap3A_298, %swap3A_299], %gather3A_225 {strides = array<i32>} : memref<40x512xi32, #tpu.memory_space<vmem>>, vector<16xi32>,
      %swap3A_301 = arith.index_cast %add3A_109 : i32 to index
      %swap3A_302 = arith.constant 352 : index
      %swap3A_303 = tpu.vector_load %arg8[%swap3A_301, %swap3A_302] {strides = array<i32>} : memref<40x512xi32, #tpu.memory_space<vmem>>, vector<16xi32>,
      tpu.vector_store %arg8[%swap3A_301, %swap3A_302], %gather3A_226 {strides = array<i32>} : memref<40x512xi32, #tpu.memory_space<vmem>>, vector<16xi32>,
      %swap3A_304 = arith.index_cast %add3A_109 : i32 to index
      %swap3A_305 = arith.constant 368 : index
      %swap3A_306 = tpu.vector_load %arg8[%swap3A_304, %swap3A_305] {strides = array<i32>} : memref<40x512xi32, #tpu.memory_space<vmem>>, vector<16xi32>,
      tpu.vector_store %arg8[%swap3A_304, %swap3A_305], %gather3A_227 {strides = array<i32>} : memref<40x512xi32, #tpu.memory_space<vmem>>, vector<16xi32>,
      %swap3A_307 = arith.index_cast %add3A_109 : i32 to index
      %swap3A_308 = arith.constant 384 : index
      %swap3A_309 = tpu.vector_load %arg8[%swap3A_307, %swap3A_308] {strides = array<i32>} : memref<40x512xi32, #tpu.memory_space<vmem>>, vector<16xi32>,
      tpu.vector_store %arg8[%swap3A_307, %swap3A_308], %gather3A_228 {strides = array<i32>} : memref<40x512xi32, #tpu.memory_space<vmem>>, vector<16xi32>,
      %swap3A_310 = arith.index_cast %add3A_109 : i32 to index
      %swap3A_311 = arith.constant 400 : index
      %swap3A_312 = tpu.vector_load %arg8[%swap3A_310, %swap3A_311] {strides = array<i32>} : memref<40x512xi32, #tpu.memory_space<vmem>>, vector<16xi32>,
      tpu.vector_store %arg8[%swap3A_310, %swap3A_311], %gather3A_229 {strides = array<i32>} : memref<40x512xi32, #tpu.memory_space<vmem>>, vector<16xi32>,
      %swap3A_313 = arith.index_cast %add3A_109 : i32 to index
      %swap3A_314 = arith.constant 416 : index
      %swap3A_315 = tpu.vector_load %arg8[%swap3A_313, %swap3A_314] {strides = array<i32>} : memref<40x512xi32, #tpu.memory_space<vmem>>, vector<16xi32>,
      tpu.vector_store %arg8[%swap3A_313, %swap3A_314], %gather3A_230 {strides = array<i32>} : memref<40x512xi32, #tpu.memory_space<vmem>>, vector<16xi32>,
      %swap3A_316 = arith.index_cast %add3A_109 : i32 to index
      %swap3A_317 = arith.constant 432 : index
      %swap3A_318 = tpu.vector_load %arg8[%swap3A_316, %swap3A_317] {strides = array<i32>} : memref<40x512xi32, #tpu.memory_space<vmem>>, vector<16xi32>,
      tpu.vector_store %arg8[%swap3A_316, %swap3A_317], %gather3A_231 {strides = array<i32>} : memref<40x512xi32, #tpu.memory_space<vmem>>, vector<16xi32>,
      %swap3A_319 = arith.index_cast %add3A_109 : i32 to index
      %swap3A_320 = arith.constant 448 : index
      %swap3A_321 = tpu.vector_load %arg8[%swap3A_319, %swap3A_320] {strides = array<i32>} : memref<40x512xi32, #tpu.memory_space<vmem>>, vector<16xi32>,
      tpu.vector_store %arg8[%swap3A_319, %swap3A_320], %gather3A_232 {strides = array<i32>} : memref<40x512xi32, #tpu.memory_space<vmem>>, vector<16xi32>,
      %swap3A_322 = arith.index_cast %add3A_109 : i32 to index
      %swap3A_323 = arith.constant 464 : index
      %swap3A_324 = tpu.vector_load %arg8[%swap3A_322, %swap3A_323] {strides = array<i32>} : memref<40x512xi32, #tpu.memory_space<vmem>>, vector<16xi32>,
      tpu.vector_store %arg8[%swap3A_322, %swap3A_323], %gather3A_233 {strides = array<i32>} : memref<40x512xi32, #tpu.memory_space<vmem>>, vector<16xi32>,
      %swap3A_325 = arith.index_cast %add3A_109 : i32 to index
      %swap3A_326 = arith.constant 480 : index
      %swap3A_327 = tpu.vector_load %arg8[%swap3A_325, %swap3A_326] {strides = array<i32>} : memref<40x512xi32, #tpu.memory_space<vmem>>, vector<16xi32>,
      tpu.vector_store %arg8[%swap3A_325, %swap3A_326], %gather3A_234 {strides = array<i32>} : memref<40x512xi32, #tpu.memory_space<vmem>>, vector<16xi32>,
      %swap3A_328 = arith.index_cast %add3A_109 : i32 to index
      %swap3A_329 = arith.constant 496 : index
      %swap3A_330 = tpu.vector_load %arg8[%swap3A_328, %swap3A_329] {strides = array<i32>} : memref<40x512xi32, #tpu.memory_space<vmem>>, vector<16xi32>,
      tpu.vector_store %arg8[%swap3A_328, %swap3A_329], %gather3A_235 {strides = array<i32>} : memref<40x512xi32, #tpu.memory_space<vmem>>, vector<16xi32>,
    }
    %scan3A_54 = arith.constant 40 : i32
    %dma_start3A_55 = arith.constant 80 : i32
    %dma_start3A_56 = tpu.memref_slice %arg4[%dma_start3A_55, %mul3A_2] : memref<200x16384xi32, #tpu.memory_space<hbm>> -> memref<40x512xi32, #tpu.memory_space<hbm>>
    %dma_start3A_57 = arith.constant 80 : i32
    %dma_start3A_58 = tpu.memref_slice %arg4[%dma_start3A_57, %mul3A_2] : memref<200x16384xi32, #tpu.memory_space<hbm>> -> memref<40x512xi32, #tpu.memory_space<hbm>>
    tpu.enqueue_dma source(%arg8 : memref<40x512xi32, #tpu.memory_space<vmem>>) target(%dma_start3A_58 : memref<40x512xi32, #tpu.memory_space<hbm>>) target_semaphore(%arg12 : memref<!tpu.dma_semaphore, #tpu.memory_space<semaphore_mem>>)
    %dma_start3A_59 = arith.constant 160 : i32
    %dma_start3A_60 = tpu.memref_slice %arg3[%dma_start3A_59, %mul3A_2] : memref<200x16384xi32, #tpu.memory_space<hbm>> -> memref<40x512xi32, #tpu.memory_space<hbm>>
    %dma_start3A_61 = arith.constant 160 : i32
    %dma_start3A_62 = tpu.memref_slice %arg3[%dma_start3A_61, %mul3A_2] : memref<200x16384xi32, #tpu.memory_space<hbm>> -> memref<40x512xi32, #tpu.memory_space<hbm>>
    tpu.enqueue_dma source(%dma_start3A_62 : memref<40x512xi32, #tpu.memory_space<hbm>>) target(%arg6 : memref<40x512xi32, #tpu.memory_space<vmem>>) target_semaphore(%arg10 : memref<!tpu.dma_semaphore, #tpu.memory_space<semaphore_mem>>)
    %dma_wait3A_63 = arith.constant 120 : i32
    %dma_wait3A_64 = tpu.memref_slice %arg3[%dma_wait3A_63, %mul3A_2] : memref<200x16384xi32, #tpu.memory_space<hbm>> -> memref<40x512xi32, #tpu.memory_space<hbm>>
    %dma_wait3A_65 = arith.constant 120 : i32
    %dma_wait3A_66 = tpu.memref_slice %arg3[%dma_wait3A_65, %mul3A_2] : memref<200x16384xi32, #tpu.memory_space<hbm>> -> memref<40x512xi32, #tpu.memory_space<hbm>>
    tpu.wait_dma2 semaphore(%arg11 : memref<!tpu.dma_semaphore, #tpu.memory_space<semaphore_mem>>) src(%dma_wait3A_66 : memref<40x512xi32, #tpu.memory_space<hbm>>) dst(%arg7 : memref<40x512xi32, #tpu.memory_space<vmem>>)
    %dma_wait3A_67 = arith.constant 40 : i32
    %dma_wait3A_68 = tpu.memref_slice %arg4[%dma_wait3A_67, %mul3A_2] : memref<200x16384xi32, #tpu.memory_space<hbm>> -> memref<40x512xi32, #tpu.memory_space<hbm>>
    %dma_wait3A_69 = arith.constant 40 : i32
    %dma_wait3A_70 = tpu.memref_slice %arg4[%dma_wait3A_69, %mul3A_2] : memref<200x16384xi32, #tpu.memory_space<hbm>> -> memref<40x512xi32, #tpu.memory_space<hbm>>
    tpu.wait_dma2 semaphore(%arg13 : memref<!tpu.dma_semaphore, #tpu.memory_space<semaphore_mem>>) src(%arg9 : memref<40x512xi32, #tpu.memory_space<vmem>>) dst(%dma_wait3A_70 : memref<40x512xi32, #tpu.memory_space<hbm>>)
    %scan3A_71 = arith.constant 0 : i32
    %scan3A_72 = arith.constant 40 : i32
    %scan3A_73 = arith.addi %scan3A_71, %scan3A_72 : i32
    %scan3A_74 = arith.constant 1 : i32
    scf.for %scan3A_105 = %scan3A_71 to %scan3A_73 step %scan3A_74  : i32 {
      %mul3A_106 = arith.constant 1 : i32
      %mul3A_107 = arith.muli %scan3A_105, %mul3A_106 : i32
      %add3A_108 = arith.constant 0 : i32
      %add3A_109 = arith.addi %add3A_108, %mul3A_107 : i32
      %get3A = arith.index_cast %add3A_109 : i32 to index
      %get3A_110 = arith.constant 0 : index
      %get3A_111 = tpu.vector_load %arg7[%get3A, %get3A_110] {strides = array<i32>} : memref<40x512xi32, #tpu.memory_space<vmem>>, vector<16xi32>,
      %get3A_112 = arith.index_cast %add3A_109 : i32 to index
      %get3A_113 = arith.constant 16 : index
      %get3A_114 = tpu.vector_load %arg7[%get3A_112, %get3A_113] {strides = array<i32>} : memref<40x512xi32, #tpu.memory_space<vmem>>, vector<16xi32>,
      %get3A_115 = arith.index_cast %add3A_109 : i32 to index
      %get3A_116 = arith.constant 32 : index
      %get3A_117 = tpu.vector_load %arg7[%get3A_115, %get3A_116] {strides = array<i32>} : memref<40x512xi32, #tpu.memory_space<vmem>>, vector<16xi32>,
      %get3A_118 = arith.index_cast %add3A_109 : i32 to index
      %get3A_119 = arith.constant 48 : index
      %get3A_120 = tpu.vector_load %arg7[%get3A_118, %get3A_119] {strides = array<i32>} : memref<40x512xi32, #tpu.memory_space<vmem>>, vector<16xi32>,
      %get3A_121 = arith.index_cast %add3A_109 : i32 to index
      %get3A_122 = arith.constant 64 : index
      %get3A_123 = tpu.vector_load %arg7[%get3A_121, %get3A_122] {strides = array<i32>} : memref<40x512xi32, #tpu.memory_space<vmem>>, vector<16xi32>,
      %get3A_124 = arith.index_cast %add3A_109 : i32 to index
      %get3A_125 = arith.constant 80 : index
      %get3A_126 = tpu.vector_load %arg7[%get3A_124, %get3A_125] {strides = array<i32>} : memref<40x512xi32, #tpu.memory_space<vmem>>, vector<16xi32>,
      %get3A_127 = arith.index_cast %add3A_109 : i32 to index
      %get3A_128 = arith.constant 96 : index
      %get3A_129 = tpu.vector_load %arg7[%get3A_127, %get3A_128] {strides = array<i32>} : memref<40x512xi32, #tpu.memory_space<vmem>>, vector<16xi32>,
      %get3A_130 = arith.index_cast %add3A_109 : i32 to index
      %get3A_131 = arith.constant 112 : index
      %get3A_132 = tpu.vector_load %arg7[%get3A_130, %get3A_131] {strides = array<i32>} : memref<40x512xi32, #tpu.memory_space<vmem>>, vector<16xi32>,
      %get3A_133 = arith.index_cast %add3A_109 : i32 to index
      %get3A_134 = arith.constant 128 : index
      %get3A_135 = tpu.vector_load %arg7[%get3A_133, %get3A_134] {strides = array<i32>} : memref<40x512xi32, #tpu.memory_space<vmem>>, vector<16xi32>,
      %get3A_136 = arith.index_cast %add3A_109 : i32 to index
      %get3A_137 = arith.constant 144 : index
      %get3A_138 = tpu.vector_load %arg7[%get3A_136, %get3A_137] {strides = array<i32>} : memref<40x512xi32, #tpu.memory_space<vmem>>, vector<16xi32>,
      %get3A_139 = arith.index_cast %add3A_109 : i32 to index
      %get3A_140 = arith.constant 160 : index
      %get3A_141 = tpu.vector_load %arg7[%get3A_139, %get3A_140] {strides = array<i32>} : memref<40x512xi32, #tpu.memory_space<vmem>>, vector<16xi32>,
      %get3A_142 = arith.index_cast %add3A_109 : i32 to index
      %get3A_143 = arith.constant 176 : index
      %get3A_144 = tpu.vector_load %arg7[%get3A_142, %get3A_143] {strides = array<i32>} : memref<40x512xi32, #tpu.memory_space<vmem>>, vector<16xi32>,
      %get3A_145 = arith.index_cast %add3A_109 : i32 to index
      %get3A_146 = arith.constant 192 : index
      %get3A_147 = tpu.vector_load %arg7[%get3A_145, %get3A_146] {strides = array<i32>} : memref<40x512xi32, #tpu.memory_space<vmem>>, vector<16xi32>,
      %get3A_148 = arith.index_cast %add3A_109 : i32 to index
      %get3A_149 = arith.constant 208 : index
      %get3A_150 = tpu.vector_load %arg7[%get3A_148, %get3A_149] {strides = array<i32>} : memref<40x512xi32, #tpu.memory_space<vmem>>, vector<16xi32>,
      %get3A_151 = arith.index_cast %add3A_109 : i32 to index
      %get3A_152 = arith.constant 224 : index
      %get3A_153 = tpu.vector_load %arg7[%get3A_151, %get3A_152] {strides = array<i32>} : memref<40x512xi32, #tpu.memory_space<vmem>>, vector<16xi32>,
      %get3A_154 = arith.index_cast %add3A_109 : i32 to index
      %get3A_155 = arith.constant 240 : index
      %get3A_156 = tpu.vector_load %arg7[%get3A_154, %get3A_155] {strides = array<i32>} : memref<40x512xi32, #tpu.memory_space<vmem>>, vector<16xi32>,
      %get3A_157 = arith.index_cast %add3A_109 : i32 to index
      %get3A_158 = arith.constant 256 : index
      %get3A_159 = tpu.vector_load %arg7[%get3A_157, %get3A_158] {strides = array<i32>} : memref<40x512xi32, #tpu.memory_space<vmem>>, vector<16xi32>,
      %get3A_160 = arith.index_cast %add3A_109 : i32 to index
      %get3A_161 = arith.constant 272 : index
      %get3A_162 = tpu.vector_load %arg7[%get3A_160, %get3A_161] {strides = array<i32>} : memref<40x512xi32, #tpu.memory_space<vmem>>, vector<16xi32>,
      %get3A_163 = arith.index_cast %add3A_109 : i32 to index
      %get3A_164 = arith.constant 288 : index
      %get3A_165 = tpu.vector_load %arg7[%get3A_163, %get3A_164] {strides = array<i32>} : memref<40x512xi32, #tpu.memory_space<vmem>>, vector<16xi32>,
      %get3A_166 = arith.index_cast %add3A_109 : i32 to index
      %get3A_167 = arith.constant 304 : index
      %get3A_168 = tpu.vector_load %arg7[%get3A_166, %get3A_167] {strides = array<i32>} : memref<40x512xi32, #tpu.memory_space<vmem>>, vector<16xi32>,
      %get3A_169 = arith.index_cast %add3A_109 : i32 to index
      %get3A_170 = arith.constant 320 : index
      %get3A_171 = tpu.vector_load %arg7[%get3A_169, %get3A_170] {strides = array<i32>} : memref<40x512xi32, #tpu.memory_space<vmem>>, vector<16xi32>,
      %get3A_172 = arith.index_cast %add3A_109 : i32 to index
      %get3A_173 = arith.constant 336 : index
      %get3A_174 = tpu.vector_load %arg7[%get3A_172, %get3A_173] {strides = array<i32>} : memref<40x512xi32, #tpu.memory_space<vmem>>, vector<16xi32>,
      %get3A_175 = arith.index_cast %add3A_109 : i32 to index
      %get3A_176 = arith.constant 352 : index
      %get3A_177 = tpu.vector_load %arg7[%get3A_175, %get3A_176] {strides = array<i32>} : memref<40x512xi32, #tpu.memory_space<vmem>>, vector<16xi32>,
      %get3A_178 = arith.index_cast %add3A_109 : i32 to index
      %get3A_179 = arith.constant 368 : index
      %get3A_180 = tpu.vector_load %arg7[%get3A_178, %get3A_179] {strides = array<i32>} : memref<40x512xi32, #tpu.memory_space<vmem>>, vector<16xi32>,
      %get3A_181 = arith.index_cast %add3A_109 : i32 to index
      %get3A_182 = arith.constant 384 : index
      %get3A_183 = tpu.vector_load %arg7[%get3A_181, %get3A_182] {strides = array<i32>} : memref<40x512xi32, #tpu.memory_space<vmem>>, vector<16xi32>,
      %get3A_184 = arith.index_cast %add3A_109 : i32 to index
      %get3A_185 = arith.constant 400 : index
      %get3A_186 = tpu.vector_load %arg7[%get3A_184, %get3A_185] {strides = array<i32>} : memref<40x512xi32, #tpu.memory_space<vmem>>, vector<16xi32>,
      %get3A_187 = arith.index_cast %add3A_109 : i32 to index
      %get3A_188 = arith.constant 416 : index
      %get3A_189 = tpu.vector_load %arg7[%get3A_187, %get3A_188] {strides = array<i32>} : memref<40x512xi32, #tpu.memory_space<vmem>>, vector<16xi32>,
      %get3A_190 = arith.index_cast %add3A_109 : i32 to index
      %get3A_191 = arith.constant 432 : index
      %get3A_192 = tpu.vector_load %arg7[%get3A_190, %get3A_191] {strides = array<i32>} : memref<40x512xi32, #tpu.memory_space<vmem>>, vector<16xi32>,
      %get3A_193 = arith.index_cast %add3A_109 : i32 to index
      %get3A_194 = arith.constant 448 : index
      %get3A_195 = tpu.vector_load %arg7[%get3A_193, %get3A_194] {strides = array<i32>} : memref<40x512xi32, #tpu.memory_space<vmem>>, vector<16xi32>,
      %get3A_196 = arith.index_cast %add3A_109 : i32 to index
      %get3A_197 = arith.constant 464 : index
      %get3A_198 = tpu.vector_load %arg7[%get3A_196, %get3A_197] {strides = array<i32>} : memref<40x512xi32, #tpu.memory_space<vmem>>, vector<16xi32>,
      %get3A_199 = arith.index_cast %add3A_109 : i32 to index
      %get3A_200 = arith.constant 480 : index
      %get3A_201 = tpu.vector_load %arg7[%get3A_199, %get3A_200] {strides = array<i32>} : memref<40x512xi32, #tpu.memory_space<vmem>>, vector<16xi32>,
      %get3A_202 = arith.index_cast %add3A_109 : i32 to index
      %get3A_203 = arith.constant 496 : index
      %get3A_204 = tpu.vector_load %arg7[%get3A_202, %get3A_203] {strides = array<i32>} : memref<40x512xi32, #tpu.memory_space<vmem>>, vector<16xi32>,
      %gather3A = tpu.vector_load_idx %arg5[%get3A_111] : memref<1000xi32, #tpu.memory_space<vmem>>[vector<16xi32>], vector<16xi32>,
      %gather3A_205 = tpu.vector_load_idx %arg5[%get3A_114] : memref<1000xi32, #tpu.memory_space<vmem>>[vector<16xi32>], vector<16xi32>,
      %gather3A_206 = tpu.vector_load_idx %arg5[%get3A_117] : memref<1000xi32, #tpu.memory_space<vmem>>[vector<16xi32>], vector<16xi32>,
      %gather3A_207 = tpu.vector_load_idx %arg5[%get3A_120] : memref<1000xi32, #tpu.memory_space<vmem>>[vector<16xi32>], vector<16xi32>,
      %gather3A_208 = tpu.vector_load_idx %arg5[%get3A_123] : memref<1000xi32, #tpu.memory_space<vmem>>[vector<16xi32>], vector<16xi32>,
      %gather3A_209 = tpu.vector_load_idx %arg5[%get3A_126] : memref<1000xi32, #tpu.memory_space<vmem>>[vector<16xi32>], vector<16xi32>,
      %gather3A_210 = tpu.vector_load_idx %arg5[%get3A_129] : memref<1000xi32, #tpu.memory_space<vmem>>[vector<16xi32>], vector<16xi32>,
      %gather3A_211 = tpu.vector_load_idx %arg5[%get3A_132] : memref<1000xi32, #tpu.memory_space<vmem>>[vector<16xi32>], vector<16xi32>,
      %gather3A_212 = tpu.vector_load_idx %arg5[%get3A_135] : memref<1000xi32, #tpu.memory_space<vmem>>[vector<16xi32>], vector<16xi32>,
      %gather3A_213 = tpu.vector_load_idx %arg5[%get3A_138] : memref<1000xi32, #tpu.memory_space<vmem>>[vector<16xi32>], vector<16xi32>,
      %gather3A_214 = tpu.vector_load_idx %arg5[%get3A_141] : memref<1000xi32, #tpu.memory_space<vmem>>[vector<16xi32>], vector<16xi32>,
      %gather3A_215 = tpu.vector_load_idx %arg5[%get3A_144] : memref<1000xi32, #tpu.memory_space<vmem>>[vector<16xi32>], vector<16xi32>,
      %gather3A_216 = tpu.vector_load_idx %arg5[%get3A_147] : memref<1000xi32, #tpu.memory_space<vmem>>[vector<16xi32>], vector<16xi32>,
      %gather3A_217 = tpu.vector_load_idx %arg5[%get3A_150] : memref<1000xi32, #tpu.memory_space<vmem>>[vector<16xi32>], vector<16xi32>,
      %gather3A_218 = tpu.vector_load_idx %arg5[%get3A_153] : memref<1000xi32, #tpu.memory_space<vmem>>[vector<16xi32>], vector<16xi32>,
      %gather3A_219 = tpu.vector_load_idx %arg5[%get3A_156] : memref<1000xi32, #tpu.memory_space<vmem>>[vector<16xi32>], vector<16xi32>,
      %gather3A_220 = tpu.vector_load_idx %arg5[%get3A_159] : memref<1000xi32, #tpu.memory_space<vmem>>[vector<16xi32>], vector<16xi32>,
      %gather3A_221 = tpu.vector_load_idx %arg5[%get3A_162] : memref<1000xi32, #tpu.memory_space<vmem>>[vector<16xi32>], vector<16xi32>,
      %gather3A_222 = tpu.vector_load_idx %arg5[%get3A_165] : memref<1000xi32, #tpu.memory_space<vmem>>[vector<16xi32>], vector<16xi32>,
      %gather3A_223 = tpu.vector_load_idx %arg5[%get3A_168] : memref<1000xi32, #tpu.memory_space<vmem>>[vector<16xi32>], vector<16xi32>,
      %gather3A_224 = tpu.vector_load_idx %arg5[%get3A_171] : memref<1000xi32, #tpu.memory_space<vmem>>[vector<16xi32>], vector<16xi32>,
      %gather3A_225 = tpu.vector_load_idx %arg5[%get3A_174] : memref<1000xi32, #tpu.memory_space<vmem>>[vector<16xi32>], vector<16xi32>,
      %gather3A_226 = tpu.vector_load_idx %arg5[%get3A_177] : memref<1000xi32, #tpu.memory_space<vmem>>[vector<16xi32>], vector<16xi32>,
      %gather3A_227 = tpu.vector_load_idx %arg5[%get3A_180] : memref<1000xi32, #tpu.memory_space<vmem>>[vector<16xi32>], vector<16xi32>,
      %gather3A_228 = tpu.vector_load_idx %arg5[%get3A_183] : memref<1000xi32, #tpu.memory_space<vmem>>[vector<16xi32>], vector<16xi32>,
      %gather3A_229 = tpu.vector_load_idx %arg5[%get3A_186] : memref<1000xi32, #tpu.memory_space<vmem>>[vector<16xi32>], vector<16xi32>,
      %gather3A_230 = tpu.vector_load_idx %arg5[%get3A_189] : memref<1000xi32, #tpu.memory_space<vmem>>[vector<16xi32>], vector<16xi32>,
      %gather3A_231 = tpu.vector_load_idx %arg5[%get3A_192] : memref<1000xi32, #tpu.memory_space<vmem>>[vector<16xi32>], vector<16xi32>,
      %gather3A_232 = tpu.vector_load_idx %arg5[%get3A_195] : memref<1000xi32, #tpu.memory_space<vmem>>[vector<16xi32>], vector<16xi32>,
      %gather3A_233 = tpu.vector_load_idx %arg5[%get3A_198] : memref<1000xi32, #tpu.memory_space<vmem>>[vector<16xi32>], vector<16xi32>,
      %gather3A_234 = tpu.vector_load_idx %arg5[%get3A_201] : memref<1000xi32, #tpu.memory_space<vmem>>[vector<16xi32>], vector<16xi32>,
      %gather3A_235 = tpu.vector_load_idx %arg5[%get3A_204] : memref<1000xi32, #tpu.memory_space<vmem>>[vector<16xi32>], vector<16xi32>,
      %swap3A = arith.index_cast %add3A_109 : i32 to index
      %swap3A_236 = arith.constant 0 : index
      %swap3A_237 = tpu.vector_load %arg9[%swap3A, %swap3A_236] {strides = array<i32>} : memref<40x512xi32, #tpu.memory_space<vmem>>, vector<16xi32>,
      tpu.vector_store %arg9[%swap3A, %swap3A_236], %gather3A {strides = array<i32>} : memref<40x512xi32, #tpu.memory_space<vmem>>, vector<16xi32>,
      %swap3A_238 = arith.index_cast %add3A_109 : i32 to index
      %swap3A_239 = arith.constant 16 : index
      %swap3A_240 = tpu.vector_load %arg9[%swap3A_238, %swap3A_239] {strides = array<i32>} : memref<40x512xi32, #tpu.memory_space<vmem>>, vector<16xi32>,
      tpu.vector_store %arg9[%swap3A_238, %swap3A_239], %gather3A_205 {strides = array<i32>} : memref<40x512xi32, #tpu.memory_space<vmem>>, vector<16xi32>,
      %swap3A_241 = arith.index_cast %add3A_109 : i32 to index
      %swap3A_242 = arith.constant 32 : index
      %swap3A_243 = tpu.vector_load %arg9[%swap3A_241, %swap3A_242] {strides = array<i32>} : memref<40x512xi32, #tpu.memory_space<vmem>>, vector<16xi32>,
      tpu.vector_store %arg9[%swap3A_241, %swap3A_242], %gather3A_206 {strides = array<i32>} : memref<40x512xi32, #tpu.memory_space<vmem>>, vector<16xi32>,
      %swap3A_244 = arith.index_cast %add3A_109 : i32 to index
      %swap3A_245 = arith.constant 48 : index
      %swap3A_246 = tpu.vector_load %arg9[%swap3A_244, %swap3A_245] {strides = array<i32>} : memref<40x512xi32, #tpu.memory_space<vmem>>, vector<16xi32>,
      tpu.vector_store %arg9[%swap3A_244, %swap3A_245], %gather3A_207 {strides = array<i32>} : memref<40x512xi32, #tpu.memory_space<vmem>>, vector<16xi32>,
      %swap3A_247 = arith.index_cast %add3A_109 : i32 to index
      %swap3A_248 = arith.constant 64 : index
      %swap3A_249 = tpu.vector_load %arg9[%swap3A_247, %swap3A_248] {strides = array<i32>} : memref<40x512xi32, #tpu.memory_space<vmem>>, vector<16xi32>,
      tpu.vector_store %arg9[%swap3A_247, %swap3A_248], %gather3A_208 {strides = array<i32>} : memref<40x512xi32, #tpu.memory_space<vmem>>, vector<16xi32>,
      %swap3A_250 = arith.index_cast %add3A_109 : i32 to index
      %swap3A_251 = arith.constant 80 : index
      %swap3A_252 = tpu.vector_load %arg9[%swap3A_250, %swap3A_251] {strides = array<i32>} : memref<40x512xi32, #tpu.memory_space<vmem>>, vector<16xi32>,
      tpu.vector_store %arg9[%swap3A_250, %swap3A_251], %gather3A_209 {strides = array<i32>} : memref<40x512xi32, #tpu.memory_space<vmem>>, vector<16xi32>,
      %swap3A_253 = arith.index_cast %add3A_109 : i32 to index
      %swap3A_254 = arith.constant 96 : index
      %swap3A_255 = tpu.vector_load %arg9[%swap3A_253, %swap3A_254] {strides = array<i32>} : memref<40x512xi32, #tpu.memory_space<vmem>>, vector<16xi32>,
      tpu.vector_store %arg9[%swap3A_253, %swap3A_254], %gather3A_210 {strides = array<i32>} : memref<40x512xi32, #tpu.memory_space<vmem>>, vector<16xi32>,
      %swap3A_256 = arith.index_cast %add3A_109 : i32 to index
      %swap3A_257 = arith.constant 112 : index
      %swap3A_258 = tpu.vector_load %arg9[%swap3A_256, %swap3A_257] {strides = array<i32>} : memref<40x512xi32, #tpu.memory_space<vmem>>, vector<16xi32>,
      tpu.vector_store %arg9[%swap3A_256, %swap3A_257], %gather3A_211 {strides = array<i32>} : memref<40x512xi32, #tpu.memory_space<vmem>>, vector<16xi32>,
      %swap3A_259 = arith.index_cast %add3A_109 : i32 to index
      %swap3A_260 = arith.constant 128 : index
      %swap3A_261 = tpu.vector_load %arg9[%swap3A_259, %swap3A_260] {strides = array<i32>} : memref<40x512xi32, #tpu.memory_space<vmem>>, vector<16xi32>,
      tpu.vector_store %arg9[%swap3A_259, %swap3A_260], %gather3A_212 {strides = array<i32>} : memref<40x512xi32, #tpu.memory_space<vmem>>, vector<16xi32>,
      %swap3A_262 = arith.index_cast %add3A_109 : i32 to index
      %swap3A_263 = arith.constant 144 : index
      %swap3A_264 = tpu.vector_load %arg9[%swap3A_262, %swap3A_263] {strides = array<i32>} : memref<40x512xi32, #tpu.memory_space<vmem>>, vector<16xi32>,
      tpu.vector_store %arg9[%swap3A_262, %swap3A_263], %gather3A_213 {strides = array<i32>} : memref<40x512xi32, #tpu.memory_space<vmem>>, vector<16xi32>,
      %swap3A_265 = arith.index_cast %add3A_109 : i32 to index
      %swap3A_266 = arith.constant 160 : index
      %swap3A_267 = tpu.vector_load %arg9[%swap3A_265, %swap3A_266] {strides = array<i32>} : memref<40x512xi32, #tpu.memory_space<vmem>>, vector<16xi32>,
      tpu.vector_store %arg9[%swap3A_265, %swap3A_266], %gather3A_214 {strides = array<i32>} : memref<40x512xi32, #tpu.memory_space<vmem>>, vector<16xi32>,
      %swap3A_268 = arith.index_cast %add3A_109 : i32 to index
      %swap3A_269 = arith.constant 176 : index
      %swap3A_270 = tpu.vector_load %arg9[%swap3A_268, %swap3A_269] {strides = array<i32>} : memref<40x512xi32, #tpu.memory_space<vmem>>, vector<16xi32>,
      tpu.vector_store %arg9[%swap3A_268, %swap3A_269], %gather3A_215 {strides = array<i32>} : memref<40x512xi32, #tpu.memory_space<vmem>>, vector<16xi32>,
      %swap3A_271 = arith.index_cast %add3A_109 : i32 to index
      %swap3A_272 = arith.constant 192 : index
      %swap3A_273 = tpu.vector_load %arg9[%swap3A_271, %swap3A_272] {strides = array<i32>} : memref<40x512xi32, #tpu.memory_space<vmem>>, vector<16xi32>,
      tpu.vector_store %arg9[%swap3A_271, %swap3A_272], %gather3A_216 {strides = array<i32>} : memref<40x512xi32, #tpu.memory_space<vmem>>, vector<16xi32>,
      %swap3A_274 = arith.index_cast %add3A_109 : i32 to index
      %swap3A_275 = arith.constant 208 : index
      %swap3A_276 = tpu.vector_load %arg9[%swap3A_274, %swap3A_275] {strides = array<i32>} : memref<40x512xi32, #tpu.memory_space<vmem>>, vector<16xi32>,
      tpu.vector_store %arg9[%swap3A_274, %swap3A_275], %gather3A_217 {strides = array<i32>} : memref<40x512xi32, #tpu.memory_space<vmem>>, vector<16xi32>,
      %swap3A_277 = arith.index_cast %add3A_109 : i32 to index
      %swap3A_278 = arith.constant 224 : index
      %swap3A_279 = tpu.vector_load %arg9[%swap3A_277, %swap3A_278] {strides = array<i32>} : memref<40x512xi32, #tpu.memory_space<vmem>>, vector<16xi32>,
      tpu.vector_store %arg9[%swap3A_277, %swap3A_278], %gather3A_218 {strides = array<i32>} : memref<40x512xi32, #tpu.memory_space<vmem>>, vector<16xi32>,
      %swap3A_280 = arith.index_cast %add3A_109 : i32 to index
      %swap3A_281 = arith.constant 240 : index
      %swap3A_282 = tpu.vector_load %arg9[%swap3A_280, %swap3A_281] {strides = array<i32>} : memref<40x512xi32, #tpu.memory_space<vmem>>, vector<16xi32>,
      tpu.vector_store %arg9[%swap3A_280, %swap3A_281], %gather3A_219 {strides = array<i32>} : memref<40x512xi32, #tpu.memory_space<vmem>>, vector<16xi32>,
      %swap3A_283 = arith.index_cast %add3A_109 : i32 to index
      %swap3A_284 = arith.constant 256 : index
      %swap3A_285 = tpu.vector_load %arg9[%swap3A_283, %swap3A_284] {strides = array<i32>} : memref<40x512xi32, #tpu.memory_space<vmem>>, vector<16xi32>,
      tpu.vector_store %arg9[%swap3A_283, %swap3A_284], %gather3A_220 {strides = array<i32>} : memref<40x512xi32, #tpu.memory_space<vmem>>, vector<16xi32>,
      %swap3A_286 = arith.index_cast %add3A_109 : i32 to index
      %swap3A_287 = arith.constant 272 : index
      %swap3A_288 = tpu.vector_load %arg9[%swap3A_286, %swap3A_287] {strides = array<i32>} : memref<40x512xi32, #tpu.memory_space<vmem>>, vector<16xi32>,
      tpu.vector_store %arg9[%swap3A_286, %swap3A_287], %gather3A_221 {strides = array<i32>} : memref<40x512xi32, #tpu.memory_space<vmem>>, vector<16xi32>,
      %swap3A_289 = arith.index_cast %add3A_109 : i32 to index
      %swap3A_290 = arith.constant 288 : index
      %swap3A_291 = tpu.vector_load %arg9[%swap3A_289, %swap3A_290] {strides = array<i32>} : memref<40x512xi32, #tpu.memory_space<vmem>>, vector<16xi32>,
      tpu.vector_store %arg9[%swap3A_289, %swap3A_290], %gather3A_222 {strides = array<i32>} : memref<40x512xi32, #tpu.memory_space<vmem>>, vector<16xi32>,
      %swap3A_292 = arith.index_cast %add3A_109 : i32 to index
      %swap3A_293 = arith.constant 304 : index
      %swap3A_294 = tpu.vector_load %arg9[%swap3A_292, %swap3A_293] {strides = array<i32>} : memref<40x512xi32, #tpu.memory_space<vmem>>, vector<16xi32>,
      tpu.vector_store %arg9[%swap3A_292, %swap3A_293], %gather3A_223 {strides = array<i32>} : memref<40x512xi32, #tpu.memory_space<vmem>>, vector<16xi32>,
      %swap3A_295 = arith.index_cast %add3A_109 : i32 to index
      %swap3A_296 = arith.constant 320 : index
      %swap3A_297 = tpu.vector_load %arg9[%swap3A_295, %swap3A_296] {strides = array<i32>} : memref<40x512xi32, #tpu.memory_space<vmem>>, vector<16xi32>,
      tpu.vector_store %arg9[%swap3A_295, %swap3A_296], %gather3A_224 {strides = array<i32>} : memref<40x512xi32, #tpu.memory_space<vmem>>, vector<16xi32>,
      %swap3A_298 = arith.index_cast %add3A_109 : i32 to index
      %swap3A_299 = arith.constant 336 : index
      %swap3A_300 = tpu.vector_load %arg9[%swap3A_298, %swap3A_299] {strides = array<i32>} : memref<40x512xi32, #tpu.memory_space<vmem>>, vector<16xi32>,
      tpu.vector_store %arg9[%swap3A_298, %swap3A_299], %gather3A_225 {strides = array<i32>} : memref<40x512xi32, #tpu.memory_space<vmem>>, vector<16xi32>,
      %swap3A_301 = arith.index_cast %add3A_109 : i32 to index
      %swap3A_302 = arith.constant 352 : index
      %swap3A_303 = tpu.vector_load %arg9[%swap3A_301, %swap3A_302] {strides = array<i32>} : memref<40x512xi32, #tpu.memory_space<vmem>>, vector<16xi32>,
      tpu.vector_store %arg9[%swap3A_301, %swap3A_302], %gather3A_226 {strides = array<i32>} : memref<40x512xi32, #tpu.memory_space<vmem>>, vector<16xi32>,
      %swap3A_304 = arith.index_cast %add3A_109 : i32 to index
      %swap3A_305 = arith.constant 368 : index
      %swap3A_306 = tpu.vector_load %arg9[%swap3A_304, %swap3A_305] {strides = array<i32>} : memref<40x512xi32, #tpu.memory_space<vmem>>, vector<16xi32>,
      tpu.vector_store %arg9[%swap3A_304, %swap3A_305], %gather3A_227 {strides = array<i32>} : memref<40x512xi32, #tpu.memory_space<vmem>>, vector<16xi32>,
      %swap3A_307 = arith.index_cast %add3A_109 : i32 to index
      %swap3A_308 = arith.constant 384 : index
      %swap3A_309 = tpu.vector_load %arg9[%swap3A_307, %swap3A_308] {strides = array<i32>} : memref<40x512xi32, #tpu.memory_space<vmem>>, vector<16xi32>,
      tpu.vector_store %arg9[%swap3A_307, %swap3A_308], %gather3A_228 {strides = array<i32>} : memref<40x512xi32, #tpu.memory_space<vmem>>, vector<16xi32>,
      %swap3A_310 = arith.index_cast %add3A_109 : i32 to index
      %swap3A_311 = arith.constant 400 : index
      %swap3A_312 = tpu.vector_load %arg9[%swap3A_310, %swap3A_311] {strides = array<i32>} : memref<40x512xi32, #tpu.memory_space<vmem>>, vector<16xi32>,
      tpu.vector_store %arg9[%swap3A_310, %swap3A_311], %gather3A_229 {strides = array<i32>} : memref<40x512xi32, #tpu.memory_space<vmem>>, vector<16xi32>,
      %swap3A_313 = arith.index_cast %add3A_109 : i32 to index
      %swap3A_314 = arith.constant 416 : index
      %swap3A_315 = tpu.vector_load %arg9[%swap3A_313, %swap3A_314] {strides = array<i32>} : memref<40x512xi32, #tpu.memory_space<vmem>>, vector<16xi32>,
      tpu.vector_store %arg9[%swap3A_313, %swap3A_314], %gather3A_230 {strides = array<i32>} : memref<40x512xi32, #tpu.memory_space<vmem>>, vector<16xi32>,
      %swap3A_316 = arith.index_cast %add3A_109 : i32 to index
      %swap3A_317 = arith.constant 432 : index
      %swap3A_318 = tpu.vector_load %arg9[%swap3A_316, %swap3A_317] {strides = array<i32>} : memref<40x512xi32, #tpu.memory_space<vmem>>, vector<16xi32>,
      tpu.vector_store %arg9[%swap3A_316, %swap3A_317], %gather3A_231 {strides = array<i32>} : memref<40x512xi32, #tpu.memory_space<vmem>>, vector<16xi32>,
      %swap3A_319 = arith.index_cast %add3A_109 : i32 to index
      %swap3A_320 = arith.constant 448 : index
      %swap3A_321 = tpu.vector_load %arg9[%swap3A_319, %swap3A_320] {strides = array<i32>} : memref<40x512xi32, #tpu.memory_space<vmem>>, vector<16xi32>,
      tpu.vector_store %arg9[%swap3A_319, %swap3A_320], %gather3A_232 {strides = array<i32>} : memref<40x512xi32, #tpu.memory_space<vmem>>, vector<16xi32>,
      %swap3A_322 = arith.index_cast %add3A_109 : i32 to index
      %swap3A_323 = arith.constant 464 : index
      %swap3A_324 = tpu.vector_load %arg9[%swap3A_322, %swap3A_323] {strides = array<i32>} : memref<40x512xi32, #tpu.memory_space<vmem>>, vector<16xi32>,
      tpu.vector_store %arg9[%swap3A_322, %swap3A_323], %gather3A_233 {strides = array<i32>} : memref<40x512xi32, #tpu.memory_space<vmem>>, vector<16xi32>,
      %swap3A_325 = arith.index_cast %add3A_109 : i32 to index
      %swap3A_326 = arith.constant 480 : index
      %swap3A_327 = tpu.vector_load %arg9[%swap3A_325, %swap3A_326] {strides = array<i32>} : memref<40x512xi32, #tpu.memory_space<vmem>>, vector<16xi32>,
      tpu.vector_store %arg9[%swap3A_325, %swap3A_326], %gather3A_234 {strides = array<i32>} : memref<40x512xi32, #tpu.memory_space<vmem>>, vector<16xi32>,
      %swap3A_328 = arith.index_cast %add3A_109 : i32 to index
      %swap3A_329 = arith.constant 496 : index
      %swap3A_330 = tpu.vector_load %arg9[%swap3A_328, %swap3A_329] {strides = array<i32>} : memref<40x512xi32, #tpu.memory_space<vmem>>, vector<16xi32>,
      tpu.vector_store %arg9[%swap3A_328, %swap3A_329], %gather3A_235 {strides = array<i32>} : memref<40x512xi32, #tpu.memory_space<vmem>>, vector<16xi32>,
    }
    %scan3A_75 = arith.constant 40 : i32
    %dma_start3A_76 = arith.constant 120 : i32
    %dma_start3A_77 = tpu.memref_slice %arg4[%dma_start3A_76, %mul3A_2] : memref<200x16384xi32, #tpu.memory_space<hbm>> -> memref<40x512xi32, #tpu.memory_space<hbm>>
    %dma_start3A_78 = arith.constant 120 : i32
    %dma_start3A_79 = tpu.memref_slice %arg4[%dma_start3A_78, %mul3A_2] : memref<200x16384xi32, #tpu.memory_space<hbm>> -> memref<40x512xi32, #tpu.memory_space<hbm>>
    tpu.enqueue_dma source(%arg9 : memref<40x512xi32, #tpu.memory_space<vmem>>) target(%dma_start3A_79 : memref<40x512xi32, #tpu.memory_space<hbm>>) target_semaphore(%arg13 : memref<!tpu.dma_semaphore, #tpu.memory_space<semaphore_mem>>)
    %dma_wait3A_80 = arith.constant 160 : i32
    %dma_wait3A_81 = tpu.memref_slice %arg3[%dma_wait3A_80, %mul3A_2] : memref<200x16384xi32, #tpu.memory_space<hbm>> -> memref<40x512xi32, #tpu.memory_space<hbm>>
    %dma_wait3A_82 = arith.constant 160 : i32
    %dma_wait3A_83 = tpu.memref_slice %arg3[%dma_wait3A_82, %mul3A_2] : memref<200x16384xi32, #tpu.memory_space<hbm>> -> memref<40x512xi32, #tpu.memory_space<hbm>>
    tpu.wait_dma2 semaphore(%arg10 : memref<!tpu.dma_semaphore, #tpu.memory_space<semaphore_mem>>) src(%dma_wait3A_83 : memref<40x512xi32, #tpu.memory_space<hbm>>) dst(%arg6 : memref<40x512xi32, #tpu.memory_space<vmem>>)
    %dma_wait3A_84 = arith.constant 80 : i32
    %dma_wait3A_85 = tpu.memref_slice %arg4[%dma_wait3A_84, %mul3A_2] : memref<200x16384xi32, #tpu.memory_space<hbm>> -> memref<40x512xi32, #tpu.memory_space<hbm>>
    %dma_wait3A_86 = arith.constant 80 : i32
    %dma_wait3A_87 = tpu.memref_slice %arg4[%dma_wait3A_86, %mul3A_2] : memref<200x16384xi32, #tpu.memory_space<hbm>> -> memref<40x512xi32, #tpu.memory_space<hbm>>
    tpu.wait_dma2 semaphore(%arg12 : memref<!tpu.dma_semaphore, #tpu.memory_space<semaphore_mem>>) src(%arg8 : memref<40x512xi32, #tpu.memory_space<vmem>>) dst(%dma_wait3A_87 : memref<40x512xi32, #tpu.memory_space<hbm>>)
    %scan3A_88 = arith.constant 0 : i32
    %scan3A_89 = arith.constant 40 : i32
    %scan3A_90 = arith.addi %scan3A_88, %scan3A_89 : i32
    %scan3A_91 = arith.constant 1 : i32
    scf.for %scan3A_105 = %scan3A_88 to %scan3A_90 step %scan3A_91  : i32 {
      %mul3A_106 = arith.constant 1 : i32
      %mul3A_107 = arith.muli %scan3A_105, %mul3A_106 : i32
      %add3A_108 = arith.constant 0 : i32
      %add3A_109 = arith.addi %add3A_108, %mul3A_107 : i32
      %get3A = arith.index_cast %add3A_109 : i32 to index
      %get3A_110 = arith.constant 0 : index
      %get3A_111 = tpu.vector_load %arg6[%get3A, %get3A_110] {strides = array<i32>} : memref<40x512xi32, #tpu.memory_space<vmem>>, vector<16xi32>,
      %get3A_112 = arith.index_cast %add3A_109 : i32 to index
      %get3A_113 = arith.constant 16 : index
      %get3A_114 = tpu.vector_load %arg6[%get3A_112, %get3A_113] {strides = array<i32>} : memref<40x512xi32, #tpu.memory_space<vmem>>, vector<16xi32>,
      %get3A_115 = arith.index_cast %add3A_109 : i32 to index
      %get3A_116 = arith.constant 32 : index
      %get3A_117 = tpu.vector_load %arg6[%get3A_115, %get3A_116] {strides = array<i32>} : memref<40x512xi32, #tpu.memory_space<vmem>>, vector<16xi32>,
      %get3A_118 = arith.index_cast %add3A_109 : i32 to index
      %get3A_119 = arith.constant 48 : index
      %get3A_120 = tpu.vector_load %arg6[%get3A_118, %get3A_119] {strides = array<i32>} : memref<40x512xi32, #tpu.memory_space<vmem>>, vector<16xi32>,
      %get3A_121 = arith.index_cast %add3A_109 : i32 to index
      %get3A_122 = arith.constant 64 : index
      %get3A_123 = tpu.vector_load %arg6[%get3A_121, %get3A_122] {strides = array<i32>} : memref<40x512xi32, #tpu.memory_space<vmem>>, vector<16xi32>,
      %get3A_124 = arith.index_cast %add3A_109 : i32 to index
      %get3A_125 = arith.constant 80 : index
      %get3A_126 = tpu.vector_load %arg6[%get3A_124, %get3A_125] {strides = array<i32>} : memref<40x512xi32, #tpu.memory_space<vmem>>, vector<16xi32>,
      %get3A_127 = arith.index_cast %add3A_109 : i32 to index
      %get3A_128 = arith.constant 96 : index
      %get3A_129 = tpu.vector_load %arg6[%get3A_127, %get3A_128] {strides = array<i32>} : memref<40x512xi32, #tpu.memory_space<vmem>>, vector<16xi32>,
      %get3A_130 = arith.index_cast %add3A_109 : i32 to index
      %get3A_131 = arith.constant 112 : index
      %get3A_132 = tpu.vector_load %arg6[%get3A_130, %get3A_131] {strides = array<i32>} : memref<40x512xi32, #tpu.memory_space<vmem>>, vector<16xi32>,
      %get3A_133 = arith.index_cast %add3A_109 : i32 to index
      %get3A_134 = arith.constant 128 : index
      %get3A_135 = tpu.vector_load %arg6[%get3A_133, %get3A_134] {strides = array<i32>} : memref<40x512xi32, #tpu.memory_space<vmem>>, vector<16xi32>,
      %get3A_136 = arith.index_cast %add3A_109 : i32 to index
      %get3A_137 = arith.constant 144 : index
      %get3A_138 = tpu.vector_load %arg6[%get3A_136, %get3A_137] {strides = array<i32>} : memref<40x512xi32, #tpu.memory_space<vmem>>, vector<16xi32>,
      %get3A_139 = arith.index_cast %add3A_109 : i32 to index
      %get3A_140 = arith.constant 160 : index
      %get3A_141 = tpu.vector_load %arg6[%get3A_139, %get3A_140] {strides = array<i32>} : memref<40x512xi32, #tpu.memory_space<vmem>>, vector<16xi32>,
      %get3A_142 = arith.index_cast %add3A_109 : i32 to index
      %get3A_143 = arith.constant 176 : index
      %get3A_144 = tpu.vector_load %arg6[%get3A_142, %get3A_143] {strides = array<i32>} : memref<40x512xi32, #tpu.memory_space<vmem>>, vector<16xi32>,
      %get3A_145 = arith.index_cast %add3A_109 : i32 to index
      %get3A_146 = arith.constant 192 : index
      %get3A_147 = tpu.vector_load %arg6[%get3A_145, %get3A_146] {strides = array<i32>} : memref<40x512xi32, #tpu.memory_space<vmem>>, vector<16xi32>,
      %get3A_148 = arith.index_cast %add3A_109 : i32 to index
      %get3A_149 = arith.constant 208 : index
      %get3A_150 = tpu.vector_load %arg6[%get3A_148, %get3A_149] {strides = array<i32>} : memref<40x512xi32, #tpu.memory_space<vmem>>, vector<16xi32>,
      %get3A_151 = arith.index_cast %add3A_109 : i32 to index
      %get3A_152 = arith.constant 224 : index
      %get3A_153 = tpu.vector_load %arg6[%get3A_151, %get3A_152] {strides = array<i32>} : memref<40x512xi32, #tpu.memory_space<vmem>>, vector<16xi32>,
      %get3A_154 = arith.index_cast %add3A_109 : i32 to index
      %get3A_155 = arith.constant 240 : index
      %get3A_156 = tpu.vector_load %arg6[%get3A_154, %get3A_155] {strides = array<i32>} : memref<40x512xi32, #tpu.memory_space<vmem>>, vector<16xi32>,
      %get3A_157 = arith.index_cast %add3A_109 : i32 to index
      %get3A_158 = arith.constant 256 : index
      %get3A_159 = tpu.vector_load %arg6[%get3A_157, %get3A_158] {strides = array<i32>} : memref<40x512xi32, #tpu.memory_space<vmem>>, vector<16xi32>,
      %get3A_160 = arith.index_cast %add3A_109 : i32 to index
      %get3A_161 = arith.constant 272 : index
      %get3A_162 = tpu.vector_load %arg6[%get3A_160, %get3A_161] {strides = array<i32>} : memref<40x512xi32, #tpu.memory_space<vmem>>, vector<16xi32>,
      %get3A_163 = arith.index_cast %add3A_109 : i32 to index
      %get3A_164 = arith.constant 288 : index
      %get3A_165 = tpu.vector_load %arg6[%get3A_163, %get3A_164] {strides = array<i32>} : memref<40x512xi32, #tpu.memory_space<vmem>>, vector<16xi32>,
      %get3A_166 = arith.index_cast %add3A_109 : i32 to index
      %get3A_167 = arith.constant 304 : index
      %get3A_168 = tpu.vector_load %arg6[%get3A_166, %get3A_167] {strides = array<i32>} : memref<40x512xi32, #tpu.memory_space<vmem>>, vector<16xi32>,
      %get3A_169 = arith.index_cast %add3A_109 : i32 to index
      %get3A_170 = arith.constant 320 : index
      %get3A_171 = tpu.vector_load %arg6[%get3A_169, %get3A_170] {strides = array<i32>} : memref<40x512xi32, #tpu.memory_space<vmem>>, vector<16xi32>,
      %get3A_172 = arith.index_cast %add3A_109 : i32 to index
      %get3A_173 = arith.constant 336 : index
      %get3A_174 = tpu.vector_load %arg6[%get3A_172, %get3A_173] {strides = array<i32>} : memref<40x512xi32, #tpu.memory_space<vmem>>, vector<16xi32>,
      %get3A_175 = arith.index_cast %add3A_109 : i32 to index
      %get3A_176 = arith.constant 352 : index
      %get3A_177 = tpu.vector_load %arg6[%get3A_175, %get3A_176] {strides = array<i32>} : memref<40x512xi32, #tpu.memory_space<vmem>>, vector<16xi32>,
      %get3A_178 = arith.index_cast %add3A_109 : i32 to index
      %get3A_179 = arith.constant 368 : index
      %get3A_180 = tpu.vector_load %arg6[%get3A_178, %get3A_179] {strides = array<i32>} : memref<40x512xi32, #tpu.memory_space<vmem>>, vector<16xi32>,
      %get3A_181 = arith.index_cast %add3A_109 : i32 to index
      %get3A_182 = arith.constant 384 : index
      %get3A_183 = tpu.vector_load %arg6[%get3A_181, %get3A_182] {strides = array<i32>} : memref<40x512xi32, #tpu.memory_space<vmem>>, vector<16xi32>,
      %get3A_184 = arith.index_cast %add3A_109 : i32 to index
      %get3A_185 = arith.constant 400 : index
      %get3A_186 = tpu.vector_load %arg6[%get3A_184, %get3A_185] {strides = array<i32>} : memref<40x512xi32, #tpu.memory_space<vmem>>, vector<16xi32>,
      %get3A_187 = arith.index_cast %add3A_109 : i32 to index
      %get3A_188 = arith.constant 416 : index
      %get3A_189 = tpu.vector_load %arg6[%get3A_187, %get3A_188] {strides = array<i32>} : memref<40x512xi32, #tpu.memory_space<vmem>>, vector<16xi32>,
      %get3A_190 = arith.index_cast %add3A_109 : i32 to index
      %get3A_191 = arith.constant 432 : index
      %get3A_192 = tpu.vector_load %arg6[%get3A_190, %get3A_191] {strides = array<i32>} : memref<40x512xi32, #tpu.memory_space<vmem>>, vector<16xi32>,
      %get3A_193 = arith.index_cast %add3A_109 : i32 to index
      %get3A_194 = arith.constant 448 : index
      %get3A_195 = tpu.vector_load %arg6[%get3A_193, %get3A_194] {strides = array<i32>} : memref<40x512xi32, #tpu.memory_space<vmem>>, vector<16xi32>,
      %get3A_196 = arith.index_cast %add3A_109 : i32 to index
      %get3A_197 = arith.constant 464 : index
      %get3A_198 = tpu.vector_load %arg6[%get3A_196, %get3A_197] {strides = array<i32>} : memref<40x512xi32, #tpu.memory_space<vmem>>, vector<16xi32>,
      %get3A_199 = arith.index_cast %add3A_109 : i32 to index
      %get3A_200 = arith.constant 480 : index
      %get3A_201 = tpu.vector_load %arg6[%get3A_199, %get3A_200] {strides = array<i32>} : memref<40x512xi32, #tpu.memory_space<vmem>>, vector<16xi32>,
      %get3A_202 = arith.index_cast %add3A_109 : i32 to index
      %get3A_203 = arith.constant 496 : index
      %get3A_204 = tpu.vector_load %arg6[%get3A_202, %get3A_203] {strides = array<i32>} : memref<40x512xi32, #tpu.memory_space<vmem>>, vector<16xi32>,
      %gather3A = tpu.vector_load_idx %arg5[%get3A_111] : memref<1000xi32, #tpu.memory_space<vmem>>[vector<16xi32>], vector<16xi32>,
      %gather3A_205 = tpu.vector_load_idx %arg5[%get3A_114] : memref<1000xi32, #tpu.memory_space<vmem>>[vector<16xi32>], vector<16xi32>,
      %gather3A_206 = tpu.vector_load_idx %arg5[%get3A_117] : memref<1000xi32, #tpu.memory_space<vmem>>[vector<16xi32>], vector<16xi32>,
      %gather3A_207 = tpu.vector_load_idx %arg5[%get3A_120] : memref<1000xi32, #tpu.memory_space<vmem>>[vector<16xi32>], vector<16xi32>,
      %gather3A_208 = tpu.vector_load_idx %arg5[%get3A_123] : memref<1000xi32, #tpu.memory_space<vmem>>[vector<16xi32>], vector<16xi32>,
      %gather3A_209 = tpu.vector_load_idx %arg5[%get3A_126] : memref<1000xi32, #tpu.memory_space<vmem>>[vector<16xi32>], vector<16xi32>,
      %gather3A_210 = tpu.vector_load_idx %arg5[%get3A_129] : memref<1000xi32, #tpu.memory_space<vmem>>[vector<16xi32>], vector<16xi32>,
      %gather3A_211 = tpu.vector_load_idx %arg5[%get3A_132] : memref<1000xi32, #tpu.memory_space<vmem>>[vector<16xi32>], vector<16xi32>,
      %gather3A_212 = tpu.vector_load_idx %arg5[%get3A_135] : memref<1000xi32, #tpu.memory_space<vmem>>[vector<16xi32>], vector<16xi32>,
      %gather3A_213 = tpu.vector_load_idx %arg5[%get3A_138] : memref<1000xi32, #tpu.memory_space<vmem>>[vector<16xi32>], vector<16xi32>,
      %gather3A_214 = tpu.vector_load_idx %arg5[%get3A_141] : memref<1000xi32, #tpu.memory_space<vmem>>[vector<16xi32>], vector<16xi32>,
      %gather3A_215 = tpu.vector_load_idx %arg5[%get3A_144] : memref<1000xi32, #tpu.memory_space<vmem>>[vector<16xi32>], vector<16xi32>,
      %gather3A_216 = tpu.vector_load_idx %arg5[%get3A_147] : memref<1000xi32, #tpu.memory_space<vmem>>[vector<16xi32>], vector<16xi32>,
      %gather3A_217 = tpu.vector_load_idx %arg5[%get3A_150] : memref<1000xi32, #tpu.memory_space<vmem>>[vector<16xi32>], vector<16xi32>,
      %gather3A_218 = tpu.vector_load_idx %arg5[%get3A_153] : memref<1000xi32, #tpu.memory_space<vmem>>[vector<16xi32>], vector<16xi32>,
      %gather3A_219 = tpu.vector_load_idx %arg5[%get3A_156] : memref<1000xi32, #tpu.memory_space<vmem>>[vector<16xi32>], vector<16xi32>,
      %gather3A_220 = tpu.vector_load_idx %arg5[%get3A_159] : memref<1000xi32, #tpu.memory_space<vmem>>[vector<16xi32>], vector<16xi32>,
      %gather3A_221 = tpu.vector_load_idx %arg5[%get3A_162] : memref<1000xi32, #tpu.memory_space<vmem>>[vector<16xi32>], vector<16xi32>,
      %gather3A_222 = tpu.vector_load_idx %arg5[%get3A_165] : memref<1000xi32, #tpu.memory_space<vmem>>[vector<16xi32>], vector<16xi32>,
      %gather3A_223 = tpu.vector_load_idx %arg5[%get3A_168] : memref<1000xi32, #tpu.memory_space<vmem>>[vector<16xi32>], vector<16xi32>,
      %gather3A_224 = tpu.vector_load_idx %arg5[%get3A_171] : memref<1000xi32, #tpu.memory_space<vmem>>[vector<16xi32>], vector<16xi32>,
      %gather3A_225 = tpu.vector_load_idx %arg5[%get3A_174] : memref<1000xi32, #tpu.memory_space<vmem>>[vector<16xi32>], vector<16xi32>,
      %gather3A_226 = tpu.vector_load_idx %arg5[%get3A_177] : memref<1000xi32, #tpu.memory_space<vmem>>[vector<16xi32>], vector<16xi32>,
      %gather3A_227 = tpu.vector_load_idx %arg5[%get3A_180] : memref<1000xi32, #tpu.memory_space<vmem>>[vector<16xi32>], vector<16xi32>,
      %gather3A_228 = tpu.vector_load_idx %arg5[%get3A_183] : memref<1000xi32, #tpu.memory_space<vmem>>[vector<16xi32>], vector<16xi32>,
      %gather3A_229 = tpu.vector_load_idx %arg5[%get3A_186] : memref<1000xi32, #tpu.memory_space<vmem>>[vector<16xi32>], vector<16xi32>,
      %gather3A_230 = tpu.vector_load_idx %arg5[%get3A_189] : memref<1000xi32, #tpu.memory_space<vmem>>[vector<16xi32>], vector<16xi32>,
      %gather3A_231 = tpu.vector_load_idx %arg5[%get3A_192] : memref<1000xi32, #tpu.memory_space<vmem>>[vector<16xi32>], vector<16xi32>,
      %gather3A_232 = tpu.vector_load_idx %arg5[%get3A_195] : memref<1000xi32, #tpu.memory_space<vmem>>[vector<16xi32>], vector<16xi32>,
      %gather3A_233 = tpu.vector_load_idx %arg5[%get3A_198] : memref<1000xi32, #tpu.memory_space<vmem>>[vector<16xi32>], vector<16xi32>,
      %gather3A_234 = tpu.vector_load_idx %arg5[%get3A_201] : memref<1000xi32, #tpu.memory_space<vmem>>[vector<16xi32>], vector<16xi32>,
      %gather3A_235 = tpu.vector_load_idx %arg5[%get3A_204] : memref<1000xi32, #tpu.memory_space<vmem>>[vector<16xi32>], vector<16xi32>,
      %swap3A = arith.index_cast %add3A_109 : i32 to index
      %swap3A_236 = arith.constant 0 : index
      %swap3A_237 = tpu.vector_load %arg8[%swap3A, %swap3A_236] {strides = array<i32>} : memref<40x512xi32, #tpu.memory_space<vmem>>, vector<16xi32>,
      tpu.vector_store %arg8[%swap3A, %swap3A_236], %gather3A {strides = array<i32>} : memref<40x512xi32, #tpu.memory_space<vmem>>, vector<16xi32>,
      %swap3A_238 = arith.index_cast %add3A_109 : i32 to index
      %swap3A_239 = arith.constant 16 : index
      %swap3A_240 = tpu.vector_load %arg8[%swap3A_238, %swap3A_239] {strides = array<i32>} : memref<40x512xi32, #tpu.memory_space<vmem>>, vector<16xi32>,
      tpu.vector_store %arg8[%swap3A_238, %swap3A_239], %gather3A_205 {strides = array<i32>} : memref<40x512xi32, #tpu.memory_space<vmem>>, vector<16xi32>,
      %swap3A_241 = arith.index_cast %add3A_109 : i32 to index
      %swap3A_242 = arith.constant 32 : index
      %swap3A_243 = tpu.vector_load %arg8[%swap3A_241, %swap3A_242] {strides = array<i32>} : memref<40x512xi32, #tpu.memory_space<vmem>>, vector<16xi32>,
      tpu.vector_store %arg8[%swap3A_241, %swap3A_242], %gather3A_206 {strides = array<i32>} : memref<40x512xi32, #tpu.memory_space<vmem>>, vector<16xi32>,
      %swap3A_244 = arith.index_cast %add3A_109 : i32 to index
      %swap3A_245 = arith.constant 48 : index
      %swap3A_246 = tpu.vector_load %arg8[%swap3A_244, %swap3A_245] {strides = array<i32>} : memref<40x512xi32, #tpu.memory_space<vmem>>, vector<16xi32>,
      tpu.vector_store %arg8[%swap3A_244, %swap3A_245], %gather3A_207 {strides = array<i32>} : memref<40x512xi32, #tpu.memory_space<vmem>>, vector<16xi32>,
      %swap3A_247 = arith.index_cast %add3A_109 : i32 to index
      %swap3A_248 = arith.constant 64 : index
      %swap3A_249 = tpu.vector_load %arg8[%swap3A_247, %swap3A_248] {strides = array<i32>} : memref<40x512xi32, #tpu.memory_space<vmem>>, vector<16xi32>,
      tpu.vector_store %arg8[%swap3A_247, %swap3A_248], %gather3A_208 {strides = array<i32>} : memref<40x512xi32, #tpu.memory_space<vmem>>, vector<16xi32>,
      %swap3A_250 = arith.index_cast %add3A_109 : i32 to index
      %swap3A_251 = arith.constant 80 : index
      %swap3A_252 = tpu.vector_load %arg8[%swap3A_250, %swap3A_251] {strides = array<i32>} : memref<40x512xi32, #tpu.memory_space<vmem>>, vector<16xi32>,
      tpu.vector_store %arg8[%swap3A_250, %swap3A_251], %gather3A_209 {strides = array<i32>} : memref<40x512xi32, #tpu.memory_space<vmem>>, vector<16xi32>,
      %swap3A_253 = arith.index_cast %add3A_109 : i32 to index
      %swap3A_254 = arith.constant 96 : index
      %swap3A_255 = tpu.vector_load %arg8[%swap3A_253, %swap3A_254] {strides = array<i32>} : memref<40x512xi32, #tpu.memory_space<vmem>>, vector<16xi32>,
      tpu.vector_store %arg8[%swap3A_253, %swap3A_254], %gather3A_210 {strides = array<i32>} : memref<40x512xi32, #tpu.memory_space<vmem>>, vector<16xi32>,
      %swap3A_256 = arith.index_cast %add3A_109 : i32 to index
      %swap3A_257 = arith.constant 112 : index
      %swap3A_258 = tpu.vector_load %arg8[%swap3A_256, %swap3A_257] {strides = array<i32>} : memref<40x512xi32, #tpu.memory_space<vmem>>, vector<16xi32>,
      tpu.vector_store %arg8[%swap3A_256, %swap3A_257], %gather3A_211 {strides = array<i32>} : memref<40x512xi32, #tpu.memory_space<vmem>>, vector<16xi32>,
      %swap3A_259 = arith.index_cast %add3A_109 : i32 to index
      %swap3A_260 = arith.constant 128 : index
      %swap3A_261 = tpu.vector_load %arg8[%swap3A_259, %swap3A_260] {strides = array<i32>} : memref<40x512xi32, #tpu.memory_space<vmem>>, vector<16xi32>,
      tpu.vector_store %arg8[%swap3A_259, %swap3A_260], %gather3A_212 {strides = array<i32>} : memref<40x512xi32, #tpu.memory_space<vmem>>, vector<16xi32>,
      %swap3A_262 = arith.index_cast %add3A_109 : i32 to index
      %swap3A_263 = arith.constant 144 : index
      %swap3A_264 = tpu.vector_load %arg8[%swap3A_262, %swap3A_263] {strides = array<i32>} : memref<40x512xi32, #tpu.memory_space<vmem>>, vector<16xi32>,
      tpu.vector_store %arg8[%swap3A_262, %swap3A_263], %gather3A_213 {strides = array<i32>} : memref<40x512xi32, #tpu.memory_space<vmem>>, vector<16xi32>,
      %swap3A_265 = arith.index_cast %add3A_109 : i32 to index
      %swap3A_266 = arith.constant 160 : index
      %swap3A_267 = tpu.vector_load %arg8[%swap3A_265, %swap3A_266] {strides = array<i32>} : memref<40x512xi32, #tpu.memory_space<vmem>>, vector<16xi32>,
      tpu.vector_store %arg8[%swap3A_265, %swap3A_266], %gather3A_214 {strides = array<i32>} : memref<40x512xi32, #tpu.memory_space<vmem>>, vector<16xi32>,
      %swap3A_268 = arith.index_cast %add3A_109 : i32 to index
      %swap3A_269 = arith.constant 176 : index
      %swap3A_270 = tpu.vector_load %arg8[%swap3A_268, %swap3A_269] {strides = array<i32>} : memref<40x512xi32, #tpu.memory_space<vmem>>, vector<16xi32>,
      tpu.vector_store %arg8[%swap3A_268, %swap3A_269], %gather3A_215 {strides = array<i32>} : memref<40x512xi32, #tpu.memory_space<vmem>>, vector<16xi32>,
      %swap3A_271 = arith.index_cast %add3A_109 : i32 to index
      %swap3A_272 = arith.constant 192 : index
      %swap3A_273 = tpu.vector_load %arg8[%swap3A_271, %swap3A_272] {strides = array<i32>} : memref<40x512xi32, #tpu.memory_space<vmem>>, vector<16xi32>,
      tpu.vector_store %arg8[%swap3A_271, %swap3A_272], %gather3A_216 {strides = array<i32>} : memref<40x512xi32, #tpu.memory_space<vmem>>, vector<16xi32>,
      %swap3A_274 = arith.index_cast %add3A_109 : i32 to index
      %swap3A_275 = arith.constant 208 : index
      %swap3A_276 = tpu.vector_load %arg8[%swap3A_274, %swap3A_275] {strides = array<i32>} : memref<40x512xi32, #tpu.memory_space<vmem>>, vector<16xi32>,
      tpu.vector_store %arg8[%swap3A_274, %swap3A_275], %gather3A_217 {strides = array<i32>} : memref<40x512xi32, #tpu.memory_space<vmem>>, vector<16xi32>,
      %swap3A_277 = arith.index_cast %add3A_109 : i32 to index
      %swap3A_278 = arith.constant 224 : index
      %swap3A_279 = tpu.vector_load %arg8[%swap3A_277, %swap3A_278] {strides = array<i32>} : memref<40x512xi32, #tpu.memory_space<vmem>>, vector<16xi32>,
      tpu.vector_store %arg8[%swap3A_277, %swap3A_278], %gather3A_218 {strides = array<i32>} : memref<40x512xi32, #tpu.memory_space<vmem>>, vector<16xi32>,
      %swap3A_280 = arith.index_cast %add3A_109 : i32 to index
      %swap3A_281 = arith.constant 240 : index
      %swap3A_282 = tpu.vector_load %arg8[%swap3A_280, %swap3A_281] {strides = array<i32>} : memref<40x512xi32, #tpu.memory_space<vmem>>, vector<16xi32>,
      tpu.vector_store %arg8[%swap3A_280, %swap3A_281], %gather3A_219 {strides = array<i32>} : memref<40x512xi32, #tpu.memory_space<vmem>>, vector<16xi32>,
      %swap3A_283 = arith.index_cast %add3A_109 : i32 to index
      %swap3A_284 = arith.constant 256 : index
      %swap3A_285 = tpu.vector_load %arg8[%swap3A_283, %swap3A_284] {strides = array<i32>} : memref<40x512xi32, #tpu.memory_space<vmem>>, vector<16xi32>,
      tpu.vector_store %arg8[%swap3A_283, %swap3A_284], %gather3A_220 {strides = array<i32>} : memref<40x512xi32, #tpu.memory_space<vmem>>, vector<16xi32>,
      %swap3A_286 = arith.index_cast %add3A_109 : i32 to index
      %swap3A_287 = arith.constant 272 : index
      %swap3A_288 = tpu.vector_load %arg8[%swap3A_286, %swap3A_287] {strides = array<i32>} : memref<40x512xi32, #tpu.memory_space<vmem>>, vector<16xi32>,
      tpu.vector_store %arg8[%swap3A_286, %swap3A_287], %gather3A_221 {strides = array<i32>} : memref<40x512xi32, #tpu.memory_space<vmem>>, vector<16xi32>,
      %swap3A_289 = arith.index_cast %add3A_109 : i32 to index
      %swap3A_290 = arith.constant 288 : index
      %swap3A_291 = tpu.vector_load %arg8[%swap3A_289, %swap3A_290] {strides = array<i32>} : memref<40x512xi32, #tpu.memory_space<vmem>>, vector<16xi32>,
      tpu.vector_store %arg8[%swap3A_289, %swap3A_290], %gather3A_222 {strides = array<i32>} : memref<40x512xi32, #tpu.memory_space<vmem>>, vector<16xi32>,
      %swap3A_292 = arith.index_cast %add3A_109 : i32 to index
      %swap3A_293 = arith.constant 304 : index
      %swap3A_294 = tpu.vector_load %arg8[%swap3A_292, %swap3A_293] {strides = array<i32>} : memref<40x512xi32, #tpu.memory_space<vmem>>, vector<16xi32>,
      tpu.vector_store %arg8[%swap3A_292, %swap3A_293], %gather3A_223 {strides = array<i32>} : memref<40x512xi32, #tpu.memory_space<vmem>>, vector<16xi32>,
      %swap3A_295 = arith.index_cast %add3A_109 : i32 to index
      %swap3A_296 = arith.constant 320 : index
      %swap3A_297 = tpu.vector_load %arg8[%swap3A_295, %swap3A_296] {strides = array<i32>} : memref<40x512xi32, #tpu.memory_space<vmem>>, vector<16xi32>,
      tpu.vector_store %arg8[%swap3A_295, %swap3A_296], %gather3A_224 {strides = array<i32>} : memref<40x512xi32, #tpu.memory_space<vmem>>, vector<16xi32>,
      %swap3A_298 = arith.index_cast %add3A_109 : i32 to index
      %swap3A_299 = arith.constant 336 : index
      %swap3A_300 = tpu.vector_load %arg8[%swap3A_298, %swap3A_299] {strides = array<i32>} : memref<40x512xi32, #tpu.memory_space<vmem>>, vector<16xi32>,
      tpu.vector_store %arg8[%swap3A_298, %swap3A_299], %gather3A_225 {strides = array<i32>} : memref<40x512xi32, #tpu.memory_space<vmem>>, vector<16xi32>,
      %swap3A_301 = arith.index_cast %add3A_109 : i32 to index
      %swap3A_302 = arith.constant 352 : index
      %swap3A_303 = tpu.vector_load %arg8[%swap3A_301, %swap3A_302] {strides = array<i32>} : memref<40x512xi32, #tpu.memory_space<vmem>>, vector<16xi32>,
      tpu.vector_store %arg8[%swap3A_301, %swap3A_302], %gather3A_226 {strides = array<i32>} : memref<40x512xi32, #tpu.memory_space<vmem>>, vector<16xi32>,
      %swap3A_304 = arith.index_cast %add3A_109 : i32 to index
      %swap3A_305 = arith.constant 368 : index
      %swap3A_306 = tpu.vector_load %arg8[%swap3A_304, %swap3A_305] {strides = array<i32>} : memref<40x512xi32, #tpu.memory_space<vmem>>, vector<16xi32>,
      tpu.vector_store %arg8[%swap3A_304, %swap3A_305], %gather3A_227 {strides = array<i32>} : memref<40x512xi32, #tpu.memory_space<vmem>>, vector<16xi32>,
      %swap3A_307 = arith.index_cast %add3A_109 : i32 to index
      %swap3A_308 = arith.constant 384 : index
      %swap3A_309 = tpu.vector_load %arg8[%swap3A_307, %swap3A_308] {strides = array<i32>} : memref<40x512xi32, #tpu.memory_space<vmem>>, vector<16xi32>,
      tpu.vector_store %arg8[%swap3A_307, %swap3A_308], %gather3A_228 {strides = array<i32>} : memref<40x512xi32, #tpu.memory_space<vmem>>, vector<16xi32>,
      %swap3A_310 = arith.index_cast %add3A_109 : i32 to index
      %swap3A_311 = arith.constant 400 : index
      %swap3A_312 = tpu.vector_load %arg8[%swap3A_310, %swap3A_311] {strides = array<i32>} : memref<40x512xi32, #tpu.memory_space<vmem>>, vector<16xi32>,
      tpu.vector_store %arg8[%swap3A_310, %swap3A_311], %gather3A_229 {strides = array<i32>} : memref<40x512xi32, #tpu.memory_space<vmem>>, vector<16xi32>,
      %swap3A_313 = arith.index_cast %add3A_109 : i32 to index
      %swap3A_314 = arith.constant 416 : index
      %swap3A_315 = tpu.vector_load %arg8[%swap3A_313, %swap3A_314] {strides = array<i32>} : memref<40x512xi32, #tpu.memory_space<vmem>>, vector<16xi32>,
      tpu.vector_store %arg8[%swap3A_313, %swap3A_314], %gather3A_230 {strides = array<i32>} : memref<40x512xi32, #tpu.memory_space<vmem>>, vector<16xi32>,
      %swap3A_316 = arith.index_cast %add3A_109 : i32 to index
      %swap3A_317 = arith.constant 432 : index
      %swap3A_318 = tpu.vector_load %arg8[%swap3A_316, %swap3A_317] {strides = array<i32>} : memref<40x512xi32, #tpu.memory_space<vmem>>, vector<16xi32>,
      tpu.vector_store %arg8[%swap3A_316, %swap3A_317], %gather3A_231 {strides = array<i32>} : memref<40x512xi32, #tpu.memory_space<vmem>>, vector<16xi32>,
      %swap3A_319 = arith.index_cast %add3A_109 : i32 to index
      %swap3A_320 = arith.constant 448 : index
      %swap3A_321 = tpu.vector_load %arg8[%swap3A_319, %swap3A_320] {strides = array<i32>} : memref<40x512xi32, #tpu.memory_space<vmem>>, vector<16xi32>,
      tpu.vector_store %arg8[%swap3A_319, %swap3A_320], %gather3A_232 {strides = array<i32>} : memref<40x512xi32, #tpu.memory_space<vmem>>, vector<16xi32>,
      %swap3A_322 = arith.index_cast %add3A_109 : i32 to index
      %swap3A_323 = arith.constant 464 : index
      %swap3A_324 = tpu.vector_load %arg8[%swap3A_322, %swap3A_323] {strides = array<i32>} : memref<40x512xi32, #tpu.memory_space<vmem>>, vector<16xi32>,
      tpu.vector_store %arg8[%swap3A_322, %swap3A_323], %gather3A_233 {strides = array<i32>} : memref<40x512xi32, #tpu.memory_space<vmem>>, vector<16xi32>,
      %swap3A_325 = arith.index_cast %add3A_109 : i32 to index
      %swap3A_326 = arith.constant 480 : index
      %swap3A_327 = tpu.vector_load %arg8[%swap3A_325, %swap3A_326] {strides = array<i32>} : memref<40x512xi32, #tpu.memory_space<vmem>>, vector<16xi32>,
      tpu.vector_store %arg8[%swap3A_325, %swap3A_326], %gather3A_234 {strides = array<i32>} : memref<40x512xi32, #tpu.memory_space<vmem>>, vector<16xi32>,
      %swap3A_328 = arith.index_cast %add3A_109 : i32 to index
      %swap3A_329 = arith.constant 496 : index
      %swap3A_330 = tpu.vector_load %arg8[%swap3A_328, %swap3A_329] {strides = array<i32>} : memref<40x512xi32, #tpu.memory_space<vmem>>, vector<16xi32>,
      tpu.vector_store %arg8[%swap3A_328, %swap3A_329], %gather3A_235 {strides = array<i32>} : memref<40x512xi32, #tpu.memory_space<vmem>>, vector<16xi32>,
    }
    %scan3A_92 = arith.constant 40 : i32
    %dma_start3A_93 = arith.constant 160 : i32
    %dma_start3A_94 = tpu.memref_slice %arg4[%dma_start3A_93, %mul3A_2] : memref<200x16384xi32, #tpu.memory_space<hbm>> -> memref<40x512xi32, #tpu.memory_space<hbm>>
    %dma_start3A_95 = arith.constant 160 : i32
    %dma_start3A_96 = tpu.memref_slice %arg4[%dma_start3A_95, %mul3A_2] : memref<200x16384xi32, #tpu.memory_space<hbm>> -> memref<40x512xi32, #tpu.memory_space<hbm>>
    tpu.enqueue_dma source(%arg8 : memref<40x512xi32, #tpu.memory_space<vmem>>) target(%dma_start3A_96 : memref<40x512xi32, #tpu.memory_space<hbm>>) target_semaphore(%arg12 : memref<!tpu.dma_semaphore, #tpu.memory_space<semaphore_mem>>)
    %dma_wait3A_97 = arith.constant 120 : i32
    %dma_wait3A_98 = tpu.memref_slice %arg4[%dma_wait3A_97, %mul3A_2] : memref<200x16384xi32, #tpu.memory_space<hbm>> -> memref<40x512xi32, #tpu.memory_space<hbm>>
    %dma_wait3A_99 = arith.constant 120 : i32
    %dma_wait3A_100 = tpu.memref_slice %arg4[%dma_wait3A_99, %mul3A_2] : memref<200x16384xi32, #tpu.memory_space<hbm>> -> memref<40x512xi32, #tpu.memory_space<hbm>>
    tpu.wait_dma2 semaphore(%arg13 : memref<!tpu.dma_semaphore, #tpu.memory_space<semaphore_mem>>) src(%arg9 : memref<40x512xi32, #tpu.memory_space<vmem>>) dst(%dma_wait3A_100 : memref<40x512xi32, #tpu.memory_space<hbm>>)
    %dma_wait3A_101 = arith.constant 160 : i32
    %dma_wait3A_102 = tpu.memref_slice %arg4[%dma_wait3A_101, %mul3A_2] : memref<200x16384xi32, #tpu.memory_space<hbm>> -> memref<40x512xi32, #tpu.memory_space<hbm>>
    %dma_wait3A_103 = arith.constant 160 : i32
    %dma_wait3A_104 = tpu.memref_slice %arg4[%dma_wait3A_103, %mul3A_2] : memref<200x16384xi32, #tpu.memory_space<hbm>> -> memref<40x512xi32, #tpu.memory_space<hbm>>
    tpu.wait_dma2 semaphore(%arg12 : memref<!tpu.dma_semaphore, #tpu.memory_space<semaphore_mem>>) src(%arg8 : memref<40x512xi32, #tpu.memory_space<vmem>>) dst(%dma_wait3A_104 : memref<40x512xi32, #tpu.memory_space<hbm>>)
    return
  }
}

</mosaic_0001>

<sc_bundles>
// kernel: _lookup_call.3.cloned.1.call-start
scs
__scs_entry_jumppad:
0x0: {  	(pc) =	sbr.rel $0x88, $3  }
0x1: {  	(tag) =	ssettag $0x0;
	lr =	simm.s32 $0x1  }
0x2: {  	[smem:$0x3F9F] =	sst lr;
	_ =	strace $0xD0000000  }
0x3: {  	_ = 	snop  }
0x4: {  	_ = 	snop  }
0x5: {  	_ = 	snop  }
0x6: {  	_ = 	snop  }
0x7: {  	_ = 	snop  }
__scs_overlays_trampoline_lowered:
0x8: {  	[smem:$0x3FAE] =	sst s0  }
0x9: {  	[smem:$0x3FAF] =	sst s1  }
0xa: {  	[smem:$0x3FB0] =	sst s2  }
0xb: {  	[smem:$0x3FB1] =	sst s3  }
0xc: {  	[smem:$0x3FB2] =	sst s4  }
0xd: {  	[smem:$0x3FB3] =	sst s5  }
0xe: {  	[smem:$0x3FB4] =	sst s6  }
0xf: {  	[smem:$0x3FB5] =	sst s7  }
0x10: {  	[smem:$0x3FB6] =	sst s8  }
0x11: {  	[smem:$0x3FB7] =	sst s9;
	s0 =	simm.s32 @!p0 $0x0  }
0x12: {  	s1 =	sld [smem:$0x3F9D];
	s0 =	simm.s32 @p0 $0x1  }
0x13: {  	[smem:$0x3FB8] =	sst s0;
	s0 =	simm.s32 @!p1 $0x0  }
0x14: {  	s2 =	sld [smem:$0x3F9C];
	s0 =	simm.s32 @p1 $0x1  }
0x15: {  	[smem:$0x3FB9] =	sst s0;
	s0 =	simm.s32 @!p2 $0x0  }
0x16: {  	s3 =	sld [smem:$0x3FDB];
	s0 =	simm.s32 @p2 $0x1  }
0x17: {  	s4 =	simm.s32 $0x1BF5;
	[smem:$0x3FBB] =	sst s0  }
0x18: {  	s0 =	sld [smem:$0x3F9E];
	_ =	swait.ge [sflag:s4], $0x0  }
0x19: {  	s7 =	sld [smem:$0x3F9F]  }
0x1a: {  	s8 =	sadd.s32 $0xFFFFE003, lr  }
0x1b: {  	s9 =	sadd.s32 $0xFFFFFEF7, lr;
	s5 =	simm.s32 $0xFFFFFFFF;
	p2 =	slt.u32 s8, $0xFFFFF086  }
0x1c: {  	p1 =	slt.u32 s9, $0xF7A;
	s5 =	simm.s32 @!p2 $0x0  }
0x1d: {  	s5 =	simm.s32 @p1 $0x1;
	p0 =	seq.s32 s7, s2  }
0x1e: {  	s7 =	smul.u32 @!p0 $0xF7A, s2;
	p2 =	seq.s32 @!p0 s5, $0x0  }
0x1f: {  	s9 =	smul.u32 $0xF7A, s1;
	s8 =	simm.s32 @!p0 $0x1BF5;
	p2 =	por !p2, p0  }
0x20: {  	[sflag:s8] =	ssyncset.s32 @!p0 $0xFFFFF086;
	s6 =	sadd.s32 @!p0 s3, s7;
	s7 =	simm.s32 @!p0 $0x108  }
0x21: {  	s3 =	sadd.s32 s3, s9;
	s6 =	sadd.s32 @!p0 $0x88, s6;
	s7 =	simm.s32 @p2 $0x1082  }
0x22: {  	[simem:s7], [sflag:s8] =	dma.local @!p0 [hbm:s6], $0xF7A  }
0x23: {  	s9 =	sor.u32 $0xD0000000, s2;
	s6 =	simm.s32 $0x108;
	_ =	swait.ge @!p0 [sflag:s8], $0x0  }
0x24: {  	s3 =	sadd.s32 $0x88, s3;
	s6 =	simm.s32 @!p1 $0x1082;
	[sflag:s4] =	ssyncset.s32 $0xFFFFF086  }
0x25: {  	[simem:s6], [sflag:s4] =	dma.local [hbm:s3], $0xF7A  }
0x26: {  	[smem:$0x3F9F] =	sst s1;
	(tag) =	ssettag s2;
	_ =	strace s9  }
0x27: {  	s1 =	sld [smem:$0x3FAF]  }
0x28: {  	s2 =	sld [smem:$0x3FB0]  }
0x29: {  	s4 =	sld [smem:$0x3FB2]  }
0x2a: {  	p0 =	seq.s32 s5, $0x0;
	s5 =	sld [smem:$0x3FB3]  }
0x2b: {  	s6 =	sld [smem:$0x3FB4]  }
0x2c: {  	s7 =	sld [smem:$0x3FB5]  }
0x2d: {  	s3 =	simm.s32 $0x108;
	s8 =	sld [smem:$0x3FB6]  }
0x2e: {  	s3 =	simm.s32 @!p0 $0x1082;
	s9 =	sld [smem:$0x3FB7]  }
0x2f: {  	lr =	sadd.s32 s0, s3;
	s0 =	sld [smem:$0x3FAE]  }
0x30: {  	s3 =	sld [smem:$0x3FB1]  }
0x31: {  	[smem:$0x3FBA] =	sst s10  }
0x32: {  	s10 =	sld [smem:$0x3FB8];
	_ =	sdelay $0x3  }
0x33: {  	p0 =	seq.s32 s10, $0x1;
	s10 =	sld [smem:$0x3FBA];
	_ =	sdelay $0x3  }
0x34: {  	[smem:$0x3FBA] =	sst s10  }
0x35: {  	s10 =	sld [smem:$0x3FB9];
	_ =	sdelay $0x3  }
0x36: {  	p1 =	seq.s32 s10, $0x1;
	s10 =	sld [smem:$0x3FBA];
	_ =	sdelay $0x3  }
0x37: {  	[smem:$0x3FBA] =	sst s10  }
0x38: {  	s10 =	sld [smem:$0x3FBB]  }
0x39: {  	_ = 	snop;
	(pc) =	sbr.ind lr, $3  }
0x3a: {  	_ = 	snop  }
0x3b: {  	_ = 	snop  }
0x3c: {  	p2 =	seq.s32 s10, $0x1;
	s10 =	sld [smem:$0x3FBA]  }
0x3d: {  	_ =	shalt  }
0x3e: {  	_ =	shalt  }
0x3f: {  	_ =	shalt  }
0x40: {  	_ =	shalt  }
0x41: {  	_ =	shalt  }
0x42: {  	_ =	shalt  }
0x43: {  	_ =	shalt  }
0x44: {  	_ =	shalt  }
0x45: {  	_ =	shalt  }
0x46: {  	_ =	shalt  }
0x47: {  	_ =	shalt  }
0x48: {  	_ =	shalt  }
0x49: {  	_ =	shalt  }
0x4a: {  	_ =	shalt  }
0x4b: {  	_ =	shalt  }
0x4c: {  	_ =	shalt  }
0x4d: {  	_ =	shalt  }
0x4e: {  	_ =	shalt  }
0x4f: {  	_ =	shalt  }
0x50: {  	_ =	shalt  }
0x51: {  	_ =	shalt  }
0x52: {  	_ =	shalt  }
0x53: {  	_ =	shalt  }
0x54: {  	_ =	shalt  }
0x55: {  	_ =	shalt  }
0x56: {  	_ =	shalt  }
0x57: {  	_ =	shalt  }
0x58: {  	_ =	shalt  }
0x59: {  	_ =	shalt  }
0x5a: {  	_ =	shalt  }
0x5b: {  	_ =	shalt  }
0x5c: {  	_ =	shalt  }
0x5d: {  	_ =	shalt  }
0x5e: {  	_ =	shalt  }
0x5f: {  	_ =	shalt  }
0x60: {  	_ =	shalt  }
0x61: {  	_ =	shalt  }
0x62: {  	_ =	shalt  }
0x63: {  	_ =	shalt  }
0x64: {  	_ =	shalt  }
0x65: {  	_ =	shalt  }
0x66: {  	_ =	shalt  }
0x67: {  	_ =	shalt  }
0x68: {  	_ =	shalt  }
0x69: {  	_ =	shalt  }
0x6a: {  	_ =	shalt  }
0x6b: {  	_ =	shalt  }
0x6c: {  	_ =	shalt  }
0x6d: {  	_ =	shalt  }
0x6e: {  	_ =	shalt  }
0x6f: {  	_ =	shalt  }
0x70: {  	_ =	shalt  }
0x71: {  	_ =	shalt  }
0x72: {  	_ =	shalt  }
0x73: {  	_ =	shalt  }
0x74: {  	_ =	shalt  }
0x75: {  	_ =	shalt  }
0x76: {  	_ =	shalt  }
0x77: {  	_ =	shalt  }
0x78: {  	_ =	shalt  }
0x79: {  	_ =	shalt  }
0x7a: {  	_ =	shalt  }
0x7b: {  	_ =	shalt  }
0x7c: {  	_ =	shalt  }
0x7d: {  	_ =	shalt  }
0x7e: {  	_ =	shalt  }
0x7f: {  	_ =	shalt  }
0x80: {  	_ =	shalt  }
0x81: {  	_ =	shalt  }
0x82: {  	_ =	shalt  }
0x83: {  	_ =	shalt  }
0x84: {  	_ =	shalt  }
0x85: {  	_ =	shalt  }
0x86: {  	_ =	shalt  }
0x87: {  	_ =	shalt  }
.Lfunc_end0:
.L_simem_size_0:
called_computation_lowered:
.L_overlay_start_0:
0x88: {  	s2 =	sld [smem:$0x3FD9]  }
0x89: {  	s3 =	sld [smem:$0x3FFE];
	_ =	sdelay $0x1  }
0x8a: {  	s1 =	srdreg.scid  }
0x8b: {  	s0 =	sand.u32 $0x1, s1  }
0x8c: {  	s18 =	sshll.u32 s0, $0xA;
	s2 =	sadd.s32 s3, s2  }
0x8d: {  	s2 =	sadd.s32 s2, s18  }
0x8e: {  	[smem:$0x3FC6] =	sst s2  }
0x8f: {  	_ = 	snop  }
0x90: {  	s2 =	sld [smem:$0x3FC9]  }
0x91: {  	s19 =	sld [smem:$0x3FC8]  }
0x92: {  	s4 =	sld [smem:$0x3FD0];
	(tm) =	ssettm $0x1  }
0x93: {  	s5 =	sld [smem:$0x3FFB];
	_ =	sdelay $0x3  }
0x94: {  	_ =	strace s5  }
0x95: {  	s5 =	sld [smem:$0x3FFC];
	_ =	sdelay $0x3  }
0x96: {  	_ =	strace s5  }
0x97: {  	s5 =	sld [smem:$0x3FFD];
	_ =	sdelay $0x3  }
0x98: {  	_ =	strace s5  }
0x99: {  	_ =	strace $0x8FFFFFFF  }
0x9a: {  	s20 =	sld [smem:$0x3FDB];
	_ =	sdelay $0x1  }
0x9b: {  	s6 =	simm.s32 $_scs_section_size  }
0x9c: {  	s7 =	simm.s32 $_size__tile_overlayer_lowered;
	s8 =	simm.s32 $_tile_overlayer_lowered  }
0x9d: {  	s23 =	simm.s32 $0x1BFF;
	s22 =	sshll.u32 s8, $0x1;
	s5 =	sadd.s32 s6, s20  }
0x9e: {  	s9 =	simm.s32 $0x0;
	s21 =	sshll.u32 s7, $0x1;
	s7 =	sadd.s32 s22, s5  }
0x9f: {  	[timem:s9], [sflag:s23] =	dma.local [hbm:s7], s21  }
0xa0: {  	_ =	swait.ge [sflag:s23], s21  }
0xa1: {  	s6 =	ssub.s32 $0x0, s21;
	[sflag:s23] =	ssyncset.done $0x0  }
0xa2: {  	[sflag:s23] =	ssyncadd.s32 s6;
	_ =	sdelay $0x1  }
0xa3: {  	s24 =	simm.s32 $0x1B8B  }
0xa4: {  	_ =	swait.ge [sflag:s24], $0x1  }
0xa5: {  	[sflag:s24] =	ssyncset.done $0x0  }
0xa6: {  	s25 =	simm.s32 $0x1B8E;
	[sflag:s24] =	ssyncadd.s32 $0xFFFFFFFF  }
0xa7: {  	s26 =	simm.s32 $execute0_lowered;
	[smem:$0x3FD2] =	sst s25  }
0xa8: {  	s6 =	sshll.u32 s26, $0x1;
	_ =	strace $0x80000046;
	[dreg:$0x1] =	wrdreg $0xFFFFFFFF  }
0xa9: {  	s28 =	simm.s32 $_size_execute0_lowered;
	s5 =	sadd.s32 s5, s6;
	[dreg:$0x0] =	wrdreg $0x0  }
0xaa: {  	s6 =	sshll.u32 s28, $0x1;
	[dreg:$0x2] =	wrdreg s5  }
0xab: {  	[dreg:$0x3] =	wrdreg s6  }
0xac: {  	[dreg:$0x4] =	wrdreg $0xC0  }
0xad: {  	_ =	task [dreg:s9], $0x5FFFF  }
0xae: {  	[dreg:$0x1] =	wrdreg $0xFFFFFFFF  }
0xaf: {  	[dreg:$0x0] =	wrdreg $0x60  }
0xb0: {  	[dreg:$0x2] =	wrdreg s2  }
0xb1: {  	[dreg:$0x3] =	wrdreg s19  }
0xb2: {  	[dreg:$0x4] =	wrdreg s4  }
0xb3: {  	[dreg:$0x5] =	wrdreg $0x9  }
0xb4: {  	_ =	task.clear_ibuf [dreg:s9], $0x6FFFF;
	_ =	strace $0x90000046  }
0xb5: {  	s29 =	simm.s32 $0x9;
	_ =	strace $0x80000048  }
0xb6: {  	_ =	swait.ge [sflag:s29], $0x1  }
0xb7: {  	[sflag:s29] =	ssyncadd.s32 $0xFFFFFFFF  }
0xb8: {  	_ =	strace $0x90000048  }
0xb9: {  	_ =	sfence  }
0xba: {  	s30 =	sld [smem:$0x0];
	_ =	sdelay $0x2  }
0xbb: {  	s31 =	sshll.u32 s1, $0xD;
	s1 =	sshrl.u32 s1, $0x2  }
0xbc: {  	s3 =	sand.u32 $0x4000, s31;
	s1 =	sadd.s32 s1, s30  }
0xbd: {  	s0 =	sor.u32 s3, s0;
	s1 =	sshll.u32 s1, $0x11  }
0xbe: {  	s0 =	sor.u32 s1, s0  }
0xbf: {  	s0 =	sadd.s32 $0x8F2B, s0  }
0xc0: {  	[sflag:s0] =	ssyncadd.remote.s32 $0x1  }
0xc1: {  	_ =	sfence.sel $0xFFFF  }
0xc2: {  	[dreg:$0x0] =	wrdreg $0xFFFFFFFF;
	(pc) =	sbr.abs _section_cstart, $3  }
0xc3: {  	[dreg:$0x1] =	wrdreg $0xFFFFFFFF  }
0xc4: {  	_ =	task.clear_ibuf [dreg:s9], $0x2FFFF;
	_ =	strace $0x9FFFFFFF  }
0xc5: {  	(tm) =	ssettm $0x7FFFFFFF  }
tec
execute0_lowered:
.L_overlay_start_1:
0x0: {  	(tag) =	ssettag $0x1  }
0x1: {  	s1 =	rddreg [dreg:$0x0]  }
0x2: {  	s11 =	rddreg [dreg:$0x1]  }
0x3: {  	s13 =	rddreg [dreg:$0x2]  }
0x4: {  	s2 =	srdreg.scid;
	s3 =	simm.s32 $0x0;
	s16 =	simm.s32 $0x1000  }
0x5: {  	s17 =	simm.s32 $0x20000;
	s18 =	simm.s32 $0x400;
	s19 =	simm.s32 $0x5400  }
0x6: {  	s20 =	simm.s32 $0x1;
	s21 =	simm.s32 $0xA400;
	s22 =	simm.s32 $0x2  }
0x7: {  	s23 =	simm.s32 $0xF400;
	s24 =	simm.s32 $0x3;
	s25 =	simm.s32 $0x4  }
0x8: {  	s26 =	simm.s32 $0x0;
	s4 =	sand.u32 $0x1, s2;
	s2 =	stileid.u32  }
0x9: {  	s5 =	ssub.s32 $0x2, s4;
	s7 =	sshll.u32 s2, $0xA;
	s4 =	sshll.u32 s4, $0x9  }
0xa: {  	[smem:$0x7FF] =	sst s3;
	s6 =	sshrl.u32 s5, $0x1;
	s9 =	sor.u32 s4, s7  }
0xb: {  	_ =	strace $0x80000047;
	s14 =	ssub.s32 s5, s6;
	s4 =	sadd.s32 s11, s9  }
0xc: {  	s8 =	sor.u32 $0x14000, s9;
	s10 =	sor.u32 $0x28000, s9;
	s6 =	sadd.s32 s13, s9  }
0xd: {  	s12 =	sor.u32 $0x3C000, s9;
	s15 =	sor.u32 $0x50000, s9;
	s5 =	sadd.s32 s11, s8  }
0xe: {  	s7 =	sadd.s32 s11, s10;
	s8 =	sadd.s32 s13, s8;
	s9 =	sadd.s32 s11, s12  }
0xf: {  	s10 =	sadd.s32 s13, s10;
	s11 =	sadd.s32 s11, s15;
	s12 =	sadd.s32 s13, s12  }
0x10: {  	s13 =	sadd.s32 s13, s15;
	s14 =	smax.u32 s14, $0x1;
	s15 =	simm.s32 $0x5  }
.LBB2_1:
0x11: {  	[tilespmem:s3], [sflag:$0x5] =	stream.linear.gather [hbm4b:s1+s3], $0x400, $0x38;
	[tilespmem:$0x14400] =	vst v63  }
0x12: {  	_ =	swait.ge [sflag:s15], $0x400  }
0x13: {  	[sflag:s15] =	ssyncset.done $0x0  }
0x14: {  	[sflag:s15] =	ssyncadd.s32 $0xFFFFFC00  }
0x15: {  	[tilespmem:s18], [sflag:$0x1] =	stream.strided.gather [hbm4b:s4+s16], $0x5000, s17, s16, $0x38;
	[tilespmem:$0x14400] =	vst v63  }
0x16: {  	_ = 	snop  }
0x17: {  	[tilespmem:s19], [sflag:$0x2] =	stream.strided.gather [hbm4b:s5+s16], $0x5000, s17, s16, $0x38;
	[tilespmem:$0x14400] =	vst v63  }
0x18: {  	_ =	swait.ge [sflag:s20], $0x5000  }
0x19: {  	s28 =	sand.u32 $0x7000, s3;
	s29 =	sand.u32 $0x380, s3;
	[sflag:s20] =	ssyncset.done $0x0  }
0x1a: {  	s28 =	sor.u32 s29, s28;
	[sflag:s20] =	ssyncadd.s32 $0xFFFFB000  }
0x1b: {  	v0 =	vld [tilespmem:s28+$0x400]  }
0x1c: {  	v1 =	vld [tilespmem:s28+$0x410]  }
0x1d: {  	v2 =	vld [tilespmem:s28+$0x420]  }
0x1e: {  	v3 =	vld [tilespmem:s28+$0x430]  }
0x1f: {  	v4 =	vld [tilespmem:s28+$0x440]  }
0x20: {  	v5 =	vld [tilespmem:s28+$0x450]  }
0x21: {  	v7 =	vld [tilespmem:s28+$0x460]  }
0x22: {  	v9 =	vld [tilespmem:s28+$0x470]  }
0x23: {  	v32 =	vld [tilespmem:s28+$0x800]  }
0x24: {  	v33 =	vld [tilespmem:s28+$0x810]  }
0x25: {  	v34 =	vld [tilespmem:s28+$0x820]  }
0x26: {  	v35 =	vld [tilespmem:s28+$0x830]  }
0x27: {  	v36 =	vld [tilespmem:s28+$0x840]  }
0x28: {  	v37 =	vld [tilespmem:s28+$0x850]  }
0x29: {  	v38 =	vld [tilespmem:s28+$0x860]  }
0x2a: {  	v39 =	vld [tilespmem:s28+$0x870]  }
0x2b: {  	v6 =	vld [tilespmem:s28+$0xC00]  }
0x2c: {  	v8 =	vld [tilespmem:s28+$0xC10]  }
0x2d: {  	v10 =	vld [tilespmem:s28+$0xC20]  }
0x2e: {  	v12 =	vld [tilespmem:s28+$0xC30]  }
0x2f: {  	v14 =	vld [tilespmem:s28+$0xC40]  }
0x30: {  	v16 =	vld [tilespmem:s28+$0xC50]  }
0x31: {  	v18 =	vld [tilespmem:s28+$0xC60]  }
0x32: {  	v21 =	vld [tilespmem:s28+$0xC70]  }
0x33: {  	v26 =	vld [tilespmem:s28+$0x1000]  }
0x34: {  	v19 =	vld [tilespmem:s28+$0x1010]  }
0x35: {  	v22 =	vld [tilespmem:s28+$0x1020]  }
0x36: {  	v27 =	vld [tilespmem:s28+$0x1030]  }
0x37: {  	v29 =	vld [tilespmem:s28+$0x1040]  }
0x38: {  	v23 =	vld [tilespmem:s28+$0x1050]  }
0x39: {  	v24 =	vld [tilespmem:s28+$0x1060]  }
0x3a: {  	v31 =	vld [tilespmem:s28+$0x1070]  }
0x3b: {  	v30 =	vld.idx.msk [tilespmem:v0+s3+$0x0], $0xffff  }
0x3c: {  	v28 =	vld.idx.msk [tilespmem:v1+s3+$0x0], $0xffff  }
0x3d: {  	v25 =	vld.idx.msk [tilespmem:v2+s3+$0x0], $0xffff  }
0x3e: {  	v20 =	vld.idx.msk [tilespmem:v3+s3+$0x0], $0xffff  }
0x3f: {  	v17 =	vld.idx.msk [tilespmem:v4+s3+$0x0], $0xffff  }
0x40: {  	v15 =	vld.idx.msk [tilespmem:v5+s3+$0x0], $0xffff  }
0x41: {  	v13 =	vld.idx.msk [tilespmem:v7+s3+$0x0], $0xffff  }
0x42: {  	v11 =	vld.idx.msk [tilespmem:v9+s3+$0x0], $0xffff  }
0x43: {  	v9 =	vld.idx.msk [tilespmem:v32+s3+$0x0], $0xffff  }
0x44: {  	v7 =	vld.idx.msk [tilespmem:v33+s3+$0x0], $0xffff  }
0x45: {  	v5 =	vld.idx.msk [tilespmem:v34+s3+$0x0], $0xffff  }
0x46: {  	v4 =	vld.idx.msk [tilespmem:v35+s3+$0x0], $0xffff  }
0x47: {  	v3 =	vld.idx.msk [tilespmem:v36+s3+$0x0], $0xffff  }
0x48: {  	v2 =	vld.idx.msk [tilespmem:v37+s3+$0x0], $0xffff  }
0x49: {  	v1 =	vld.idx.msk [tilespmem:v38+s3+$0x0], $0xffff  }
0x4a: {  	s30 =	simm.s32 $0x0;
	s29 =	simm.s32 $0x200;
	v0 =	vld.idx.msk [tilespmem:v39+s3+$0x0], $0xffff  }
.LBB2_2:
0x4b: {  	p0 =	sne.s32 s29, $0x4E00;
	v32 =	vld.idx.msk [tilespmem:v6+s3+$0x0], $0xffff  }
0x4c: {  	v33 =	vld.idx.msk [tilespmem:v8+s3+$0x0], $0xffff  }
0x4d: {  	v34 =	vld.idx.msk [tilespmem:v10+s3+$0x0], $0xffff  }
0x4e: {  	v35 =	vld.idx.msk [tilespmem:v12+s3+$0x0], $0xffff  }
0x4f: {  	v36 =	vld.idx.msk [tilespmem:v14+s3+$0x0], $0xffff  }
0x50: {  	v37 =	vld.idx.msk [tilespmem:v16+s3+$0x0], $0xffff  }
0x51: {  	v38 =	vld.idx.msk [tilespmem:v18+s3+$0x0], $0xffff  }
0x52: {  	v39 =	vld.idx.msk [tilespmem:v21+s3+$0x0], $0xffff  }
0x53: {  	v40 =	vld.idx.msk [tilespmem:v26+s3+$0x0], $0xffff  }
0x54: {  	v6 =	vld.idx.msk [tilespmem:v31+s3+$0x0], $0xffff  }
0x55: {  	v31 =	vld.idx.msk [tilespmem:v19+s3+$0x0], $0xffff  }
0x56: {  	v41 =	vld.idx.msk [tilespmem:v22+s3+$0x0], $0xffff  }
0x57: {  	v42 =	vld.idx.msk [tilespmem:v27+s3+$0x0], $0xffff  }
0x58: {  	s30 =	sadd.s32 $0x80, s30;
	v43 =	vld.idx.msk [tilespmem:v29+s3+$0x0], $0xffff  }
0x59: {  	s31 =	sand.u32 $0x7000, s29;
	s0 =	sand.u32 $0x380, s30;
	v44 =	vld.idx.msk [tilespmem:v23+s3+$0x0], $0xffff  }
0x5a: {  	s31 =	sor.u32 s0, s31;
	v45 =	vld.idx.msk [tilespmem:v24+s3+$0x0], $0xffff;
	[tilespmem:s28+$0xB070] =	vst v6  }
0x5b: {  	v46 =	vld [tilespmem:s31+$0x400];
	[tilespmem:s28+$0xA400] =	vst v30  }
0x5c: {  	v47 =	vld [tilespmem:s31+$0x410];
	[tilespmem:s28+$0xA410] =	vst v28  }
0x5d: {  	v48 =	vld [tilespmem:s31+$0x420];
	[tilespmem:s28+$0xA420] =	vst v25  }
0x5e: {  	v49 =	vld [tilespmem:s31+$0x430];
	[tilespmem:s28+$0xA430] =	vst v20  }
0x5f: {  	v50 =	vld [tilespmem:s31+$0x440];
	[tilespmem:s28+$0xA440] =	vst v17  }
0x60: {  	v51 =	vld [tilespmem:s31+$0x450];
	[tilespmem:s28+$0xA450] =	vst v15  }
0x61: {  	v52 =	vld [tilespmem:s31+$0x460];
	[tilespmem:s28+$0xA460] =	vst v13  }
0x62: {  	v53 =	vld [tilespmem:s31+$0x470];
	[tilespmem:s28+$0xA470] =	vst v11  }
0x63: {  	v54 =	vld [tilespmem:s31+$0x800];
	[tilespmem:s28+$0xA800] =	vst v9  }
0x64: {  	v55 =	vld [tilespmem:s31+$0x810];
	[tilespmem:s28+$0xA810] =	vst v7  }
0x65: {  	v56 =	vld [tilespmem:s31+$0x820];
	[tilespmem:s28+$0xA820] =	vst v5  }
0x66: {  	v57 =	vld [tilespmem:s31+$0x830];
	[tilespmem:s28+$0xA830] =	vst v4  }
0x67: {  	v58 =	vld [tilespmem:s31+$0x840];
	[tilespmem:s28+$0xA840] =	vst v3  }
0x68: {  	v59 =	vld [tilespmem:s31+$0x850];
	[tilespmem:s28+$0xA850] =	vst v2  }
0x69: {  	v60 =	vld [tilespmem:s31+$0x860];
	[tilespmem:s28+$0xA860] =	vst v1  }
0x6a: {  	v61 =	vld [tilespmem:s31+$0x870];
	[tilespmem:s28+$0xA870] =	vst v0  }
0x6b: {  	v6 =	vld [tilespmem:s31+$0xC00];
	[tilespmem:s28+$0xAC00] =	vst v32  }
0x6c: {  	v8 =	vld [tilespmem:s31+$0xC10];
	[tilespmem:s28+$0xAC10] =	vst v33  }
0x6d: {  	v10 =	vld [tilespmem:s31+$0xC20];
	[tilespmem:s28+$0xAC20] =	vst v34  }
0x6e: {  	v12 =	vld [tilespmem:s31+$0xC30];
	[tilespmem:s28+$0xAC30] =	vst v35  }
0x6f: {  	v14 =	vld [tilespmem:s31+$0xC40];
	[tilespmem:s28+$0xAC40] =	vst v36  }
0x70: {  	v16 =	vld [tilespmem:s31+$0xC50];
	[tilespmem:s28+$0xAC50] =	vst v37  }
0x71: {  	v18 =	vld [tilespmem:s31+$0xC60];
	[tilespmem:s28+$0xAC60] =	vst v38  }
0x72: {  	v21 =	vld [tilespmem:s31+$0xC70];
	[tilespmem:s28+$0xAC70] =	vst v39  }
0x73: {  	v26 =	vld [tilespmem:s31+$0x1000];
	[tilespmem:s28+$0xB000] =	vst v40  }
0x74: {  	v19 =	vld [tilespmem:s31+$0x1010];
	[tilespmem:s28+$0xB010] =	vst v31  }
0x75: {  	v22 =	vld [tilespmem:s31+$0x1020];
	[tilespmem:s28+$0xB020] =	vst v41  }
0x76: {  	v27 =	vld [tilespmem:s31+$0x1030];
	[tilespmem:s28+$0xB030] =	vst v42  }
0x77: {  	v29 =	vld [tilespmem:s31+$0x1040];
	[tilespmem:s28+$0xB040] =	vst v43  }
0x78: {  	v23 =	vld [tilespmem:s31+$0x1050];
	[tilespmem:s28+$0xB050] =	vst v44  }
0x79: {  	v24 =	vld [tilespmem:s31+$0x1060];
	[tilespmem:s28+$0xB060] =	vst v45;
	s28 =	smov.u32 s31  }
0x7a: {  	v31 =	vld [tilespmem:s28+$0x1070]  }
0x7b: {  	v30 =	vld.idx.msk [tilespmem:v46+s3+$0x0], $0xffff  }
0x7c: {  	v28 =	vld.idx.msk [tilespmem:v47+s3+$0x0], $0xffff  }
0x7d: {  	v25 =	vld.idx.msk [tilespmem:v48+s3+$0x0], $0xffff  }
0x7e: {  	v20 =	vld.idx.msk [tilespmem:v49+s3+$0x0], $0xffff  }
0x7f: {  	v17 =	vld.idx.msk [tilespmem:v50+s3+$0x0], $0xffff  }
0x80: {  	v15 =	vld.idx.msk [tilespmem:v51+s3+$0x0], $0xffff  }
0x81: {  	v13 =	vld.idx.msk [tilespmem:v52+s3+$0x0], $0xffff  }
0x82: {  	v11 =	vld.idx.msk [tilespmem:v53+s3+$0x0], $0xffff  }
0x83: {  	v9 =	vld.idx.msk [tilespmem:v54+s3+$0x0], $0xffff  }
0x84: {  	v7 =	vld.idx.msk [tilespmem:v55+s3+$0x0], $0xffff  }
0x85: {  	v5 =	vld.idx.msk [tilespmem:v56+s3+$0x0], $0xffff  }
.Ltmp0:
0x86: {  	v4 =	vld.idx.msk [tilespmem:v57+s3+$0x0], $0xffff;
	(pc) =	sbr.rel @p0 .LBB2_2-.Ltmp0, $4  }
0x87: {  	v3 =	vld.idx.msk [tilespmem:v58+s3+$0x0], $0xffff  }
0x88: {  	v2 =	vld.idx.msk [tilespmem:v59+s3+$0x0], $0xffff  }
0x89: {  	v1 =	vld.idx.msk [tilespmem:v60+s3+$0x0], $0xffff  }
0x8a: {  	s29 =	sadd.s32 $0x200, s29;
	v0 =	vld.idx.msk [tilespmem:v61+s3+$0x0], $0xffff  }
0x8b: {  	_ =	sdelay $0x3  }
0x8c: {  	v6 =	vld.idx.msk [tilespmem:v6+s3+$0x0], $0xffff  }
0x8d: {  	v8 =	vld.idx.msk [tilespmem:v8+s3+$0x0], $0xffff  }
0x8e: {  	v10 =	vld.idx.msk [tilespmem:v10+s3+$0x0], $0xffff  }
0x8f: {  	v12 =	vld.idx.msk [tilespmem:v12+s3+$0x0], $0xffff  }
0x90: {  	v14 =	vld.idx.msk [tilespmem:v14+s3+$0x0], $0xffff  }
0x91: {  	v16 =	vld.idx.msk [tilespmem:v16+s3+$0x0], $0xffff  }
0x92: {  	v18 =	vld.idx.msk [tilespmem:v18+s3+$0x0], $0xffff  }
0x93: {  	v21 =	vld.idx.msk [tilespmem:v21+s3+$0x0], $0xffff  }
0x94: {  	v26 =	vld.idx.msk [tilespmem:v26+s3+$0x0], $0xffff  }
0x95: {  	v31 =	vld.idx.msk [tilespmem:v31+s3+$0x0], $0xffff  }
0x96: {  	v19 =	vld.idx.msk [tilespmem:v19+s3+$0x0], $0xffff  }
0x97: {  	v22 =	vld.idx.msk [tilespmem:v22+s3+$0x0], $0xffff  }
0x98: {  	v27 =	vld.idx.msk [tilespmem:v27+s3+$0x0], $0xffff  }
0x99: {  	v29 =	vld.idx.msk [tilespmem:v29+s3+$0x0], $0xffff  }
0x9a: {  	v23 =	vld.idx.msk [tilespmem:v23+s3+$0x0], $0xffff  }
0x9b: {  	v24 =	vld.idx.msk [tilespmem:v24+s3+$0x0], $0xffff;
	[tilespmem:s28+$0xA400] =	vst v30  }
0x9c: {  	[tilespmem:s28+$0xA410] =	vst v28  }
0x9d: {  	[tilespmem:s28+$0xA420] =	vst v25  }
0x9e: {  	[tilespmem:s28+$0xA430] =	vst v20  }
0x9f: {  	[tilespmem:s28+$0xA440] =	vst v17  }
0xa0: {  	[tilespmem:s28+$0xA450] =	vst v15  }
0xa1: {  	[tilespmem:s28+$0xA460] =	vst v13  }
0xa2: {  	[tilespmem:s28+$0xA470] =	vst v11  }
0xa3: {  	[tilespmem:s28+$0xA800] =	vst v9  }
0xa4: {  	[tilespmem:s28+$0xA810] =	vst v7  }
0xa5: {  	[tilespmem:s28+$0xA820] =	vst v5  }
0xa6: {  	[tilespmem:s28+$0xA830] =	vst v4  }
0xa7: {  	[tilespmem:s28+$0xA840] =	vst v3  }
0xa8: {  	[tilespmem:s28+$0xA850] =	vst v2  }
0xa9: {  	[tilespmem:s28+$0xA860] =	vst v1  }
0xaa: {  	[tilespmem:s28+$0xA870] =	vst v0  }
0xab: {  	[tilespmem:s28+$0xB070] =	vst v31  }
0xac: {  	[tilespmem:s28+$0xAC00] =	vst v6  }
0xad: {  	[tilespmem:s28+$0xAC10] =	vst v8  }
0xae: {  	[tilespmem:s28+$0xAC20] =	vst v10  }
0xaf: {  	[tilespmem:s28+$0xAC30] =	vst v12  }
0xb0: {  	[tilespmem:s28+$0xAC40] =	vst v14  }
0xb1: {  	[tilespmem:s28+$0xAC50] =	vst v16  }
0xb2: {  	[tilespmem:s28+$0xAC60] =	vst v18  }
0xb3: {  	[tilespmem:s28+$0xAC70] =	vst v21  }
0xb4: {  	[tilespmem:s28+$0xB000] =	vst v26  }
0xb5: {  	[tilespmem:s28+$0xB010] =	vst v19  }
0xb6: {  	[tilespmem:s28+$0xB020] =	vst v22  }
0xb7: {  	[tilespmem:s28+$0xB030] =	vst v27  }
0xb8: {  	[tilespmem:s28+$0xB040] =	vst v29  }
0xb9: {  	[tilespmem:s28+$0xB050] =	vst v23  }
0xba: {  	[tilespmem:s28+$0xB060] =	vst v24  }
0xbb: {  	[hbm4b:s6+s16] =	stream.strided.scatter [tilespmem:s21], [sflag:$0x3], $0x5000, s17, s16, $0x38;
	[tilespmem:$0x14400] =	vst v63  }
0xbc: {  	_ = 	snop  }
0xbd: {  	[tilespmem:s18], [sflag:$0x1] =	stream.strided.gather [hbm4b:s7+s16], $0x5000, s17, s16, $0x38;
	[tilespmem:$0x14400] =	vst v63  }
0xbe: {  	s29 =	simm.s32 $0x0;
	_ =	swait.ge [sflag:s22], $0x5000  }
0xbf: {  	s0 =	sand.u32 $0x7000, s29;
	s28 =	sand.u32 $0x380, s29;
	[sflag:s22] =	ssyncset.done $0x0  }
0xc0: {  	s28 =	sor.u32 s28, s0;
	[sflag:s22] =	ssyncadd.s32 $0xFFFFB000  }
0xc1: {  	v0 =	vld [tilespmem:s28+$0x5400]  }
0xc2: {  	v1 =	vld [tilespmem:s28+$0x5410]  }
0xc3: {  	v2 =	vld [tilespmem:s28+$0x5420]  }
0xc4: {  	v3 =	vld [tilespmem:s28+$0x5430]  }
0xc5: {  	v4 =	vld [tilespmem:s28+$0x5440]  }
0xc6: {  	v5 =	vld [tilespmem:s28+$0x5450]  }
0xc7: {  	v7 =	vld [tilespmem:s28+$0x5460]  }
0xc8: {  	v9 =	vld [tilespmem:s28+$0x5470]  }
0xc9: {  	v32 =	vld [tilespmem:s28+$0x5800]  }
0xca: {  	v33 =	vld [tilespmem:s28+$0x5810]  }
0xcb: {  	v34 =	vld [tilespmem:s28+$0x5820]  }
0xcc: {  	v35 =	vld [tilespmem:s28+$0x5830]  }
0xcd: {  	v36 =	vld [tilespmem:s28+$0x5840]  }
0xce: {  	v37 =	vld [tilespmem:s28+$0x5850]  }
0xcf: {  	v38 =	vld [tilespmem:s28+$0x5860]  }
0xd0: {  	v39 =	vld [tilespmem:s28+$0x5870]  }
0xd1: {  	v6 =	vld [tilespmem:s28+$0x5C00]  }
0xd2: {  	v8 =	vld [tilespmem:s28+$0x5C10]  }
0xd3: {  	v10 =	vld [tilespmem:s28+$0x5C20]  }
0xd4: {  	v12 =	vld [tilespmem:s28+$0x5C30]  }
0xd5: {  	v14 =	vld [tilespmem:s28+$0x5C40]  }
0xd6: {  	v16 =	vld [tilespmem:s28+$0x5C50]  }
0xd7: {  	v18 =	vld [tilespmem:s28+$0x5C60]  }
0xd8: {  	v21 =	vld [tilespmem:s28+$0x5C70]  }
0xd9: {  	v26 =	vld [tilespmem:s28+$0x6000]  }
0xda: {  	v19 =	vld [tilespmem:s28+$0x6010]  }
0xdb: {  	v22 =	vld [tilespmem:s28+$0x6020]  }
0xdc: {  	v27 =	vld [tilespmem:s28+$0x6030]  }
0xdd: {  	v29 =	vld [tilespmem:s28+$0x6040]  }
0xde: {  	v23 =	vld [tilespmem:s28+$0x6050]  }
0xdf: {  	v24 =	vld [tilespmem:s28+$0x6060]  }
0xe0: {  	v31 =	vld [tilespmem:s28+$0x6070]  }
0xe1: {  	v30 =	vld.idx.msk [tilespmem:v0+s3+$0x0], $0xffff  }
0xe2: {  	v28 =	vld.idx.msk [tilespmem:v1+s3+$0x0], $0xffff  }
0xe3: {  	v25 =	vld.idx.msk [tilespmem:v2+s3+$0x0], $0xffff  }
0xe4: {  	v20 =	vld.idx.msk [tilespmem:v3+s3+$0x0], $0xffff  }
0xe5: {  	v17 =	vld.idx.msk [tilespmem:v4+s3+$0x0], $0xffff  }
0xe6: {  	v15 =	vld.idx.msk [tilespmem:v5+s3+$0x0], $0xffff  }
0xe7: {  	v13 =	vld.idx.msk [tilespmem:v7+s3+$0x0], $0xffff  }
0xe8: {  	v11 =	vld.idx.msk [tilespmem:v9+s3+$0x0], $0xffff  }
0xe9: {  	v9 =	vld.idx.msk [tilespmem:v32+s3+$0x0], $0xffff  }
0xea: {  	v7 =	vld.idx.msk [tilespmem:v33+s3+$0x0], $0xffff  }
0xeb: {  	v5 =	vld.idx.msk [tilespmem:v34+s3+$0x0], $0xffff  }
0xec: {  	v4 =	vld.idx.msk [tilespmem:v35+s3+$0x0], $0xffff  }
0xed: {  	v3 =	vld.idx.msk [tilespmem:v36+s3+$0x0], $0xffff  }
0xee: {  	v2 =	vld.idx.msk [tilespmem:v37+s3+$0x0], $0xffff  }
0xef: {  	v1 =	vld.idx.msk [tilespmem:v38+s3+$0x0], $0xffff  }
0xf0: {  	s30 =	simm.s32 $0x200;
	v0 =	vld.idx.msk [tilespmem:v39+s3+$0x0], $0xffff  }
.LBB2_4:
0xf1: {  	p0 =	sne.s32 s30, $0x4E00;
	v32 =	vld.idx.msk [tilespmem:v6+s3+$0x0], $0xffff  }
0xf2: {  	v33 =	vld.idx.msk [tilespmem:v8+s3+$0x0], $0xffff  }
0xf3: {  	v34 =	vld.idx.msk [tilespmem:v10+s3+$0x0], $0xffff  }
0xf4: {  	v35 =	vld.idx.msk [tilespmem:v12+s3+$0x0], $0xffff  }
0xf5: {  	v36 =	vld.idx.msk [tilespmem:v14+s3+$0x0], $0xffff  }
0xf6: {  	v37 =	vld.idx.msk [tilespmem:v16+s3+$0x0], $0xffff  }
0xf7: {  	v38 =	vld.idx.msk [tilespmem:v18+s3+$0x0], $0xffff  }
0xf8: {  	v39 =	vld.idx.msk [tilespmem:v21+s3+$0x0], $0xffff  }
0xf9: {  	v40 =	vld.idx.msk [tilespmem:v26+s3+$0x0], $0xffff  }
0xfa: {  	v6 =	vld.idx.msk [tilespmem:v31+s3+$0x0], $0xffff  }
0xfb: {  	v31 =	vld.idx.msk [tilespmem:v19+s3+$0x0], $0xffff  }
0xfc: {  	v41 =	vld.idx.msk [tilespmem:v22+s3+$0x0], $0xffff  }
0xfd: {  	v42 =	vld.idx.msk [tilespmem:v27+s3+$0x0], $0xffff  }
0xfe: {  	s29 =	sadd.s32 $0x80, s29;
	v43 =	vld.idx.msk [tilespmem:v29+s3+$0x0], $0xffff  }
0xff: {  	s0 =	sand.u32 $0x7000, s30;
	s31 =	sand.u32 $0x380, s29;
	v44 =	vld.idx.msk [tilespmem:v23+s3+$0x0], $0xffff  }
0x100: {  	s31 =	sor.u32 s31, s0;
	v45 =	vld.idx.msk [tilespmem:v24+s3+$0x0], $0xffff;
	[tilespmem:s28+$0x10070] =	vst v6  }
0x101: {  	v46 =	vld [tilespmem:s31+$0x5400];
	[tilespmem:s28+$0xF400] =	vst v30  }
0x102: {  	v47 =	vld [tilespmem:s31+$0x5410];
	[tilespmem:s28+$0xF410] =	vst v28  }
0x103: {  	v48 =	vld [tilespmem:s31+$0x5420];
	[tilespmem:s28+$0xF420] =	vst v25  }
0x104: {  	v49 =	vld [tilespmem:s31+$0x5430];
	[tilespmem:s28+$0xF430] =	vst v20  }
0x105: {  	v50 =	vld [tilespmem:s31+$0x5440];
	[tilespmem:s28+$0xF440] =	vst v17  }
0x106: {  	v51 =	vld [tilespmem:s31+$0x5450];
	[tilespmem:s28+$0xF450] =	vst v15  }
0x107: {  	v52 =	vld [tilespmem:s31+$0x5460];
	[tilespmem:s28+$0xF460] =	vst v13  }
0x108: {  	v53 =	vld [tilespmem:s31+$0x5470];
	[tilespmem:s28+$0xF470] =	vst v11  }
0x109: {  	v54 =	vld [tilespmem:s31+$0x5800];
	[tilespmem:s28+$0xF800] =	vst v9  }
0x10a: {  	v55 =	vld [tilespmem:s31+$0x5810];
	[tilespmem:s28+$0xF810] =	vst v7  }
0x10b: {  	v56 =	vld [tilespmem:s31+$0x5820];
	[tilespmem:s28+$0xF820] =	vst v5  }
0x10c: {  	v57 =	vld [tilespmem:s31+$0x5830];
	[tilespmem:s28+$0xF830] =	vst v4  }
0x10d: {  	v58 =	vld [tilespmem:s31+$0x5840];
	[tilespmem:s28+$0xF840] =	vst v3  }
0x10e: {  	v59 =	vld [tilespmem:s31+$0x5850];
	[tilespmem:s28+$0xF850] =	vst v2  }
0x10f: {  	v60 =	vld [tilespmem:s31+$0x5860];
	[tilespmem:s28+$0xF860] =	vst v1  }
0x110: {  	v61 =	vld [tilespmem:s31+$0x5870];
	[tilespmem:s28+$0xF870] =	vst v0  }
0x111: {  	v6 =	vld [tilespmem:s31+$0x5C00];
	[tilespmem:s28+$0xFC00] =	vst v32  }
0x112: {  	v8 =	vld [tilespmem:s31+$0x5C10];
	[tilespmem:s28+$0xFC10] =	vst v33  }
0x113: {  	v10 =	vld [tilespmem:s31+$0x5C20];
	[tilespmem:s28+$0xFC20] =	vst v34  }
0x114: {  	v12 =	vld [tilespmem:s31+$0x5C30];
	[tilespmem:s28+$0xFC30] =	vst v35  }
0x115: {  	v14 =	vld [tilespmem:s31+$0x5C40];
	[tilespmem:s28+$0xFC40] =	vst v36  }
0x116: {  	v16 =	vld [tilespmem:s31+$0x5C50];
	[tilespmem:s28+$0xFC50] =	vst v37  }
0x117: {  	v18 =	vld [tilespmem:s31+$0x5C60];
	[tilespmem:s28+$0xFC60] =	vst v38  }
0x118: {  	v21 =	vld [tilespmem:s31+$0x5C70];
	[tilespmem:s28+$0xFC70] =	vst v39  }
0x119: {  	v26 =	vld [tilespmem:s31+$0x6000];
	[tilespmem:s28+$0x10000] =	vst v40  }
0x11a: {  	v19 =	vld [tilespmem:s31+$0x6010];
	[tilespmem:s28+$0x10010] =	vst v31  }
0x11b: {  	v22 =	vld [tilespmem:s31+$0x6020];
	[tilespmem:s28+$0x10020] =	vst v41  }
0x11c: {  	v27 =	vld [tilespmem:s31+$0x6030];
	[tilespmem:s28+$0x10030] =	vst v42  }
0x11d: {  	v29 =	vld [tilespmem:s31+$0x6040];
	[tilespmem:s28+$0x10040] =	vst v43  }
0x11e: {  	v23 =	vld [tilespmem:s31+$0x6050];
	[tilespmem:s28+$0x10050] =	vst v44  }
0x11f: {  	v24 =	vld [tilespmem:s31+$0x6060];
	[tilespmem:s28+$0x10060] =	vst v45;
	s28 =	smov.u32 s31  }
0x120: {  	v31 =	vld [tilespmem:s28+$0x6070]  }
0x121: {  	v30 =	vld.idx.msk [tilespmem:v46+s3+$0x0], $0xffff  }
0x122: {  	v28 =	vld.idx.msk [tilespmem:v47+s3+$0x0], $0xffff  }
0x123: {  	v25 =	vld.idx.msk [tilespmem:v48+s3+$0x0], $0xffff  }
0x124: {  	v20 =	vld.idx.msk [tilespmem:v49+s3+$0x0], $0xffff  }
0x125: {  	v17 =	vld.idx.msk [tilespmem:v50+s3+$0x0], $0xffff  }
0x126: {  	v15 =	vld.idx.msk [tilespmem:v51+s3+$0x0], $0xffff  }
0x127: {  	v13 =	vld.idx.msk [tilespmem:v52+s3+$0x0], $0xffff  }
0x128: {  	v11 =	vld.idx.msk [tilespmem:v53+s3+$0x0], $0xffff  }
0x129: {  	v9 =	vld.idx.msk [tilespmem:v54+s3+$0x0], $0xffff  }
0x12a: {  	v7 =	vld.idx.msk [tilespmem:v55+s3+$0x0], $0xffff  }
0x12b: {  	v5 =	vld.idx.msk [tilespmem:v56+s3+$0x0], $0xffff  }
.Ltmp1:
0x12c: {  	v4 =	vld.idx.msk [tilespmem:v57+s3+$0x0], $0xffff;
	(pc) =	sbr.rel @p0 .LBB2_4-.Ltmp1, $4  }
0x12d: {  	v3 =	vld.idx.msk [tilespmem:v58+s3+$0x0], $0xffff  }
0x12e: {  	v2 =	vld.idx.msk [tilespmem:v59+s3+$0x0], $0xffff  }
0x12f: {  	v1 =	vld.idx.msk [tilespmem:v60+s3+$0x0], $0xffff  }
0x130: {  	s30 =	sadd.s32 $0x200, s30;
	v0 =	vld.idx.msk [tilespmem:v61+s3+$0x0], $0xffff  }
0x131: {  	_ =	sdelay $0x3  }
0x132: {  	v6 =	vld.idx.msk [tilespmem:v6+s3+$0x0], $0xffff  }
0x133: {  	v8 =	vld.idx.msk [tilespmem:v8+s3+$0x0], $0xffff  }
0x134: {  	v10 =	vld.idx.msk [tilespmem:v10+s3+$0x0], $0xffff  }
0x135: {  	v12 =	vld.idx.msk [tilespmem:v12+s3+$0x0], $0xffff  }
0x136: {  	v14 =	vld.idx.msk [tilespmem:v14+s3+$0x0], $0xffff  }
0x137: {  	v16 =	vld.idx.msk [tilespmem:v16+s3+$0x0], $0xffff  }
0x138: {  	v18 =	vld.idx.msk [tilespmem:v18+s3+$0x0], $0xffff  }
0x139: {  	v21 =	vld.idx.msk [tilespmem:v21+s3+$0x0], $0xffff  }
0x13a: {  	v26 =	vld.idx.msk [tilespmem:v26+s3+$0x0], $0xffff  }
0x13b: {  	v31 =	vld.idx.msk [tilespmem:v31+s3+$0x0], $0xffff  }
0x13c: {  	v19 =	vld.idx.msk [tilespmem:v19+s3+$0x0], $0xffff  }
0x13d: {  	v22 =	vld.idx.msk [tilespmem:v22+s3+$0x0], $0xffff  }
0x13e: {  	v27 =	vld.idx.msk [tilespmem:v27+s3+$0x0], $0xffff  }
0x13f: {  	v29 =	vld.idx.msk [tilespmem:v29+s3+$0x0], $0xffff  }
0x140: {  	v23 =	vld.idx.msk [tilespmem:v23+s3+$0x0], $0xffff  }
0x141: {  	v24 =	vld.idx.msk [tilespmem:v24+s3+$0x0], $0xffff;
	[tilespmem:s28+$0xF400] =	vst v30  }
0x142: {  	[tilespmem:s28+$0xF410] =	vst v28  }
0x143: {  	[tilespmem:s28+$0xF420] =	vst v25  }
0x144: {  	[tilespmem:s28+$0xF430] =	vst v20  }
0x145: {  	[tilespmem:s28+$0xF440] =	vst v17  }
0x146: {  	[tilespmem:s28+$0xF450] =	vst v15  }
0x147: {  	[tilespmem:s28+$0xF460] =	vst v13  }
0x148: {  	[tilespmem:s28+$0xF470] =	vst v11  }
0x149: {  	[tilespmem:s28+$0xF800] =	vst v9  }
0x14a: {  	[tilespmem:s28+$0xF810] =	vst v7  }
0x14b: {  	[tilespmem:s28+$0xF820] =	vst v5  }
0x14c: {  	[tilespmem:s28+$0xF830] =	vst v4  }
0x14d: {  	[tilespmem:s28+$0xF840] =	vst v3  }
0x14e: {  	[tilespmem:s28+$0xF850] =	vst v2  }
0x14f: {  	[tilespmem:s28+$0xF860] =	vst v1  }
0x150: {  	[tilespmem:s28+$0xF870] =	vst v0  }
0x151: {  	[tilespmem:s28+$0x10070] =	vst v31  }
0x152: {  	[tilespmem:s28+$0xFC00] =	vst v6  }
0x153: {  	[tilespmem:s28+$0xFC10] =	vst v8  }
0x154: {  	[tilespmem:s28+$0xFC20] =	vst v10  }
0x155: {  	[tilespmem:s28+$0xFC30] =	vst v12  }
0x156: {  	[tilespmem:s28+$0xFC40] =	vst v14  }
0x157: {  	[tilespmem:s28+$0xFC50] =	vst v16  }
0x158: {  	[tilespmem:s28+$0xFC60] =	vst v18  }
0x159: {  	[tilespmem:s28+$0xFC70] =	vst v21  }
0x15a: {  	[tilespmem:s28+$0x10000] =	vst v26  }
0x15b: {  	[tilespmem:s28+$0x10010] =	vst v19  }
0x15c: {  	[tilespmem:s28+$0x10020] =	vst v22  }
0x15d: {  	[tilespmem:s28+$0x10030] =	vst v27  }
0x15e: {  	[tilespmem:s28+$0x10040] =	vst v29  }
0x15f: {  	[tilespmem:s28+$0x10050] =	vst v23  }
0x160: {  	[tilespmem:s28+$0x10060] =	vst v24  }
0x161: {  	[hbm4b:s8+s16] =	stream.strided.scatter [tilespmem:s23], [sflag:$0x4], $0x5000, s17, s16, $0x38;
	[tilespmem:$0x14400] =	vst v63  }
0x162: {  	_ = 	snop  }
0x163: {  	[tilespmem:s19], [sflag:$0x2] =	stream.strided.gather [hbm4b:s9+s16], $0x5000, s17, s16, $0x38;
	[tilespmem:$0x14400] =	vst v63  }
0x164: {  	_ =	swait.ge [sflag:s20], $0x5000  }
0x165: {  	[sflag:s20] =	ssyncset.done $0x0  }
0x166: {  	[sflag:s20] =	ssyncadd.s32 $0xFFFFB000  }
0x167: {  	s29 =	simm.s32 $0x0;
	_ =	swait.ge [sflag:s24], $0x5000  }
0x168: {  	s0 =	sand.u32 $0x7000, s29;
	s28 =	sand.u32 $0x380, s29;
	[sflag:s24] =	ssyncset.done $0x0  }
0x169: {  	s28 =	sor.u32 s28, s0;
	[sflag:s24] =	ssyncadd.s32 $0xFFFFB000  }
0x16a: {  	v0 =	vld [tilespmem:s28+$0x400]  }
0x16b: {  	v1 =	vld [tilespmem:s28+$0x410]  }
0x16c: {  	v2 =	vld [tilespmem:s28+$0x420]  }
0x16d: {  	v3 =	vld [tilespmem:s28+$0x430]  }
0x16e: {  	v4 =	vld [tilespmem:s28+$0x440]  }
0x16f: {  	v5 =	vld [tilespmem:s28+$0x450]  }
0x170: {  	v7 =	vld [tilespmem:s28+$0x460]  }
0x171: {  	v9 =	vld [tilespmem:s28+$0x470]  }
0x172: {  	v32 =	vld [tilespmem:s28+$0x800]  }
0x173: {  	v33 =	vld [tilespmem:s28+$0x810]  }
0x174: {  	v34 =	vld [tilespmem:s28+$0x820]  }
0x175: {  	v35 =	vld [tilespmem:s28+$0x830]  }
0x176: {  	v36 =	vld [tilespmem:s28+$0x840]  }
0x177: {  	v37 =	vld [tilespmem:s28+$0x850]  }
0x178: {  	v38 =	vld [tilespmem:s28+$0x860]  }
0x179: {  	v39 =	vld [tilespmem:s28+$0x870]  }
0x17a: {  	v6 =	vld [tilespmem:s28+$0xC00]  }
0x17b: {  	v8 =	vld [tilespmem:s28+$0xC10]  }
0x17c: {  	v10 =	vld [tilespmem:s28+$0xC20]  }
0x17d: {  	v12 =	vld [tilespmem:s28+$0xC30]  }
0x17e: {  	v14 =	vld [tilespmem:s28+$0xC40]  }
0x17f: {  	v16 =	vld [tilespmem:s28+$0xC50]  }
0x180: {  	v18 =	vld [tilespmem:s28+$0xC60]  }
0x181: {  	v21 =	vld [tilespmem:s28+$0xC70]  }
0x182: {  	v26 =	vld [tilespmem:s28+$0x1000]  }
0x183: {  	v19 =	vld [tilespmem:s28+$0x1010]  }
0x184: {  	v22 =	vld [tilespmem:s28+$0x1020]  }
0x185: {  	v27 =	vld [tilespmem:s28+$0x1030]  }
0x186: {  	v29 =	vld [tilespmem:s28+$0x1040]  }
0x187: {  	v23 =	vld [tilespmem:s28+$0x1050]  }
0x188: {  	v24 =	vld [tilespmem:s28+$0x1060]  }
0x189: {  	v31 =	vld [tilespmem:s28+$0x1070]  }
0x18a: {  	v30 =	vld.idx.msk [tilespmem:v0+s3+$0x0], $0xffff  }
0x18b: {  	v28 =	vld.idx.msk [tilespmem:v1+s3+$0x0], $0xffff  }
0x18c: {  	v25 =	vld.idx.msk [tilespmem:v2+s3+$0x0], $0xffff  }
0x18d: {  	v20 =	vld.idx.msk [tilespmem:v3+s3+$0x0], $0xffff  }
0x18e: {  	v17 =	vld.idx.msk [tilespmem:v4+s3+$0x0], $0xffff  }
0x18f: {  	v15 =	vld.idx.msk [tilespmem:v5+s3+$0x0], $0xffff  }
0x190: {  	v13 =	vld.idx.msk [tilespmem:v7+s3+$0x0], $0xffff  }
0x191: {  	v11 =	vld.idx.msk [tilespmem:v9+s3+$0x0], $0xffff  }
0x192: {  	v9 =	vld.idx.msk [tilespmem:v32+s3+$0x0], $0xffff  }
0x193: {  	v7 =	vld.idx.msk [tilespmem:v33+s3+$0x0], $0xffff  }
0x194: {  	v5 =	vld.idx.msk [tilespmem:v34+s3+$0x0], $0xffff  }
0x195: {  	v4 =	vld.idx.msk [tilespmem:v35+s3+$0x0], $0xffff  }
0x196: {  	v3 =	vld.idx.msk [tilespmem:v36+s3+$0x0], $0xffff  }
0x197: {  	v2 =	vld.idx.msk [tilespmem:v37+s3+$0x0], $0xffff  }
0x198: {  	v1 =	vld.idx.msk [tilespmem:v38+s3+$0x0], $0xffff  }
0x199: {  	s30 =	simm.s32 $0x200;
	v0 =	vld.idx.msk [tilespmem:v39+s3+$0x0], $0xffff  }
.LBB2_6:
0x19a: {  	p0 =	sne.s32 s30, $0x4E00;
	v32 =	vld.idx.msk [tilespmem:v6+s3+$0x0], $0xffff  }
0x19b: {  	v33 =	vld.idx.msk [tilespmem:v8+s3+$0x0], $0xffff  }
0x19c: {  	v34 =	vld.idx.msk [tilespmem:v10+s3+$0x0], $0xffff  }
0x19d: {  	v35 =	vld.idx.msk [tilespmem:v12+s3+$0x0], $0xffff  }
0x19e: {  	v36 =	vld.idx.msk [tilespmem:v14+s3+$0x0], $0xffff  }
0x19f: {  	v37 =	vld.idx.msk [tilespmem:v16+s3+$0x0], $0xffff  }
0x1a0: {  	v38 =	vld.idx.msk [tilespmem:v18+s3+$0x0], $0xffff  }
0x1a1: {  	v39 =	vld.idx.msk [tilespmem:v21+s3+$0x0], $0xffff  }
0x1a2: {  	v40 =	vld.idx.msk [tilespmem:v26+s3+$0x0], $0xffff  }
0x1a3: {  	v6 =	vld.idx.msk [tilespmem:v31+s3+$0x0], $0xffff  }
0x1a4: {  	v31 =	vld.idx.msk [tilespmem:v19+s3+$0x0], $0xffff  }
0x1a5: {  	v41 =	vld.idx.msk [tilespmem:v22+s3+$0x0], $0xffff  }
0x1a6: {  	v42 =	vld.idx.msk [tilespmem:v27+s3+$0x0], $0xffff  }
0x1a7: {  	s29 =	sadd.s32 $0x80, s29;
	v43 =	vld.idx.msk [tilespmem:v29+s3+$0x0], $0xffff  }
0x1a8: {  	s0 =	sand.u32 $0x7000, s30;
	s31 =	sand.u32 $0x380, s29;
	v44 =	vld.idx.msk [tilespmem:v23+s3+$0x0], $0xffff  }
0x1a9: {  	s31 =	sor.u32 s31, s0;
	v45 =	vld.idx.msk [tilespmem:v24+s3+$0x0], $0xffff;
	[tilespmem:s28+$0xB070] =	vst v6  }
0x1aa: {  	v46 =	vld [tilespmem:s31+$0x400];
	[tilespmem:s28+$0xA400] =	vst v30  }
0x1ab: {  	v47 =	vld [tilespmem:s31+$0x410];
	[tilespmem:s28+$0xA410] =	vst v28  }
0x1ac: {  	v48 =	vld [tilespmem:s31+$0x420];
	[tilespmem:s28+$0xA420] =	vst v25  }
0x1ad: {  	v49 =	vld [tilespmem:s31+$0x430];
	[tilespmem:s28+$0xA430] =	vst v20  }
0x1ae: {  	v50 =	vld [tilespmem:s31+$0x440];
	[tilespmem:s28+$0xA440] =	vst v17  }
0x1af: {  	v51 =	vld [tilespmem:s31+$0x450];
	[tilespmem:s28+$0xA450] =	vst v15  }
0x1b0: {  	v52 =	vld [tilespmem:s31+$0x460];
	[tilespmem:s28+$0xA460] =	vst v13  }
0x1b1: {  	v53 =	vld [tilespmem:s31+$0x470];
	[tilespmem:s28+$0xA470] =	vst v11  }
0x1b2: {  	v54 =	vld [tilespmem:s31+$0x800];
	[tilespmem:s28+$0xA800] =	vst v9  }
0x1b3: {  	v55 =	vld [tilespmem:s31+$0x810];
	[tilespmem:s28+$0xA810] =	vst v7  }
0x1b4: {  	v56 =	vld [tilespmem:s31+$0x820];
	[tilespmem:s28+$0xA820] =	vst v5  }
0x1b5: {  	v57 =	vld [tilespmem:s31+$0x830];
	[tilespmem:s28+$0xA830] =	vst v4  }
0x1b6: {  	v58 =	vld [tilespmem:s31+$0x840];
	[tilespmem:s28+$0xA840] =	vst v3  }
0x1b7: {  	v59 =	vld [tilespmem:s31+$0x850];
	[tilespmem:s28+$0xA850] =	vst v2  }
0x1b8: {  	v60 =	vld [tilespmem:s31+$0x860];
	[tilespmem:s28+$0xA860] =	vst v1  }
0x1b9: {  	v61 =	vld [tilespmem:s31+$0x870];
	[tilespmem:s28+$0xA870] =	vst v0  }
0x1ba: {  	v6 =	vld [tilespmem:s31+$0xC00];
	[tilespmem:s28+$0xAC00] =	vst v32  }
0x1bb: {  	v8 =	vld [tilespmem:s31+$0xC10];
	[tilespmem:s28+$0xAC10] =	vst v33  }
0x1bc: {  	v10 =	vld [tilespmem:s31+$0xC20];
	[tilespmem:s28+$0xAC20] =	vst v34  }
0x1bd: {  	v12 =	vld [tilespmem:s31+$0xC30];
	[tilespmem:s28+$0xAC30] =	vst v35  }
0x1be: {  	v14 =	vld [tilespmem:s31+$0xC40];
	[tilespmem:s28+$0xAC40] =	vst v36  }
0x1bf: {  	v16 =	vld [tilespmem:s31+$0xC50];
	[tilespmem:s28+$0xAC50] =	vst v37  }
0x1c0: {  	v18 =	vld [tilespmem:s31+$0xC60];
	[tilespmem:s28+$0xAC60] =	vst v38  }
0x1c1: {  	v21 =	vld [tilespmem:s31+$0xC70];
	[tilespmem:s28+$0xAC70] =	vst v39  }
0x1c2: {  	v26 =	vld [tilespmem:s31+$0x1000];
	[tilespmem:s28+$0xB000] =	vst v40  }
0x1c3: {  	v19 =	vld [tilespmem:s31+$0x1010];
	[tilespmem:s28+$0xB010] =	vst v31  }
0x1c4: {  	v22 =	vld [tilespmem:s31+$0x1020];
	[tilespmem:s28+$0xB020] =	vst v41  }
0x1c5: {  	v27 =	vld [tilespmem:s31+$0x1030];
	[tilespmem:s28+$0xB030] =	vst v42  }
0x1c6: {  	v29 =	vld [tilespmem:s31+$0x1040];
	[tilespmem:s28+$0xB040] =	vst v43  }
0x1c7: {  	v23 =	vld [tilespmem:s31+$0x1050];
	[tilespmem:s28+$0xB050] =	vst v44  }
0x1c8: {  	v24 =	vld [tilespmem:s31+$0x1060];
	[tilespmem:s28+$0xB060] =	vst v45;
	s28 =	smov.u32 s31  }
0x1c9: {  	v31 =	vld [tilespmem:s28+$0x1070]  }
0x1ca: {  	v30 =	vld.idx.msk [tilespmem:v46+s3+$0x0], $0xffff  }
0x1cb: {  	v28 =	vld.idx.msk [tilespmem:v47+s3+$0x0], $0xffff  }
0x1cc: {  	v25 =	vld.idx.msk [tilespmem:v48+s3+$0x0], $0xffff  }
0x1cd: {  	v20 =	vld.idx.msk [tilespmem:v49+s3+$0x0], $0xffff  }
0x1ce: {  	v17 =	vld.idx.msk [tilespmem:v50+s3+$0x0], $0xffff  }
0x1cf: {  	v15 =	vld.idx.msk [tilespmem:v51+s3+$0x0], $0xffff  }
0x1d0: {  	v13 =	vld.idx.msk [tilespmem:v52+s3+$0x0], $0xffff  }
0x1d1: {  	v11 =	vld.idx.msk [tilespmem:v53+s3+$0x0], $0xffff  }
0x1d2: {  	v9 =	vld.idx.msk [tilespmem:v54+s3+$0x0], $0xffff  }
0x1d3: {  	v7 =	vld.idx.msk [tilespmem:v55+s3+$0x0], $0xffff  }
0x1d4: {  	v5 =	vld.idx.msk [tilespmem:v56+s3+$0x0], $0xffff  }
.Ltmp2:
0x1d5: {  	v4 =	vld.idx.msk [tilespmem:v57+s3+$0x0], $0xffff;
	(pc) =	sbr.rel @p0 .LBB2_6-.Ltmp2, $4  }
0x1d6: {  	v3 =	vld.idx.msk [tilespmem:v58+s3+$0x0], $0xffff  }
0x1d7: {  	v2 =	vld.idx.msk [tilespmem:v59+s3+$0x0], $0xffff  }
0x1d8: {  	v1 =	vld.idx.msk [tilespmem:v60+s3+$0x0], $0xffff  }
0x1d9: {  	s30 =	sadd.s32 $0x200, s30;
	v0 =	vld.idx.msk [tilespmem:v61+s3+$0x0], $0xffff  }
0x1da: {  	_ =	sdelay $0x3  }
0x1db: {  	v6 =	vld.idx.msk [tilespmem:v6+s3+$0x0], $0xffff  }
0x1dc: {  	v8 =	vld.idx.msk [tilespmem:v8+s3+$0x0], $0xffff  }
0x1dd: {  	v10 =	vld.idx.msk [tilespmem:v10+s3+$0x0], $0xffff  }
0x1de: {  	v12 =	vld.idx.msk [tilespmem:v12+s3+$0x0], $0xffff  }
0x1df: {  	v14 =	vld.idx.msk [tilespmem:v14+s3+$0x0], $0xffff  }
0x1e0: {  	v16 =	vld.idx.msk [tilespmem:v16+s3+$0x0], $0xffff  }
0x1e1: {  	v18 =	vld.idx.msk [tilespmem:v18+s3+$0x0], $0xffff  }
0x1e2: {  	v21 =	vld.idx.msk [tilespmem:v21+s3+$0x0], $0xffff  }
0x1e3: {  	v26 =	vld.idx.msk [tilespmem:v26+s3+$0x0], $0xffff  }
0x1e4: {  	v31 =	vld.idx.msk [tilespmem:v31+s3+$0x0], $0xffff  }
0x1e5: {  	v19 =	vld.idx.msk [tilespmem:v19+s3+$0x0], $0xffff  }
0x1e6: {  	v22 =	vld.idx.msk [tilespmem:v22+s3+$0x0], $0xffff  }
0x1e7: {  	v27 =	vld.idx.msk [tilespmem:v27+s3+$0x0], $0xffff  }
0x1e8: {  	v29 =	vld.idx.msk [tilespmem:v29+s3+$0x0], $0xffff  }
0x1e9: {  	v23 =	vld.idx.msk [tilespmem:v23+s3+$0x0], $0xffff  }
0x1ea: {  	v24 =	vld.idx.msk [tilespmem:v24+s3+$0x0], $0xffff;
	[tilespmem:s28+$0xA400] =	vst v30  }
0x1eb: {  	[tilespmem:s28+$0xA410] =	vst v28  }
0x1ec: {  	[tilespmem:s28+$0xA420] =	vst v25  }
0x1ed: {  	[tilespmem:s28+$0xA430] =	vst v20  }
0x1ee: {  	[tilespmem:s28+$0xA440] =	vst v17  }
0x1ef: {  	[tilespmem:s28+$0xA450] =	vst v15  }
0x1f0: {  	[tilespmem:s28+$0xA460] =	vst v13  }
0x1f1: {  	[tilespmem:s28+$0xA470] =	vst v11  }
0x1f2: {  	[tilespmem:s28+$0xA800] =	vst v9  }
0x1f3: {  	[tilespmem:s28+$0xA810] =	vst v7  }
0x1f4: {  	[tilespmem:s28+$0xA820] =	vst v5  }
0x1f5: {  	[tilespmem:s28+$0xA830] =	vst v4  }
0x1f6: {  	[tilespmem:s28+$0xA840] =	vst v3  }
0x1f7: {  	[tilespmem:s28+$0xA850] =	vst v2  }
0x1f8: {  	[tilespmem:s28+$0xA860] =	vst v1  }
0x1f9: {  	[tilespmem:s28+$0xA870] =	vst v0  }
0x1fa: {  	[tilespmem:s28+$0xB070] =	vst v31  }
0x1fb: {  	[tilespmem:s28+$0xAC00] =	vst v6  }
0x1fc: {  	[tilespmem:s28+$0xAC10] =	vst v8  }
0x1fd: {  	[tilespmem:s28+$0xAC20] =	vst v10  }
0x1fe: {  	[tilespmem:s28+$0xAC30] =	vst v12  }
0x1ff: {  	[tilespmem:s28+$0xAC40] =	vst v14  }
0x200: {  	[tilespmem:s28+$0xAC50] =	vst v16  }
0x201: {  	[tilespmem:s28+$0xAC60] =	vst v18  }
0x202: {  	[tilespmem:s28+$0xAC70] =	vst v21  }
0x203: {  	[tilespmem:s28+$0xB000] =	vst v26  }
0x204: {  	[tilespmem:s28+$0xB010] =	vst v19  }
0x205: {  	[tilespmem:s28+$0xB020] =	vst v22  }
0x206: {  	[tilespmem:s28+$0xB030] =	vst v27  }
0x207: {  	[tilespmem:s28+$0xB040] =	vst v29  }
0x208: {  	[tilespmem:s28+$0xB050] =	vst v23  }
0x209: {  	[tilespmem:s28+$0xB060] =	vst v24  }
0x20a: {  	[hbm4b:s10+s16] =	stream.strided.scatter [tilespmem:s21], [sflag:$0x3], $0x5000, s17, s16, $0x38;
	[tilespmem:$0x14400] =	vst v63  }
0x20b: {  	_ = 	snop  }
0x20c: {  	[tilespmem:s18], [sflag:$0x1] =	stream.strided.gather [hbm4b:s11+s16], $0x5000, s17, s16, $0x38;
	[tilespmem:$0x14400] =	vst v63  }
0x20d: {  	_ =	swait.ge [sflag:s22], $0x5000  }
0x20e: {  	[sflag:s22] =	ssyncset.done $0x0  }
0x20f: {  	[sflag:s22] =	ssyncadd.s32 $0xFFFFB000  }
0x210: {  	s29 =	simm.s32 $0x0;
	_ =	swait.ge [sflag:s25], $0x5000  }
0x211: {  	s0 =	sand.u32 $0x7000, s29;
	s28 =	sand.u32 $0x380, s29;
	[sflag:s25] =	ssyncset.done $0x0  }
0x212: {  	s28 =	sor.u32 s28, s0;
	[sflag:s25] =	ssyncadd.s32 $0xFFFFB000  }
0x213: {  	v0 =	vld [tilespmem:s28+$0x5400]  }
0x214: {  	v1 =	vld [tilespmem:s28+$0x5410]  }
0x215: {  	v2 =	vld [tilespmem:s28+$0x5420]  }
0x216: {  	v3 =	vld [tilespmem:s28+$0x5430]  }
0x217: {  	v4 =	vld [tilespmem:s28+$0x5440]  }
0x218: {  	v5 =	vld [tilespmem:s28+$0x5450]  }
0x219: {  	v7 =	vld [tilespmem:s28+$0x5460]  }
0x21a: {  	v9 =	vld [tilespmem:s28+$0x5470]  }
0x21b: {  	v32 =	vld [tilespmem:s28+$0x5800]  }
0x21c: {  	v33 =	vld [tilespmem:s28+$0x5810]  }
0x21d: {  	v34 =	vld [tilespmem:s28+$0x5820]  }
0x21e: {  	v35 =	vld [tilespmem:s28+$0x5830]  }
0x21f: {  	v36 =	vld [tilespmem:s28+$0x5840]  }
0x220: {  	v37 =	vld [tilespmem:s28+$0x5850]  }
0x221: {  	v38 =	vld [tilespmem:s28+$0x5860]  }
0x222: {  	v39 =	vld [tilespmem:s28+$0x5870]  }
0x223: {  	v6 =	vld [tilespmem:s28+$0x5C00]  }
0x224: {  	v8 =	vld [tilespmem:s28+$0x5C10]  }
0x225: {  	v10 =	vld [tilespmem:s28+$0x5C20]  }
0x226: {  	v12 =	vld [tilespmem:s28+$0x5C30]  }
0x227: {  	v14 =	vld [tilespmem:s28+$0x5C40]  }
0x228: {  	v16 =	vld [tilespmem:s28+$0x5C50]  }
0x229: {  	v18 =	vld [tilespmem:s28+$0x5C60]  }
0x22a: {  	v21 =	vld [tilespmem:s28+$0x5C70]  }
0x22b: {  	v26 =	vld [tilespmem:s28+$0x6000]  }
0x22c: {  	v19 =	vld [tilespmem:s28+$0x6010]  }
0x22d: {  	v22 =	vld [tilespmem:s28+$0x6020]  }
0x22e: {  	v27 =	vld [tilespmem:s28+$0x6030]  }
0x22f: {  	v29 =	vld [tilespmem:s28+$0x6040]  }
0x230: {  	v23 =	vld [tilespmem:s28+$0x6050]  }
0x231: {  	v24 =	vld [tilespmem:s28+$0x6060]  }
0x232: {  	v31 =	vld [tilespmem:s28+$0x6070]  }
0x233: {  	v30 =	vld.idx.msk [tilespmem:v0+s3+$0x0], $0xffff  }
0x234: {  	v28 =	vld.idx.msk [tilespmem:v1+s3+$0x0], $0xffff  }
0x235: {  	v25 =	vld.idx.msk [tilespmem:v2+s3+$0x0], $0xffff  }
0x236: {  	v20 =	vld.idx.msk [tilespmem:v3+s3+$0x0], $0xffff  }
0x237: {  	v17 =	vld.idx.msk [tilespmem:v4+s3+$0x0], $0xffff  }
0x238: {  	v15 =	vld.idx.msk [tilespmem:v5+s3+$0x0], $0xffff  }
0x239: {  	v13 =	vld.idx.msk [tilespmem:v7+s3+$0x0], $0xffff  }
0x23a: {  	v11 =	vld.idx.msk [tilespmem:v9+s3+$0x0], $0xffff  }
0x23b: {  	v9 =	vld.idx.msk [tilespmem:v32+s3+$0x0], $0xffff  }
0x23c: {  	v7 =	vld.idx.msk [tilespmem:v33+s3+$0x0], $0xffff  }
0x23d: {  	v5 =	vld.idx.msk [tilespmem:v34+s3+$0x0], $0xffff  }
0x23e: {  	v4 =	vld.idx.msk [tilespmem:v35+s3+$0x0], $0xffff  }
0x23f: {  	v3 =	vld.idx.msk [tilespmem:v36+s3+$0x0], $0xffff  }
0x240: {  	v2 =	vld.idx.msk [tilespmem:v37+s3+$0x0], $0xffff  }
0x241: {  	v1 =	vld.idx.msk [tilespmem:v38+s3+$0x0], $0xffff  }
0x242: {  	s30 =	simm.s32 $0x200;
	v0 =	vld.idx.msk [tilespmem:v39+s3+$0x0], $0xffff  }
.LBB2_8:
0x243: {  	p0 =	sne.s32 s30, $0x4E00;
	v32 =	vld.idx.msk [tilespmem:v6+s3+$0x0], $0xffff  }
0x244: {  	v33 =	vld.idx.msk [tilespmem:v8+s3+$0x0], $0xffff  }
0x245: {  	v34 =	vld.idx.msk [tilespmem:v10+s3+$0x0], $0xffff  }
0x246: {  	v35 =	vld.idx.msk [tilespmem:v12+s3+$0x0], $0xffff  }
0x247: {  	v36 =	vld.idx.msk [tilespmem:v14+s3+$0x0], $0xffff  }
0x248: {  	v37 =	vld.idx.msk [tilespmem:v16+s3+$0x0], $0xffff  }
0x249: {  	v38 =	vld.idx.msk [tilespmem:v18+s3+$0x0], $0xffff  }
0x24a: {  	v39 =	vld.idx.msk [tilespmem:v21+s3+$0x0], $0xffff  }
0x24b: {  	v40 =	vld.idx.msk [tilespmem:v26+s3+$0x0], $0xffff  }
0x24c: {  	v6 =	vld.idx.msk [tilespmem:v31+s3+$0x0], $0xffff  }
0x24d: {  	v31 =	vld.idx.msk [tilespmem:v19+s3+$0x0], $0xffff  }
0x24e: {  	v41 =	vld.idx.msk [tilespmem:v22+s3+$0x0], $0xffff  }
0x24f: {  	v42 =	vld.idx.msk [tilespmem:v27+s3+$0x0], $0xffff  }
0x250: {  	s29 =	sadd.s32 $0x80, s29;
	v43 =	vld.idx.msk [tilespmem:v29+s3+$0x0], $0xffff  }
0x251: {  	s0 =	sand.u32 $0x7000, s30;
	s31 =	sand.u32 $0x380, s29;
	v44 =	vld.idx.msk [tilespmem:v23+s3+$0x0], $0xffff  }
0x252: {  	s31 =	sor.u32 s31, s0;
	v45 =	vld.idx.msk [tilespmem:v24+s3+$0x0], $0xffff;
	[tilespmem:s28+$0x10070] =	vst v6  }
0x253: {  	v46 =	vld [tilespmem:s31+$0x5400];
	[tilespmem:s28+$0xF400] =	vst v30  }
0x254: {  	v47 =	vld [tilespmem:s31+$0x5410];
	[tilespmem:s28+$0xF410] =	vst v28  }
0x255: {  	v48 =	vld [tilespmem:s31+$0x5420];
	[tilespmem:s28+$0xF420] =	vst v25  }
0x256: {  	v49 =	vld [tilespmem:s31+$0x5430];
	[tilespmem:s28+$0xF430] =	vst v20  }
0x257: {  	v50 =	vld [tilespmem:s31+$0x5440];
	[tilespmem:s28+$0xF440] =	vst v17  }
0x258: {  	v51 =	vld [tilespmem:s31+$0x5450];
	[tilespmem:s28+$0xF450] =	vst v15  }
0x259: {  	v52 =	vld [tilespmem:s31+$0x5460];
	[tilespmem:s28+$0xF460] =	vst v13  }
0x25a: {  	v53 =	vld [tilespmem:s31+$0x5470];
	[tilespmem:s28+$0xF470] =	vst v11  }
0x25b: {  	v54 =	vld [tilespmem:s31+$0x5800];
	[tilespmem:s28+$0xF800] =	vst v9  }
0x25c: {  	v55 =	vld [tilespmem:s31+$0x5810];
	[tilespmem:s28+$0xF810] =	vst v7  }
0x25d: {  	v56 =	vld [tilespmem:s31+$0x5820];
	[tilespmem:s28+$0xF820] =	vst v5  }
0x25e: {  	v57 =	vld [tilespmem:s31+$0x5830];
	[tilespmem:s28+$0xF830] =	vst v4  }
0x25f: {  	v58 =	vld [tilespmem:s31+$0x5840];
	[tilespmem:s28+$0xF840] =	vst v3  }
0x260: {  	v59 =	vld [tilespmem:s31+$0x5850];
	[tilespmem:s28+$0xF850] =	vst v2  }
0x261: {  	v60 =	vld [tilespmem:s31+$0x5860];
	[tilespmem:s28+$0xF860] =	vst v1  }
0x262: {  	v61 =	vld [tilespmem:s31+$0x5870];
	[tilespmem:s28+$0xF870] =	vst v0  }
0x263: {  	v6 =	vld [tilespmem:s31+$0x5C00];
	[tilespmem:s28+$0xFC00] =	vst v32  }
0x264: {  	v8 =	vld [tilespmem:s31+$0x5C10];
	[tilespmem:s28+$0xFC10] =	vst v33  }
0x265: {  	v10 =	vld [tilespmem:s31+$0x5C20];
	[tilespmem:s28+$0xFC20] =	vst v34  }
0x266: {  	v12 =	vld [tilespmem:s31+$0x5C30];
	[tilespmem:s28+$0xFC30] =	vst v35  }
0x267: {  	v14 =	vld [tilespmem:s31+$0x5C40];
	[tilespmem:s28+$0xFC40] =	vst v36  }
0x268: {  	v16 =	vld [tilespmem:s31+$0x5C50];
	[tilespmem:s28+$0xFC50] =	vst v37  }
0x269: {  	v18 =	vld [tilespmem:s31+$0x5C60];
	[tilespmem:s28+$0xFC60] =	vst v38  }
0x26a: {  	v21 =	vld [tilespmem:s31+$0x5C70];
	[tilespmem:s28+$0xFC70] =	vst v39  }
0x26b: {  	v26 =	vld [tilespmem:s31+$0x6000];
	[tilespmem:s28+$0x10000] =	vst v40  }
0x26c: {  	v19 =	vld [tilespmem:s31+$0x6010];
	[tilespmem:s28+$0x10010] =	vst v31  }
0x26d: {  	v22 =	vld [tilespmem:s31+$0x6020];
	[tilespmem:s28+$0x10020] =	vst v41  }
0x26e: {  	v27 =	vld [tilespmem:s31+$0x6030];
	[tilespmem:s28+$0x10030] =	vst v42  }
0x26f: {  	v29 =	vld [tilespmem:s31+$0x6040];
	[tilespmem:s28+$0x10040] =	vst v43  }
0x270: {  	v23 =	vld [tilespmem:s31+$0x6050];
	[tilespmem:s28+$0x10050] =	vst v44  }
0x271: {  	v24 =	vld [tilespmem:s31+$0x6060];
	[tilespmem:s28+$0x10060] =	vst v45;
	s28 =	smov.u32 s31  }
0x272: {  	v31 =	vld [tilespmem:s28+$0x6070]  }
0x273: {  	v30 =	vld.idx.msk [tilespmem:v46+s3+$0x0], $0xffff  }
0x274: {  	v28 =	vld.idx.msk [tilespmem:v47+s3+$0x0], $0xffff  }
0x275: {  	v25 =	vld.idx.msk [tilespmem:v48+s3+$0x0], $0xffff  }
0x276: {  	v20 =	vld.idx.msk [tilespmem:v49+s3+$0x0], $0xffff  }
0x277: {  	v17 =	vld.idx.msk [tilespmem:v50+s3+$0x0], $0xffff  }
0x278: {  	v15 =	vld.idx.msk [tilespmem:v51+s3+$0x0], $0xffff  }
0x279: {  	v13 =	vld.idx.msk [tilespmem:v52+s3+$0x0], $0xffff  }
0x27a: {  	v11 =	vld.idx.msk [tilespmem:v53+s3+$0x0], $0xffff  }
0x27b: {  	v9 =	vld.idx.msk [tilespmem:v54+s3+$0x0], $0xffff  }
0x27c: {  	v7 =	vld.idx.msk [tilespmem:v55+s3+$0x0], $0xffff  }
0x27d: {  	v5 =	vld.idx.msk [tilespmem:v56+s3+$0x0], $0xffff  }
.Ltmp3:
0x27e: {  	v4 =	vld.idx.msk [tilespmem:v57+s3+$0x0], $0xffff;
	(pc) =	sbr.rel @p0 .LBB2_8-.Ltmp3, $4  }
0x27f: {  	v3 =	vld.idx.msk [tilespmem:v58+s3+$0x0], $0xffff  }
0x280: {  	v2 =	vld.idx.msk [tilespmem:v59+s3+$0x0], $0xffff  }
0x281: {  	v1 =	vld.idx.msk [tilespmem:v60+s3+$0x0], $0xffff  }
0x282: {  	s30 =	sadd.s32 $0x200, s30;
	v0 =	vld.idx.msk [tilespmem:v61+s3+$0x0], $0xffff  }
0x283: {  	_ =	sdelay $0x3  }
0x284: {  	v6 =	vld.idx.msk [tilespmem:v6+s3+$0x0], $0xffff  }
0x285: {  	v8 =	vld.idx.msk [tilespmem:v8+s3+$0x0], $0xffff  }
0x286: {  	v10 =	vld.idx.msk [tilespmem:v10+s3+$0x0], $0xffff  }
0x287: {  	v12 =	vld.idx.msk [tilespmem:v12+s3+$0x0], $0xffff  }
0x288: {  	v14 =	vld.idx.msk [tilespmem:v14+s3+$0x0], $0xffff  }
0x289: {  	v16 =	vld.idx.msk [tilespmem:v16+s3+$0x0], $0xffff  }
0x28a: {  	v18 =	vld.idx.msk [tilespmem:v18+s3+$0x0], $0xffff  }
0x28b: {  	v21 =	vld.idx.msk [tilespmem:v21+s3+$0x0], $0xffff  }
0x28c: {  	v26 =	vld.idx.msk [tilespmem:v26+s3+$0x0], $0xffff  }
0x28d: {  	v31 =	vld.idx.msk [tilespmem:v31+s3+$0x0], $0xffff  }
0x28e: {  	v19 =	vld.idx.msk [tilespmem:v19+s3+$0x0], $0xffff  }
0x28f: {  	v22 =	vld.idx.msk [tilespmem:v22+s3+$0x0], $0xffff  }
0x290: {  	v27 =	vld.idx.msk [tilespmem:v27+s3+$0x0], $0xffff  }
0x291: {  	v29 =	vld.idx.msk [tilespmem:v29+s3+$0x0], $0xffff  }
0x292: {  	v23 =	vld.idx.msk [tilespmem:v23+s3+$0x0], $0xffff  }
0x293: {  	v24 =	vld.idx.msk [tilespmem:v24+s3+$0x0], $0xffff;
	[tilespmem:s28+$0xF400] =	vst v30  }
0x294: {  	[tilespmem:s28+$0xF410] =	vst v28  }
0x295: {  	[tilespmem:s28+$0xF420] =	vst v25  }
0x296: {  	[tilespmem:s28+$0xF430] =	vst v20  }
0x297: {  	[tilespmem:s28+$0xF440] =	vst v17  }
0x298: {  	[tilespmem:s28+$0xF450] =	vst v15  }
0x299: {  	[tilespmem:s28+$0xF460] =	vst v13  }
0x29a: {  	[tilespmem:s28+$0xF470] =	vst v11  }
0x29b: {  	[tilespmem:s28+$0xF800] =	vst v9  }
0x29c: {  	[tilespmem:s28+$0xF810] =	vst v7  }
0x29d: {  	[tilespmem:s28+$0xF820] =	vst v5  }
0x29e: {  	[tilespmem:s28+$0xF830] =	vst v4  }
0x29f: {  	[tilespmem:s28+$0xF840] =	vst v3  }
0x2a0: {  	[tilespmem:s28+$0xF850] =	vst v2  }
0x2a1: {  	[tilespmem:s28+$0xF860] =	vst v1  }
0x2a2: {  	[tilespmem:s28+$0xF870] =	vst v0  }
0x2a3: {  	[tilespmem:s28+$0x10070] =	vst v31  }
0x2a4: {  	[tilespmem:s28+$0xFC00] =	vst v6  }
0x2a5: {  	[tilespmem:s28+$0xFC10] =	vst v8  }
0x2a6: {  	[tilespmem:s28+$0xFC20] =	vst v10  }
0x2a7: {  	[tilespmem:s28+$0xFC30] =	vst v12  }
0x2a8: {  	[tilespmem:s28+$0xFC40] =	vst v14  }
0x2a9: {  	[tilespmem:s28+$0xFC50] =	vst v16  }
0x2aa: {  	[tilespmem:s28+$0xFC60] =	vst v18  }
0x2ab: {  	[tilespmem:s28+$0xFC70] =	vst v21  }
0x2ac: {  	[tilespmem:s28+$0x10000] =	vst v26  }
0x2ad: {  	[tilespmem:s28+$0x10010] =	vst v19  }
0x2ae: {  	[tilespmem:s28+$0x10020] =	vst v22  }
0x2af: {  	[tilespmem:s28+$0x10030] =	vst v27  }
0x2b0: {  	[tilespmem:s28+$0x10040] =	vst v29  }
0x2b1: {  	[tilespmem:s28+$0x10050] =	vst v23  }
0x2b2: {  	[tilespmem:s28+$0x10060] =	vst v24  }
0x2b3: {  	[hbm4b:s12+s16] =	stream.strided.scatter [tilespmem:s23], [sflag:$0x4], $0x5000, s17, s16, $0x38;
	[tilespmem:$0x14400] =	vst v63  }
0x2b4: {  	_ =	swait.ge [sflag:s20], $0x5000  }
0x2b5: {  	[sflag:s20] =	ssyncset.done $0x0  }
0x2b6: {  	[sflag:s20] =	ssyncadd.s32 $0xFFFFB000  }
0x2b7: {  	s29 =	simm.s32 $0x0;
	_ =	swait.ge [sflag:s24], $0x5000  }
0x2b8: {  	s0 =	sand.u32 $0x7000, s29;
	s28 =	sand.u32 $0x380, s29;
	[sflag:s24] =	ssyncset.done $0x0  }
0x2b9: {  	s28 =	sor.u32 s28, s0;
	[sflag:s24] =	ssyncadd.s32 $0xFFFFB000  }
0x2ba: {  	v0 =	vld [tilespmem:s28+$0x400]  }
0x2bb: {  	v1 =	vld [tilespmem:s28+$0x410]  }
0x2bc: {  	v2 =	vld [tilespmem:s28+$0x420]  }
0x2bd: {  	v3 =	vld [tilespmem:s28+$0x430]  }
0x2be: {  	v4 =	vld [tilespmem:s28+$0x440]  }
0x2bf: {  	v5 =	vld [tilespmem:s28+$0x450]  }
0x2c0: {  	v7 =	vld [tilespmem:s28+$0x460]  }
0x2c1: {  	v9 =	vld [tilespmem:s28+$0x470]  }
0x2c2: {  	v32 =	vld [tilespmem:s28+$0x800]  }
0x2c3: {  	v33 =	vld [tilespmem:s28+$0x810]  }
0x2c4: {  	v34 =	vld [tilespmem:s28+$0x820]  }
0x2c5: {  	v35 =	vld [tilespmem:s28+$0x830]  }
0x2c6: {  	v36 =	vld [tilespmem:s28+$0x840]  }
0x2c7: {  	v37 =	vld [tilespmem:s28+$0x850]  }
0x2c8: {  	v38 =	vld [tilespmem:s28+$0x860]  }
0x2c9: {  	v39 =	vld [tilespmem:s28+$0x870]  }
0x2ca: {  	v6 =	vld [tilespmem:s28+$0xC00]  }
0x2cb: {  	v8 =	vld [tilespmem:s28+$0xC10]  }
0x2cc: {  	v10 =	vld [tilespmem:s28+$0xC20]  }
0x2cd: {  	v12 =	vld [tilespmem:s28+$0xC30]  }
0x2ce: {  	v14 =	vld [tilespmem:s28+$0xC40]  }
0x2cf: {  	v16 =	vld [tilespmem:s28+$0xC50]  }
0x2d0: {  	v18 =	vld [tilespmem:s28+$0xC60]  }
0x2d1: {  	v21 =	vld [tilespmem:s28+$0xC70]  }
0x2d2: {  	v26 =	vld [tilespmem:s28+$0x1000]  }
0x2d3: {  	v19 =	vld [tilespmem:s28+$0x1010]  }
0x2d4: {  	v22 =	vld [tilespmem:s28+$0x1020]  }
0x2d5: {  	v27 =	vld [tilespmem:s28+$0x1030]  }
0x2d6: {  	v29 =	vld [tilespmem:s28+$0x1040]  }
0x2d7: {  	v23 =	vld [tilespmem:s28+$0x1050]  }
0x2d8: {  	v24 =	vld [tilespmem:s28+$0x1060]  }
0x2d9: {  	v31 =	vld [tilespmem:s28+$0x1070]  }
0x2da: {  	v30 =	vld.idx.msk [tilespmem:v0+s3+$0x0], $0xffff  }
0x2db: {  	v28 =	vld.idx.msk [tilespmem:v1+s3+$0x0], $0xffff  }
0x2dc: {  	v25 =	vld.idx.msk [tilespmem:v2+s3+$0x0], $0xffff  }
0x2dd: {  	v20 =	vld.idx.msk [tilespmem:v3+s3+$0x0], $0xffff  }
0x2de: {  	v17 =	vld.idx.msk [tilespmem:v4+s3+$0x0], $0xffff  }
0x2df: {  	v15 =	vld.idx.msk [tilespmem:v5+s3+$0x0], $0xffff  }
0x2e0: {  	v13 =	vld.idx.msk [tilespmem:v7+s3+$0x0], $0xffff  }
0x2e1: {  	v11 =	vld.idx.msk [tilespmem:v9+s3+$0x0], $0xffff  }
0x2e2: {  	v9 =	vld.idx.msk [tilespmem:v32+s3+$0x0], $0xffff  }
0x2e3: {  	v7 =	vld.idx.msk [tilespmem:v33+s3+$0x0], $0xffff  }
0x2e4: {  	v5 =	vld.idx.msk [tilespmem:v34+s3+$0x0], $0xffff  }
0x2e5: {  	v4 =	vld.idx.msk [tilespmem:v35+s3+$0x0], $0xffff  }
0x2e6: {  	v3 =	vld.idx.msk [tilespmem:v36+s3+$0x0], $0xffff  }
0x2e7: {  	v2 =	vld.idx.msk [tilespmem:v37+s3+$0x0], $0xffff  }
0x2e8: {  	v1 =	vld.idx.msk [tilespmem:v38+s3+$0x0], $0xffff  }
0x2e9: {  	s30 =	simm.s32 $0x200;
	v0 =	vld.idx.msk [tilespmem:v39+s3+$0x0], $0xffff  }
.LBB2_10:
0x2ea: {  	p0 =	sne.s32 s30, $0x4E00;
	v32 =	vld.idx.msk [tilespmem:v6+s3+$0x0], $0xffff  }
0x2eb: {  	v33 =	vld.idx.msk [tilespmem:v8+s3+$0x0], $0xffff  }
0x2ec: {  	v34 =	vld.idx.msk [tilespmem:v10+s3+$0x0], $0xffff  }
0x2ed: {  	v35 =	vld.idx.msk [tilespmem:v12+s3+$0x0], $0xffff  }
0x2ee: {  	v36 =	vld.idx.msk [tilespmem:v14+s3+$0x0], $0xffff  }
0x2ef: {  	v37 =	vld.idx.msk [tilespmem:v16+s3+$0x0], $0xffff  }
0x2f0: {  	v38 =	vld.idx.msk [tilespmem:v18+s3+$0x0], $0xffff  }
0x2f1: {  	v39 =	vld.idx.msk [tilespmem:v21+s3+$0x0], $0xffff  }
0x2f2: {  	v40 =	vld.idx.msk [tilespmem:v26+s3+$0x0], $0xffff  }
0x2f3: {  	v6 =	vld.idx.msk [tilespmem:v31+s3+$0x0], $0xffff  }
0x2f4: {  	v31 =	vld.idx.msk [tilespmem:v19+s3+$0x0], $0xffff  }
0x2f5: {  	v41 =	vld.idx.msk [tilespmem:v22+s3+$0x0], $0xffff  }
0x2f6: {  	v42 =	vld.idx.msk [tilespmem:v27+s3+$0x0], $0xffff  }
0x2f7: {  	s29 =	sadd.s32 $0x80, s29;
	v43 =	vld.idx.msk [tilespmem:v29+s3+$0x0], $0xffff  }
0x2f8: {  	s0 =	sand.u32 $0x7000, s30;
	s31 =	sand.u32 $0x380, s29;
	v44 =	vld.idx.msk [tilespmem:v23+s3+$0x0], $0xffff  }
0x2f9: {  	s31 =	sor.u32 s31, s0;
	v45 =	vld.idx.msk [tilespmem:v24+s3+$0x0], $0xffff;
	[tilespmem:s28+$0xB070] =	vst v6  }
0x2fa: {  	v46 =	vld [tilespmem:s31+$0x400];
	[tilespmem:s28+$0xA400] =	vst v30  }
0x2fb: {  	v47 =	vld [tilespmem:s31+$0x410];
	[tilespmem:s28+$0xA410] =	vst v28  }
0x2fc: {  	v48 =	vld [tilespmem:s31+$0x420];
	[tilespmem:s28+$0xA420] =	vst v25  }
0x2fd: {  	v49 =	vld [tilespmem:s31+$0x430];
	[tilespmem:s28+$0xA430] =	vst v20  }
0x2fe: {  	v50 =	vld [tilespmem:s31+$0x440];
	[tilespmem:s28+$0xA440] =	vst v17  }
0x2ff: {  	v51 =	vld [tilespmem:s31+$0x450];
	[tilespmem:s28+$0xA450] =	vst v15  }
0x300: {  	v52 =	vld [tilespmem:s31+$0x460];
	[tilespmem:s28+$0xA460] =	vst v13  }
0x301: {  	v53 =	vld [tilespmem:s31+$0x470];
	[tilespmem:s28+$0xA470] =	vst v11  }
0x302: {  	v54 =	vld [tilespmem:s31+$0x800];
	[tilespmem:s28+$0xA800] =	vst v9  }
0x303: {  	v55 =	vld [tilespmem:s31+$0x810];
	[tilespmem:s28+$0xA810] =	vst v7  }
0x304: {  	v56 =	vld [tilespmem:s31+$0x820];
	[tilespmem:s28+$0xA820] =	vst v5  }
0x305: {  	v57 =	vld [tilespmem:s31+$0x830];
	[tilespmem:s28+$0xA830] =	vst v4  }
0x306: {  	v58 =	vld [tilespmem:s31+$0x840];
	[tilespmem:s28+$0xA840] =	vst v3  }
0x307: {  	v59 =	vld [tilespmem:s31+$0x850];
	[tilespmem:s28+$0xA850] =	vst v2  }
0x308: {  	v60 =	vld [tilespmem:s31+$0x860];
	[tilespmem:s28+$0xA860] =	vst v1  }
0x309: {  	v61 =	vld [tilespmem:s31+$0x870];
	[tilespmem:s28+$0xA870] =	vst v0  }
0x30a: {  	v6 =	vld [tilespmem:s31+$0xC00];
	[tilespmem:s28+$0xAC00] =	vst v32  }
0x30b: {  	v8 =	vld [tilespmem:s31+$0xC10];
	[tilespmem:s28+$0xAC10] =	vst v33  }
0x30c: {  	v10 =	vld [tilespmem:s31+$0xC20];
	[tilespmem:s28+$0xAC20] =	vst v34  }
0x30d: {  	v12 =	vld [tilespmem:s31+$0xC30];
	[tilespmem:s28+$0xAC30] =	vst v35  }
0x30e: {  	v14 =	vld [tilespmem:s31+$0xC40];
	[tilespmem:s28+$0xAC40] =	vst v36  }
0x30f: {  	v16 =	vld [tilespmem:s31+$0xC50];
	[tilespmem:s28+$0xAC50] =	vst v37  }
0x310: {  	v18 =	vld [tilespmem:s31+$0xC60];
	[tilespmem:s28+$0xAC60] =	vst v38  }
0x311: {  	v21 =	vld [tilespmem:s31+$0xC70];
	[tilespmem:s28+$0xAC70] =	vst v39  }
0x312: {  	v26 =	vld [tilespmem:s31+$0x1000];
	[tilespmem:s28+$0xB000] =	vst v40  }
0x313: {  	v19 =	vld [tilespmem:s31+$0x1010];
	[tilespmem:s28+$0xB010] =	vst v31  }
0x314: {  	v22 =	vld [tilespmem:s31+$0x1020];
	[tilespmem:s28+$0xB020] =	vst v41  }
0x315: {  	v27 =	vld [tilespmem:s31+$0x1030];
	[tilespmem:s28+$0xB030] =	vst v42  }
0x316: {  	v29 =	vld [tilespmem:s31+$0x1040];
	[tilespmem:s28+$0xB040] =	vst v43  }
0x317: {  	v23 =	vld [tilespmem:s31+$0x1050];
	[tilespmem:s28+$0xB050] =	vst v44  }
0x318: {  	v24 =	vld [tilespmem:s31+$0x1060];
	[tilespmem:s28+$0xB060] =	vst v45;
	s28 =	smov.u32 s31  }
0x319: {  	v31 =	vld [tilespmem:s28+$0x1070]  }
0x31a: {  	v30 =	vld.idx.msk [tilespmem:v46+s3+$0x0], $0xffff  }
0x31b: {  	v28 =	vld.idx.msk [tilespmem:v47+s3+$0x0], $0xffff  }
0x31c: {  	v25 =	vld.idx.msk [tilespmem:v48+s3+$0x0], $0xffff  }
0x31d: {  	v20 =	vld.idx.msk [tilespmem:v49+s3+$0x0], $0xffff  }
0x31e: {  	v17 =	vld.idx.msk [tilespmem:v50+s3+$0x0], $0xffff  }
0x31f: {  	v15 =	vld.idx.msk [tilespmem:v51+s3+$0x0], $0xffff  }
0x320: {  	v13 =	vld.idx.msk [tilespmem:v52+s3+$0x0], $0xffff  }
0x321: {  	v11 =	vld.idx.msk [tilespmem:v53+s3+$0x0], $0xffff  }
0x322: {  	v9 =	vld.idx.msk [tilespmem:v54+s3+$0x0], $0xffff  }
0x323: {  	v7 =	vld.idx.msk [tilespmem:v55+s3+$0x0], $0xffff  }
0x324: {  	v5 =	vld.idx.msk [tilespmem:v56+s3+$0x0], $0xffff  }
.Ltmp4:
0x325: {  	v4 =	vld.idx.msk [tilespmem:v57+s3+$0x0], $0xffff;
	(pc) =	sbr.rel @p0 .LBB2_10-.Ltmp4, $4  }
0x326: {  	v3 =	vld.idx.msk [tilespmem:v58+s3+$0x0], $0xffff  }
0x327: {  	v2 =	vld.idx.msk [tilespmem:v59+s3+$0x0], $0xffff  }
0x328: {  	v1 =	vld.idx.msk [tilespmem:v60+s3+$0x0], $0xffff  }
0x329: {  	s30 =	sadd.s32 $0x200, s30;
	v0 =	vld.idx.msk [tilespmem:v61+s3+$0x0], $0xffff  }
0x32a: {  	_ =	sdelay $0x3  }
0x32b: {  	v6 =	vld.idx.msk [tilespmem:v6+s3+$0x0], $0xffff  }
0x32c: {  	v8 =	vld.idx.msk [tilespmem:v8+s3+$0x0], $0xffff  }
0x32d: {  	v10 =	vld.idx.msk [tilespmem:v10+s3+$0x0], $0xffff  }
0x32e: {  	v12 =	vld.idx.msk [tilespmem:v12+s3+$0x0], $0xffff  }
0x32f: {  	v14 =	vld.idx.msk [tilespmem:v14+s3+$0x0], $0xffff  }
0x330: {  	v16 =	vld.idx.msk [tilespmem:v16+s3+$0x0], $0xffff  }
0x331: {  	v18 =	vld.idx.msk [tilespmem:v18+s3+$0x0], $0xffff  }
0x332: {  	v21 =	vld.idx.msk [tilespmem:v21+s3+$0x0], $0xffff  }
0x333: {  	v26 =	vld.idx.msk [tilespmem:v26+s3+$0x0], $0xffff  }
0x334: {  	v31 =	vld.idx.msk [tilespmem:v31+s3+$0x0], $0xffff  }
0x335: {  	v19 =	vld.idx.msk [tilespmem:v19+s3+$0x0], $0xffff  }
0x336: {  	v22 =	vld.idx.msk [tilespmem:v22+s3+$0x0], $0xffff  }
0x337: {  	v27 =	vld.idx.msk [tilespmem:v27+s3+$0x0], $0xffff  }
0x338: {  	v29 =	vld.idx.msk [tilespmem:v29+s3+$0x0], $0xffff  }
0x339: {  	v23 =	vld.idx.msk [tilespmem:v23+s3+$0x0], $0xffff  }
0x33a: {  	v24 =	vld.idx.msk [tilespmem:v24+s3+$0x0], $0xffff;
	[tilespmem:s28+$0xA400] =	vst v30  }
0x33b: {  	[tilespmem:s28+$0xA410] =	vst v28  }
0x33c: {  	[tilespmem:s28+$0xA420] =	vst v25  }
0x33d: {  	[tilespmem:s28+$0xA430] =	vst v20  }
0x33e: {  	[tilespmem:s28+$0xA440] =	vst v17  }
0x33f: {  	[tilespmem:s28+$0xA450] =	vst v15  }
0x340: {  	[tilespmem:s28+$0xA460] =	vst v13  }
0x341: {  	[tilespmem:s28+$0xA470] =	vst v11  }
0x342: {  	[tilespmem:s28+$0xA800] =	vst v9  }
0x343: {  	[tilespmem:s28+$0xA810] =	vst v7  }
0x344: {  	[tilespmem:s28+$0xA820] =	vst v5  }
0x345: {  	[tilespmem:s28+$0xA830] =	vst v4  }
0x346: {  	[tilespmem:s28+$0xA840] =	vst v3  }
0x347: {  	[tilespmem:s28+$0xA850] =	vst v2  }
0x348: {  	[tilespmem:s28+$0xA860] =	vst v1  }
0x349: {  	[tilespmem:s28+$0xA870] =	vst v0  }
0x34a: {  	[tilespmem:s28+$0xB070] =	vst v31  }
0x34b: {  	[tilespmem:s28+$0xAC00] =	vst v6  }
0x34c: {  	[tilespmem:s28+$0xAC10] =	vst v8  }
0x34d: {  	[tilespmem:s28+$0xAC20] =	vst v10  }
0x34e: {  	[tilespmem:s28+$0xAC30] =	vst v12  }
0x34f: {  	[tilespmem:s28+$0xAC40] =	vst v14  }
0x350: {  	[tilespmem:s28+$0xAC50] =	vst v16  }
0x351: {  	[tilespmem:s28+$0xAC60] =	vst v18  }
0x352: {  	[tilespmem:s28+$0xAC70] =	vst v21  }
0x353: {  	[tilespmem:s28+$0xB000] =	vst v26  }
0x354: {  	[tilespmem:s28+$0xB010] =	vst v19  }
0x355: {  	[tilespmem:s28+$0xB020] =	vst v22  }
0x356: {  	[tilespmem:s28+$0xB030] =	vst v27  }
0x357: {  	[tilespmem:s28+$0xB040] =	vst v29  }
0x358: {  	[tilespmem:s28+$0xB050] =	vst v23  }
0x359: {  	s26 =	sadd.s32 $0x1, s26;
	[tilespmem:s28+$0xB060] =	vst v24  }
0x35a: {  	[hbm4b:s13+s16] =	stream.strided.scatter [tilespmem:s21], [sflag:$0x3], $0x5000, s17, s16, $0x38;
	[tilespmem:$0x14400] =	vst v63  }
0x35b: {  	p0 =	sne.s32 s26, s14;
	_ =	swait.ge [sflag:s25], $0x5000  }
.Ltmp5:
0x35c: {  	[sflag:s25] =	ssyncset.done $0x0;
	(pc) =	sbr.rel @p0 .LBB2_1-.Ltmp5, $4  }
0x35d: {  	[sflag:s25] =	ssyncadd.s32 $0xFFFFB000  }
0x35e: {  	_ =	swait.ge [sflag:s24], $0x5000  }
0x35f: {  	[sflag:s24] =	ssyncset.done $0x0  }
0x360: {  	[sflag:s24] =	ssyncadd.s32 $0xFFFFB000  }
0x361: {  	_ =	sfence.sel $0x180000  }
0x362: {  	[bflag:$0x0] =	sbarrier.arrive $0xFFFF  }
0x363: {  	_ =	strace $0x90000047  }
0x364: {  	[bflag:$0x2] =	sbarrier.arrive $0xFFFF  }
0x365: {  	p0 =	sne.s32 s2, $0x0;
	s0 =	rddreg [dreg:$0x3]  }
0x366: {  	s0 =	sadd.s32 @!p0 $0x100000, s0  }
0x367: {  	[sflag:s0] =	ssyncadd.tile.s32 @!p0 $0x1;
	_ =	shalt  }
.Lfunc_end2:
_tile_overlayer_lowered:
.L_overlay_start_2:
0x368: {  	(tag) =	ssettag $0x2  }
0x369: {  	s0 =	rddreg [dreg:$0x0];
	s2 =	stileid.u32  }
0x36a: {  	s1 =	rddreg [dreg:$0x1];
	p0 =	sne.s32 s2, $0x0  }
0x36b: {  	s3 =	rddreg [dreg:$0x2];
	[bflag:$0x3] =	sbarrier.arrive $0xFFFF;
	s2 =	simm.s32 @!p0 $0x1C05  }
0x36c: {  	[timem:s3], [sflag:s2] =	dma.local @!p0 [hbm:s0], s1  }
0x36d: {  	s0 =	simm.s32 @!p0 $0x5  }
0x36e: {  	_ =	swait.ge @!p0 [sflag:s0], s1  }
0x36f: {  	s1 =	ssub.s32 @!p0 $0x0, s1;
	[sflag:s0] =	ssyncset.done @!p0 $0x0  }
0x370: {  	[sflag:s0] =	ssyncadd.s32 @!p0 s1  }
0x371: {  	[bflag:$0x3] =	sbarrier.arrive $0xFFFF  }
0x372: {  	_ =	shalt  }

</sc_bundles>
